<compile_context>
chip_gen: v7x
topology: tpu7x:2x2x1
jax: 0.10.2.dev20260603
libtpu: 0.0.44.dev20260713+nightly
codegen_flags: <defaults>
</compile_context>

<pallas_src>
import functools

import jax
import jax.numpy as jnp
from jax import lax
from jax.experimental import pallas as pl
from jax.experimental.pallas import tpu as pltpu
from jax.experimental.pallas import tpu_sc as plsc

_NC, _NS = 2, 16
_NW = _NC * _NS


def _gather_rows(table, idx5, b, f, d):
    nbr = 16
    bpw = b // nbr
    nf2 = f // 2
    mesh = plsc.VectorSubcoreMesh(core_axis_name="c", subcore_axis_name="s")

    @functools.partial(
        pl.kernel,
        out_type=jax.ShapeDtypeStruct((f, 4, b // 128, 8, 128), jnp.float32),
        mesh=mesh,
        scratch_types=[
            [pltpu.VMEM((bpw,), jnp.int32) for _ in range(2)],
            [pltpu.VMEM((bpw, d), jnp.float32) for _ in range(2)],
            [pltpu.VMEM((bpw // 128, 8, 128), jnp.float32) for _ in range(2)],
            [pltpu.SemaphoreType.DMA for _ in range(2)],
            [pltpu.SemaphoreType.DMA for _ in range(2)],
        ],
        compiler_params=pltpu.CompilerParams(
            use_tc_tiling_on_sc=False, needs_layout_passes=False
        ),
    )
    def gk(tab_hbm, idx_hbm, out_hbm, idxs, rows, tiles, gsems, tsems):
        wid = lax.axis_index("s") * _NC + lax.axis_index("c")
        fh = wid % 2
        br = wid // 2
        b0 = br * bpw
        iota = lax.iota(jnp.int32, 16)
        iob = [iota + k * 16 for k in range(8)]

        def out_slice(fg, db):
            return out_hbm.at[fg, db, pl.ds(br * (bpw // 128), bpw // 128)]

        def fire(fi, p):
            pltpu.sync_copy(idx_hbm.at[fh * nf2 + fi, pl.ds(b0, bpw)], idxs[p])
            pltpu.async_copy(tab_hbm.at[idxs[p]], rows[p], gsems[p])

        def chunk(fi, p):
            pltpu.make_async_copy(tab_hbm.at[idxs[p]], rows[p], gsems[p]).wait()
            fg = fh * nf2 + fi
            for db in range(4):
                tp = db % 2
                if db >= 2:
                    pltpu.make_async_copy(
                        tiles[tp], out_slice(fg, db), tsems[tp]
                    ).wait()
                else:

                    @pl.when(fi > 0)
                    def _():
                        pltpu.make_async_copy(
                            tiles[tp], out_slice(fg, db), tsems[tp]
                        ).wait()

                tile_ref = tiles[tp]
                rows_ref = rows[p]
                db_base = db * 8

                def jbody(jj, carry):
                    jbl = jj >> 3
                    din = jj & 7
                    idx_c = jnp.full((16,), db_base + din, jnp.int32)
                    rbase = jbl * 128
                    vals = [
                        plsc.load_gather(rows_ref, [iob[b16] + rbase, idx_c])
                        for b16 in range(8)
                    ]
                    for b16 in range(8):
                        tile_ref[jbl, din, pl.ds(b16 * 16, 16)] = vals[b16]
                    return carry

                lax.fori_loop(0, (bpw // 128) * 8, jbody, 0)
                pltpu.async_copy(tiles[tp], out_slice(fg, db), tsems[tp])

        fire(0, 0)
        fire(1, 1)

        def fgroup(g, carry):
            for p in range(2):
                fi = g * 2 + p
                chunk(fi, p)

                @pl.when(fi + 2 < nf2)
                def _():
                    fire(fi + 2, p)

            return carry

        lax.fori_loop(0, (nf2 - 1) // 2, fgroup, 0)
        chunk(nf2 - 1, (nf2 - 1) % 2)
        fg_last = fh * nf2 + (nf2 - 1)
        for tp in range(2):
            pltpu.make_async_copy(
                tiles[tp], out_slice(fg_last, 2 + tp), tsems[tp]
            ).wait()

    return gk(table, idx5)


def kernel(indices, embedding):
    b, f = indices.shape
    v, s, d = embedding.shape
    sd = s * d
    padded = jnp.concatenate(
        [embedding.reshape(v, sd), jnp.zeros((v, 128 - sd), jnp.float32)], axis=1
    )
    table = padded.reshape(v * (128 // sd), sd)
    idx5 = jnp.transpose(indices.astype(jnp.int32), (1, 0)) * (128 // sd)
    x = _gather_rows(table, idx5, b, f, sd)
    out = x.transpose(2, 4, 0, 1, 3).reshape(b, f, s, d)
    return out

# --- scband reference (transcript-rebuilt; emitter-appended) ---
"""Pipeline reference for scband-embedding-wrap-68590627717271 (READ-ONLY COPY).

The authoritative reference and input builder live on the scoring server;
editing this copy changes nothing except your own understanding.
"""

import jax, jax.numpy as jnp
import numpy as np

VOCAB = 1000000
SCALE = 1
EMBED_DIM = 32
BATCH = 16384
N_FIELDS = 26


def setup_inputs(seed: int = 0) -> dict:
    key = jax.random.key(seed)
    k1, k2 = jax.random.split(key)
    indices = jax.random.randint(k1, (BATCH, N_FIELDS), 0, VOCAB, dtype=jnp.int64 if jax.config.jax_enable_x64 else jnp.int32)
    # learned parameter: the wrapped embedding table, repeated (1, scale, 1) with scale=1
    # original: torch.nn.Parameter(embedding.clone().detach().repeat(1, self.scale, 1)) -> shape [VOCAB, SCALE, EMBED_DIM]
    embedding = jax.random.normal(k2, (VOCAB, SCALE, EMBED_DIM), dtype=jnp.float32) * 0.02
    return {"indices": indices, "embedding": embedding}


def reference(indices, embedding):
    # EmbeddingWrap.forward delegates to the embedding; semantically this is a row
    # lookup into the learned table parameter (gather along axis 0).
    # out: [BATCH, N_FIELDS, SCALE, EMBED_DIM]
    out = jnp.take(embedding, indices, axis=0)
    return out

if __name__ == "__main__":
    import jax
    _d = setup_inputs()
    print(jax.jit(kernel)(*tuple(_d.values())))

</pallas_src>

<mosaic_0001>
#map = affine_map<(d0, d1) -> (0, 0)>
#map1 = affine_map<(d0, d1) -> (0, 0, 0, 0, 0)>
module attributes {stable_mosaic.version = 14 : i64} {
  func.func @gk(%arg0: i32, %arg1: i32, %arg2: memref<4000000x32xf32, #tpu.memory_space<hbm>>, %arg3: memref<26x16384xi32, #tpu.memory_space<hbm>>, %arg4: memref<26x4x128x8x128xf32, #tpu.memory_space<hbm>>, %arg5: memref<1024xi32, #tpu.memory_space<vmem>>, %arg6: memref<1024xi32, #tpu.memory_space<vmem>>, %arg7: memref<1024x32xf32, #tpu.memory_space<vmem>>, %arg8: memref<1024x32xf32, #tpu.memory_space<vmem>>, %arg9: memref<8x8x128xf32, #tpu.memory_space<vmem>>, %arg10: memref<8x8x128xf32, #tpu.memory_space<vmem>>, %arg11: memref<!tpu.dma_semaphore, #tpu.memory_space<semaphore_mem>>, %arg12: memref<!tpu.dma_semaphore, #tpu.memory_space<semaphore_mem>>, %arg13: memref<!tpu.dma_semaphore, #tpu.memory_space<semaphore_mem>>, %arg14: memref<!tpu.dma_semaphore, #tpu.memory_space<semaphore_mem>>) attributes {dimension_semantics = [#tpu.dimension_semantics<core_parallel>, #tpu.dimension_semantics<subcore_parallel>], iteration_bounds = array<i64: 2, 16>, scalar_prefetch = 0 : i64, scratch_operands = 10 : i64, tpu.core_type = #tpu.core_type<sc_vector_subcore>, window_params = [{transform_indices = #map}, {transform_indices = #map}, {transform_indices = #map1}]} {
    %mul3A = arith.constant 2 : i32
    %mul3A_0 = arith.muli %arg1, %mul3A : i32
    %add3A = arith.addi %mul3A_0, %arg0 : i32
    %jit3A = arith.constant 2 : i32
    %eq3A = arith.constant 0 : i32
    %eq3A_1 = arith.cmpi eq, %jit3A, %eq3A : i32
    %jit3A_2 = arith.constant 1 : i32
    %select_n3A = arith.select %eq3A_1, %jit3A_2, %jit3A : i32
    %rem3A = arith.remsi %add3A, %select_n3A : i32
    %ne3A = arith.constant 0 : i32
    %ne3A_3 = arith.cmpi ne, %rem3A, %ne3A : i32
    %lt3A = arith.constant 0 : i32
    %lt3A_4 = arith.cmpi slt, %rem3A, %lt3A : i32
    %lt3A_5 = arith.constant 0 : i32
    %lt3A_6 = arith.cmpi slt, %select_n3A, %lt3A_5 : i32
    %ne3A_7 = arith.xori %lt3A_4, %lt3A_6 : i1
    %and3A = arith.andi %ne3A_7, %ne3A_3 : i1
    %add3A_8 = arith.addi %rem3A, %select_n3A : i32
    %select_n3A_9 = arith.select %and3A, %add3A_8, %rem3A : i32
    %jit3A_10 = arith.constant 2 : i32
    %div3A = arith.divsi %add3A, %jit3A_10 : i32
    %sign3A = arith.constant 0 : i32
    %sign3A_11 = arith.cmpi sgt, %add3A, %sign3A : i32
    %sign3A_12 = arith.extui %sign3A_11 : i1 to i32
    %sign3A_13 = arith.constant 0 : i32
    %sign3A_14 = arith.cmpi slt, %add3A, %sign3A_13 : i32
    %sign3A_15 = arith.extui %sign3A_14 : i1 to i32
    %sign3A_16 = arith.subi %sign3A_12, %sign3A_15 : i32
    %sign3A_17 = arith.constant 0 : i32
    %sign3A_18 = arith.cmpi sgt, %jit3A_10, %sign3A_17 : i32
    %sign3A_19 = arith.extui %sign3A_18 : i1 to i32
    %sign3A_20 = arith.constant 0 : i32
    %sign3A_21 = arith.cmpi slt, %jit3A_10, %sign3A_20 : i32
    %sign3A_22 = arith.extui %sign3A_21 : i1 to i32
    %sign3A_23 = arith.subi %sign3A_19, %sign3A_22 : i32
    %ne3A_24 = arith.cmpi ne, %sign3A_16, %sign3A_23 : i32
    %rem3A_25 = arith.remsi %add3A, %jit3A_10 : i32
    %ne3A_26 = arith.constant 0 : i32
    %ne3A_27 = arith.cmpi ne, %rem3A_25, %ne3A_26 : i32
    %and3A_28 = arith.andi %ne3A_24, %ne3A_27 : i1
    %sub3A = arith.constant 1 : i32
    %sub3A_29 = arith.subi %div3A, %sub3A : i32
    %select_n3A_30 = arith.select %and3A_28, %sub3A_29, %div3A : i32
    %mul3A_31 = arith.constant 1024 : i32
    %mul3A_32 = arith.muli %select_n3A_30, %mul3A_31 : i32
    %iota3A = tpu.iota {dimensions = array<i32: 0>} : vector<16xi32>
    %add3A_33 = arith.constant 0 : i32
    %add3A_34 = vector.broadcast %add3A_33 : i32 to vector<16xi32>
    %add3A_35 = arith.addi %iota3A, %add3A_34 : vector<16xi32>
    %add3A_36 = arith.constant 16 : i32
    %add3A_37 = vector.broadcast %add3A_36 : i32 to vector<16xi32>
    %add3A_38 = arith.addi %iota3A, %add3A_37 : vector<16xi32>
    %add3A_39 = arith.constant 32 : i32
    %add3A_40 = vector.broadcast %add3A_39 : i32 to vector<16xi32>
    %add3A_41 = arith.addi %iota3A, %add3A_40 : vector<16xi32>
    %add3A_42 = arith.constant 48 : i32
    %add3A_43 = vector.broadcast %add3A_42 : i32 to vector<16xi32>
    %add3A_44 = arith.addi %iota3A, %add3A_43 : vector<16xi32>
    %add3A_45 = arith.constant 64 : i32
    %add3A_46 = vector.broadcast %add3A_45 : i32 to vector<16xi32>
    %add3A_47 = arith.addi %iota3A, %add3A_46 : vector<16xi32>
    %add3A_48 = arith.constant 80 : i32
    %add3A_49 = vector.broadcast %add3A_48 : i32 to vector<16xi32>
    %add3A_50 = arith.addi %iota3A, %add3A_49 : vector<16xi32>
    %add3A_51 = arith.constant 96 : i32
    %add3A_52 = vector.broadcast %add3A_51 : i32 to vector<16xi32>
    %add3A_53 = arith.addi %iota3A, %add3A_52 : vector<16xi32>
    %add3A_54 = arith.constant 112 : i32
    %add3A_55 = vector.broadcast %add3A_54 : i32 to vector<16xi32>
    %add3A_56 = arith.addi %iota3A, %add3A_55 : vector<16xi32>
    %mul3A_57 = arith.constant 13 : i32
    %mul3A_58 = arith.muli %select_n3A_9, %mul3A_57 : i32
    %add3A_59 = arith.constant 0 : i32
    %add3A_60 = arith.addi %mul3A_58, %add3A_59 : i32
    "tpu.region"() ({
      %run_scoped3A = tpu.sem_alloc : memref<!tpu.dma_semaphore, #tpu.memory_space<semaphore_mem>>
      %dma_start3A_219 = tpu.memref_slice %arg3[%add3A_60, %mul3A_32] : memref<26x16384xi32, #tpu.memory_space<hbm>> -> memref<1x1024xi32, #tpu.memory_space<hbm>>
      %dma_start3A_220 = tpu.memref_squeeze %dma_start3A_219 : memref<1x1024xi32, #tpu.memory_space<hbm>> -> memref<1024xi32, #tpu.memory_space<hbm>>
      %dma_start3A_221 = tpu.memref_slice %arg3[%add3A_60, %mul3A_32] : memref<26x16384xi32, #tpu.memory_space<hbm>> -> memref<1x1024xi32, #tpu.memory_space<hbm>>
      %dma_start3A_222 = tpu.memref_squeeze %dma_start3A_221 : memref<1x1024xi32, #tpu.memory_space<hbm>> -> memref<1024xi32, #tpu.memory_space<hbm>>
      tpu.enqueue_dma source(%dma_start3A_222 : memref<1024xi32, #tpu.memory_space<hbm>>) target(%arg5 : memref<1024xi32, #tpu.memory_space<vmem>>) target_semaphore(%run_scoped3A : memref<!tpu.dma_semaphore, #tpu.memory_space<semaphore_mem>>)
      %dma_wait3A_223 = tpu.memref_slice %arg3[%add3A_60, %mul3A_32] : memref<26x16384xi32, #tpu.memory_space<hbm>> -> memref<1x1024xi32, #tpu.memory_space<hbm>>
      %dma_wait3A_224 = tpu.memref_squeeze %dma_wait3A_223 : memref<1x1024xi32, #tpu.memory_space<hbm>> -> memref<1024xi32, #tpu.memory_space<hbm>>
      %dma_wait3A_225 = tpu.memref_slice %arg3[%add3A_60, %mul3A_32] : memref<26x16384xi32, #tpu.memory_space<hbm>> -> memref<1x1024xi32, #tpu.memory_space<hbm>>
      %dma_wait3A_226 = tpu.memref_squeeze %dma_wait3A_225 : memref<1x1024xi32, #tpu.memory_space<hbm>> -> memref<1024xi32, #tpu.memory_space<hbm>>
      tpu.wait_dma2 semaphore(%run_scoped3A : memref<!tpu.dma_semaphore, #tpu.memory_space<semaphore_mem>>) src(%dma_wait3A_226 : memref<1024xi32, #tpu.memory_space<hbm>>) dst(%arg5 : memref<1024xi32, #tpu.memory_space<vmem>>)
      tpu.yield
    }) : () -> ()
    %dma_start3A = arith.constant 0 : i32
    %dma_start3A_61 = arith.constant 0 : i32
    %dma_start3A_62 = tpu.memref_slice %arg2[%dma_start3A, %dma_start3A_61] : memref<4000000x32xf32, #tpu.memory_space<hbm>> -> memref<4000000x32xf32, #tpu.memory_space<hbm>>
    tpu.enqueue_indirect_dma source(%dma_start3A_62 : memref<4000000x32xf32, #tpu.memory_space<hbm>>) target(%arg7 : memref<1024x32xf32, #tpu.memory_space<vmem>>) offsets(%arg5 : memref<1024xi32, #tpu.memory_space<vmem>>) semaphore(%arg11 : memref<!tpu.dma_semaphore, #tpu.memory_space<semaphore_mem>>)
    %mul3A_63 = arith.constant 13 : i32
    %mul3A_64 = arith.muli %select_n3A_9, %mul3A_63 : i32
    %add3A_65 = arith.constant 1 : i32
    %add3A_66 = arith.addi %mul3A_64, %add3A_65 : i32
    "tpu.region"() ({
      %run_scoped3A = tpu.sem_alloc : memref<!tpu.dma_semaphore, #tpu.memory_space<semaphore_mem>>
      %dma_start3A_219 = tpu.memref_slice %arg3[%add3A_66, %mul3A_32] : memref<26x16384xi32, #tpu.memory_space<hbm>> -> memref<1x1024xi32, #tpu.memory_space<hbm>>
      %dma_start3A_220 = tpu.memref_squeeze %dma_start3A_219 : memref<1x1024xi32, #tpu.memory_space<hbm>> -> memref<1024xi32, #tpu.memory_space<hbm>>
      %dma_start3A_221 = tpu.memref_slice %arg3[%add3A_66, %mul3A_32] : memref<26x16384xi32, #tpu.memory_space<hbm>> -> memref<1x1024xi32, #tpu.memory_space<hbm>>
      %dma_start3A_222 = tpu.memref_squeeze %dma_start3A_221 : memref<1x1024xi32, #tpu.memory_space<hbm>> -> memref<1024xi32, #tpu.memory_space<hbm>>
      tpu.enqueue_dma source(%dma_start3A_222 : memref<1024xi32, #tpu.memory_space<hbm>>) target(%arg6 : memref<1024xi32, #tpu.memory_space<vmem>>) target_semaphore(%run_scoped3A : memref<!tpu.dma_semaphore, #tpu.memory_space<semaphore_mem>>)
      %dma_wait3A_223 = tpu.memref_slice %arg3[%add3A_66, %mul3A_32] : memref<26x16384xi32, #tpu.memory_space<hbm>> -> memref<1x1024xi32, #tpu.memory_space<hbm>>
      %dma_wait3A_224 = tpu.memref_squeeze %dma_wait3A_223 : memref<1x1024xi32, #tpu.memory_space<hbm>> -> memref<1024xi32, #tpu.memory_space<hbm>>
      %dma_wait3A_225 = tpu.memref_slice %arg3[%add3A_66, %mul3A_32] : memref<26x16384xi32, #tpu.memory_space<hbm>> -> memref<1x1024xi32, #tpu.memory_space<hbm>>
      %dma_wait3A_226 = tpu.memref_squeeze %dma_wait3A_225 : memref<1x1024xi32, #tpu.memory_space<hbm>> -> memref<1024xi32, #tpu.memory_space<hbm>>
      tpu.wait_dma2 semaphore(%run_scoped3A : memref<!tpu.dma_semaphore, #tpu.memory_space<semaphore_mem>>) src(%dma_wait3A_226 : memref<1024xi32, #tpu.memory_space<hbm>>) dst(%arg6 : memref<1024xi32, #tpu.memory_space<vmem>>)
      tpu.yield
    }) : () -> ()
    %dma_start3A_67 = arith.constant 0 : i32
    %dma_start3A_68 = arith.constant 0 : i32
    %dma_start3A_69 = tpu.memref_slice %arg2[%dma_start3A_67, %dma_start3A_68] : memref<4000000x32xf32, #tpu.memory_space<hbm>> -> memref<4000000x32xf32, #tpu.memory_space<hbm>>
    tpu.enqueue_indirect_dma source(%dma_start3A_69 : memref<4000000x32xf32, #tpu.memory_space<hbm>>) target(%arg8 : memref<1024x32xf32, #tpu.memory_space<vmem>>) offsets(%arg6 : memref<1024xi32, #tpu.memory_space<vmem>>) semaphore(%arg12 : memref<!tpu.dma_semaphore, #tpu.memory_space<semaphore_mem>>)
    %scan3A = arith.constant 0 : i32
    %scan3A_70 = arith.constant 0 : i32
    %scan3A_71 = arith.constant 6 : i32
    %scan3A_72 = arith.addi %scan3A_70, %scan3A_71 : i32
    %scan3A_73 = arith.constant 1 : i32
    scf.for %scan3A_219 = %scan3A_70 to %scan3A_72 step %scan3A_73  : i32 {
      %mul3A_220 = arith.constant 2 : i32
      %mul3A_221 = arith.muli %scan3A_219, %mul3A_220 : i32
      %add3A_222 = arith.constant 0 : i32
      %add3A_223 = arith.addi %mul3A_221, %add3A_222 : i32
      %dma_wait3A_224 = arith.constant 0 : i32
      %dma_wait3A_225 = arith.constant 0 : i32
      %dma_wait3A_226 = tpu.memref_slice %arg2[%dma_wait3A_224, %dma_wait3A_225] : memref<4000000x32xf32, #tpu.memory_space<hbm>> -> memref<4000000x32xf32, #tpu.memory_space<hbm>>
      tpu.wait_indirect_dma semaphore(%arg11 : memref<!tpu.dma_semaphore, #tpu.memory_space<semaphore_mem>>) src(%dma_wait3A_226 : memref<4000000x32xf32, #tpu.memory_space<hbm>>) dst(%arg7 : memref<1024x32xf32, #tpu.memory_space<vmem>>)
      %mul3A_227 = arith.constant 13 : i32
      %mul3A_228 = arith.muli %select_n3A_9, %mul3A_227 : i32
      %add3A_229 = arith.addi %mul3A_228, %add3A_223 : i32
      %gt3A = arith.constant 0 : i32
      %gt3A_230 = arith.cmpi sgt, %add3A_223, %gt3A : i32
      %convert_element_type3A = arith.extui %gt3A_230 : i1 to i32
      %cond3A = arith.constant 0 : i32
      %cond3A_231 = arith.cmpi ne, %convert_element_type3A, %cond3A : i32
      scf.if %cond3A_231 {
        %mul3A_451 = arith.constant 8 : i32
        %mul3A_452 = arith.muli %select_n3A_30, %mul3A_451 : i32
        %dma_wait3A_453 = arith.constant 0 : i32
        %dma_wait3A_454 = arith.constant 0 : i32
        %dma_wait3A_455 = arith.constant 0 : i32
        %dma_wait3A_456 = tpu.memref_slice %arg4[%add3A_229, %dma_wait3A_453, %mul3A_452, %dma_wait3A_454, %dma_wait3A_455] : memref<26x4x128x8x128xf32, #tpu.memory_space<hbm>> -> memref<1x1x8x8x128xf32, #tpu.memory_space<hbm>>
        %dma_wait3A_457 = tpu.memref_squeeze %dma_wait3A_456 : memref<1x1x8x8x128xf32, #tpu.memory_space<hbm>> -> memref<8x8x128xf32, #tpu.memory_space<hbm>>
        %dma_wait3A_458 = arith.constant 0 : i32
        %dma_wait3A_459 = arith.constant 0 : i32
        %dma_wait3A_460 = tpu.memref_slice %arg4[%add3A_229, %dma_wait3A_453, %mul3A_452, %dma_wait3A_458, %dma_wait3A_459] : memref<26x4x128x8x128xf32, #tpu.memory_space<hbm>> -> memref<1x1x8x8x128xf32, #tpu.memory_space<hbm>>
        %dma_wait3A_461 = tpu.memref_squeeze %dma_wait3A_460 : memref<1x1x8x8x128xf32, #tpu.memory_space<hbm>> -> memref<8x8x128xf32, #tpu.memory_space<hbm>>
        tpu.wait_dma2 semaphore(%arg13 : memref<!tpu.dma_semaphore, #tpu.memory_space<semaphore_mem>>) src(%arg9 : memref<8x8x128xf32, #tpu.memory_space<vmem>>) dst(%dma_wait3A_461 : memref<8x8x128xf32, #tpu.memory_space<hbm>>)
      } else {
      }
      %scan3A_232 = arith.constant 0 : i32
      %scan3A_233 = arith.constant 0 : i32
      %scan3A_234 = arith.constant 64 : i32
      %scan3A_235 = arith.addi %scan3A_233, %scan3A_234 : i32
      %scan3A_236 = arith.constant 1 : i32
      scf.for %scan3A_451 = %scan3A_233 to %scan3A_235 step %scan3A_236  : i32 {
        %shift_right_arithmetic3A = arith.constant 3 : i32
        %shift_right_arithmetic3A_452 = arith.shrsi %scan3A_451, %shift_right_arithmetic3A : i32
        %and3A_453 = arith.constant 7 : i32
        %and3A_454 = arith.andi %scan3A_451, %and3A_453 : i32
        %add3A_455 = arith.constant 0 : i32
        %add3A_456 = arith.addi %add3A_455, %and3A_454 : i32
        %broadcast_in_dim3A = vector.broadcast %add3A_456 : i32 to vector<16xi32>
        %mul3A_457 = arith.constant 128 : i32
        %mul3A_458 = arith.muli %shift_right_arithmetic3A_452, %mul3A_457 : i32
        %add3A_459 = vector.broadcast %mul3A_458 : i32 to vector<16xi32>
        %add3A_460 = arith.addi %add3A_35, %add3A_459 : vector<16xi32>
        %gather3A = tpu.vector_load_idx %arg7[%add3A_460, %broadcast_in_dim3A] : memref<1024x32xf32, #tpu.memory_space<vmem>>[vector<16xi32>, vector<16xi32>], vector<16xf32>,
        %add3A_461 = vector.broadcast %mul3A_458 : i32 to vector<16xi32>
        %add3A_462 = arith.addi %add3A_38, %add3A_461 : vector<16xi32>
        %gather3A_463 = tpu.vector_load_idx %arg7[%add3A_462, %broadcast_in_dim3A] : memref<1024x32xf32, #tpu.memory_space<vmem>>[vector<16xi32>, vector<16xi32>], vector<16xf32>,
        %add3A_464 = vector.broadcast %mul3A_458 : i32 to vector<16xi32>
        %add3A_465 = arith.addi %add3A_41, %add3A_464 : vector<16xi32>
        %gather3A_466 = tpu.vector_load_idx %arg7[%add3A_465, %broadcast_in_dim3A] : memref<1024x32xf32, #tpu.memory_space<vmem>>[vector<16xi32>, vector<16xi32>], vector<16xf32>,
        %add3A_467 = vector.broadcast %mul3A_458 : i32 to vector<16xi32>
        %add3A_468 = arith.addi %add3A_44, %add3A_467 : vector<16xi32>
        %gather3A_469 = tpu.vector_load_idx %arg7[%add3A_468, %broadcast_in_dim3A] : memref<1024x32xf32, #tpu.memory_space<vmem>>[vector<16xi32>, vector<16xi32>], vector<16xf32>,
        %add3A_470 = vector.broadcast %mul3A_458 : i32 to vector<16xi32>
        %add3A_471 = arith.addi %add3A_47, %add3A_470 : vector<16xi32>
        %gather3A_472 = tpu.vector_load_idx %arg7[%add3A_471, %broadcast_in_dim3A] : memref<1024x32xf32, #tpu.memory_space<vmem>>[vector<16xi32>, vector<16xi32>], vector<16xf32>,
        %add3A_473 = vector.broadcast %mul3A_458 : i32 to vector<16xi32>
        %add3A_474 = arith.addi %add3A_50, %add3A_473 : vector<16xi32>
        %gather3A_475 = tpu.vector_load_idx %arg7[%add3A_474, %broadcast_in_dim3A] : memref<1024x32xf32, #tpu.memory_space<vmem>>[vector<16xi32>, vector<16xi32>], vector<16xf32>,
        %add3A_476 = vector.broadcast %mul3A_458 : i32 to vector<16xi32>
        %add3A_477 = arith.addi %add3A_53, %add3A_476 : vector<16xi32>
        %gather3A_478 = tpu.vector_load_idx %arg7[%add3A_477, %broadcast_in_dim3A] : memref<1024x32xf32, #tpu.memory_space<vmem>>[vector<16xi32>, vector<16xi32>], vector<16xf32>,
        %add3A_479 = vector.broadcast %mul3A_458 : i32 to vector<16xi32>
        %add3A_480 = arith.addi %add3A_56, %add3A_479 : vector<16xi32>
        %gather3A_481 = tpu.vector_load_idx %arg7[%add3A_480, %broadcast_in_dim3A] : memref<1024x32xf32, #tpu.memory_space<vmem>>[vector<16xi32>, vector<16xi32>], vector<16xf32>,
        %swap3A = arith.index_cast %shift_right_arithmetic3A_452 : i32 to index
        %swap3A_482 = arith.index_cast %and3A_454 : i32 to index
        %swap3A_483 = arith.constant 0 : index
        %swap3A_484 = tpu.vector_load %arg9[%swap3A, %swap3A_482, %swap3A_483] {strides = array<i32>} : memref<8x8x128xf32, #tpu.memory_space<vmem>>, vector<16xf32>,
        tpu.vector_store %arg9[%swap3A, %swap3A_482, %swap3A_483], %gather3A {strides = array<i32>} : memref<8x8x128xf32, #tpu.memory_space<vmem>>, vector<16xf32>,
        %swap3A_485 = arith.index_cast %shift_right_arithmetic3A_452 : i32 to index
        %swap3A_486 = arith.index_cast %and3A_454 : i32 to index
        %swap3A_487 = arith.constant 16 : index
        %swap3A_488 = tpu.vector_load %arg9[%swap3A_485, %swap3A_486, %swap3A_487] {strides = array<i32>} : memref<8x8x128xf32, #tpu.memory_space<vmem>>, vector<16xf32>,
        tpu.vector_store %arg9[%swap3A_485, %swap3A_486, %swap3A_487], %gather3A_463 {strides = array<i32>} : memref<8x8x128xf32, #tpu.memory_space<vmem>>, vector<16xf32>,
        %swap3A_489 = arith.index_cast %shift_right_arithmetic3A_452 : i32 to index
        %swap3A_490 = arith.index_cast %and3A_454 : i32 to index
        %swap3A_491 = arith.constant 32 : index
        %swap3A_492 = tpu.vector_load %arg9[%swap3A_489, %swap3A_490, %swap3A_491] {strides = array<i32>} : memref<8x8x128xf32, #tpu.memory_space<vmem>>, vector<16xf32>,
        tpu.vector_store %arg9[%swap3A_489, %swap3A_490, %swap3A_491], %gather3A_466 {strides = array<i32>} : memref<8x8x128xf32, #tpu.memory_space<vmem>>, vector<16xf32>,
        %swap3A_493 = arith.index_cast %shift_right_arithmetic3A_452 : i32 to index
        %swap3A_494 = arith.index_cast %and3A_454 : i32 to index
        %swap3A_495 = arith.constant 48 : index
        %swap3A_496 = tpu.vector_load %arg9[%swap3A_493, %swap3A_494, %swap3A_495] {strides = array<i32>} : memref<8x8x128xf32, #tpu.memory_space<vmem>>, vector<16xf32>,
        tpu.vector_store %arg9[%swap3A_493, %swap3A_494, %swap3A_495], %gather3A_469 {strides = array<i32>} : memref<8x8x128xf32, #tpu.memory_space<vmem>>, vector<16xf32>,
        %swap3A_497 = arith.index_cast %shift_right_arithmetic3A_452 : i32 to index
        %swap3A_498 = arith.index_cast %and3A_454 : i32 to index
        %swap3A_499 = arith.constant 64 : index
        %swap3A_500 = tpu.vector_load %arg9[%swap3A_497, %swap3A_498, %swap3A_499] {strides = array<i32>} : memref<8x8x128xf32, #tpu.memory_space<vmem>>, vector<16xf32>,
        tpu.vector_store %arg9[%swap3A_497, %swap3A_498, %swap3A_499], %gather3A_472 {strides = array<i32>} : memref<8x8x128xf32, #tpu.memory_space<vmem>>, vector<16xf32>,
        %swap3A_501 = arith.index_cast %shift_right_arithmetic3A_452 : i32 to index
        %swap3A_502 = arith.index_cast %and3A_454 : i32 to index
        %swap3A_503 = arith.constant 80 : index
        %swap3A_504 = tpu.vector_load %arg9[%swap3A_501, %swap3A_502, %swap3A_503] {strides = array<i32>} : memref<8x8x128xf32, #tpu.memory_space<vmem>>, vector<16xf32>,
        tpu.vector_store %arg9[%swap3A_501, %swap3A_502, %swap3A_503], %gather3A_475 {strides = array<i32>} : memref<8x8x128xf32, #tpu.memory_space<vmem>>, vector<16xf32>,
        %swap3A_505 = arith.index_cast %shift_right_arithmetic3A_452 : i32 to index
        %swap3A_506 = arith.index_cast %and3A_454 : i32 to index
        %swap3A_507 = arith.constant 96 : index
        %swap3A_508 = tpu.vector_load %arg9[%swap3A_505, %swap3A_506, %swap3A_507] {strides = array<i32>} : memref<8x8x128xf32, #tpu.memory_space<vmem>>, vector<16xf32>,
        tpu.vector_store %arg9[%swap3A_505, %swap3A_506, %swap3A_507], %gather3A_478 {strides = array<i32>} : memref<8x8x128xf32, #tpu.memory_space<vmem>>, vector<16xf32>,
        %swap3A_509 = arith.index_cast %shift_right_arithmetic3A_452 : i32 to index
        %swap3A_510 = arith.index_cast %and3A_454 : i32 to index
        %swap3A_511 = arith.constant 112 : index
        %swap3A_512 = tpu.vector_load %arg9[%swap3A_509, %swap3A_510, %swap3A_511] {strides = array<i32>} : memref<8x8x128xf32, #tpu.memory_space<vmem>>, vector<16xf32>,
        tpu.vector_store %arg9[%swap3A_509, %swap3A_510, %swap3A_511], %gather3A_481 {strides = array<i32>} : memref<8x8x128xf32, #tpu.memory_space<vmem>>, vector<16xf32>,
      }
      %scan3A_237 = arith.constant 64 : i32
      %mul3A_238 = arith.constant 8 : i32
      %mul3A_239 = arith.muli %select_n3A_30, %mul3A_238 : i32
      %dma_start3A_240 = arith.constant 0 : i32
      %dma_start3A_241 = arith.constant 0 : i32
      %dma_start3A_242 = arith.constant 0 : i32
      %dma_start3A_243 = tpu.memref_slice %arg4[%add3A_229, %dma_start3A_240, %mul3A_239, %dma_start3A_241, %dma_start3A_242] : memref<26x4x128x8x128xf32, #tpu.memory_space<hbm>> -> memref<1x1x8x8x128xf32, #tpu.memory_space<hbm>>
      %dma_start3A_244 = tpu.memref_squeeze %dma_start3A_243 : memref<1x1x8x8x128xf32, #tpu.memory_space<hbm>> -> memref<8x8x128xf32, #tpu.memory_space<hbm>>
      %dma_start3A_245 = arith.constant 0 : i32
      %dma_start3A_246 = arith.constant 0 : i32
      %dma_start3A_247 = tpu.memref_slice %arg4[%add3A_229, %dma_start3A_240, %mul3A_239, %dma_start3A_245, %dma_start3A_246] : memref<26x4x128x8x128xf32, #tpu.memory_space<hbm>> -> memref<1x1x8x8x128xf32, #tpu.memory_space<hbm>>
      %dma_start3A_248 = tpu.memref_squeeze %dma_start3A_247 : memref<1x1x8x8x128xf32, #tpu.memory_space<hbm>> -> memref<8x8x128xf32, #tpu.memory_space<hbm>>
      tpu.enqueue_dma source(%arg9 : memref<8x8x128xf32, #tpu.memory_space<vmem>>) target(%dma_start3A_248 : memref<8x8x128xf32, #tpu.memory_space<hbm>>) target_semaphore(%arg13 : memref<!tpu.dma_semaphore, #tpu.memory_space<semaphore_mem>>)
      %gt3A_249 = arith.constant 0 : i32
      %gt3A_250 = arith.cmpi sgt, %add3A_223, %gt3A_249 : i32
      %convert_element_type3A_251 = arith.extui %gt3A_250 : i1 to i32
      %cond3A_252 = arith.constant 0 : i32
      %cond3A_253 = arith.cmpi ne, %convert_element_type3A_251, %cond3A_252 : i32
      scf.if %cond3A_253 {
        %mul3A_451 = arith.constant 8 : i32
        %mul3A_452 = arith.muli %select_n3A_30, %mul3A_451 : i32
        %dma_wait3A_453 = arith.constant 1 : i32
        %dma_wait3A_454 = arith.constant 0 : i32
        %dma_wait3A_455 = arith.constant 0 : i32
        %dma_wait3A_456 = tpu.memref_slice %arg4[%add3A_229, %dma_wait3A_453, %mul3A_452, %dma_wait3A_454, %dma_wait3A_455] : memref<26x4x128x8x128xf32, #tpu.memory_space<hbm>> -> memref<1x1x8x8x128xf32, #tpu.memory_space<hbm>>
        %dma_wait3A_457 = tpu.memref_squeeze %dma_wait3A_456 : memref<1x1x8x8x128xf32, #tpu.memory_space<hbm>> -> memref<8x8x128xf32, #tpu.memory_space<hbm>>
        %dma_wait3A_458 = arith.constant 0 : i32
        %dma_wait3A_459 = arith.constant 0 : i32
        %dma_wait3A_460 = tpu.memref_slice %arg4[%add3A_229, %dma_wait3A_453, %mul3A_452, %dma_wait3A_458, %dma_wait3A_459] : memref<26x4x128x8x128xf32, #tpu.memory_space<hbm>> -> memref<1x1x8x8x128xf32, #tpu.memory_space<hbm>>
        %dma_wait3A_461 = tpu.memref_squeeze %dma_wait3A_460 : memref<1x1x8x8x128xf32, #tpu.memory_space<hbm>> -> memref<8x8x128xf32, #tpu.memory_space<hbm>>
        tpu.wait_dma2 semaphore(%arg14 : memref<!tpu.dma_semaphore, #tpu.memory_space<semaphore_mem>>) src(%arg10 : memref<8x8x128xf32, #tpu.memory_space<vmem>>) dst(%dma_wait3A_461 : memref<8x8x128xf32, #tpu.memory_space<hbm>>)
      } else {
      }
      %scan3A_254 = arith.constant 0 : i32
      %scan3A_255 = arith.constant 0 : i32
      %scan3A_256 = arith.constant 64 : i32
      %scan3A_257 = arith.addi %scan3A_255, %scan3A_256 : i32
      %scan3A_258 = arith.constant 1 : i32
      scf.for %scan3A_451 = %scan3A_255 to %scan3A_257 step %scan3A_258  : i32 {
        %shift_right_arithmetic3A = arith.constant 3 : i32
        %shift_right_arithmetic3A_452 = arith.shrsi %scan3A_451, %shift_right_arithmetic3A : i32
        %and3A_453 = arith.constant 7 : i32
        %and3A_454 = arith.andi %scan3A_451, %and3A_453 : i32
        %add3A_455 = arith.constant 8 : i32
        %add3A_456 = arith.addi %add3A_455, %and3A_454 : i32
        %broadcast_in_dim3A = vector.broadcast %add3A_456 : i32 to vector<16xi32>
        %mul3A_457 = arith.constant 128 : i32
        %mul3A_458 = arith.muli %shift_right_arithmetic3A_452, %mul3A_457 : i32
        %add3A_459 = vector.broadcast %mul3A_458 : i32 to vector<16xi32>
        %add3A_460 = arith.addi %add3A_35, %add3A_459 : vector<16xi32>
        %gather3A = tpu.vector_load_idx %arg7[%add3A_460, %broadcast_in_dim3A] : memref<1024x32xf32, #tpu.memory_space<vmem>>[vector<16xi32>, vector<16xi32>], vector<16xf32>,
        %add3A_461 = vector.broadcast %mul3A_458 : i32 to vector<16xi32>
        %add3A_462 = arith.addi %add3A_38, %add3A_461 : vector<16xi32>
        %gather3A_463 = tpu.vector_load_idx %arg7[%add3A_462, %broadcast_in_dim3A] : memref<1024x32xf32, #tpu.memory_space<vmem>>[vector<16xi32>, vector<16xi32>], vector<16xf32>,
        %add3A_464 = vector.broadcast %mul3A_458 : i32 to vector<16xi32>
        %add3A_465 = arith.addi %add3A_41, %add3A_464 : vector<16xi32>
        %gather3A_466 = tpu.vector_load_idx %arg7[%add3A_465, %broadcast_in_dim3A] : memref<1024x32xf32, #tpu.memory_space<vmem>>[vector<16xi32>, vector<16xi32>], vector<16xf32>,
        %add3A_467 = vector.broadcast %mul3A_458 : i32 to vector<16xi32>
        %add3A_468 = arith.addi %add3A_44, %add3A_467 : vector<16xi32>
        %gather3A_469 = tpu.vector_load_idx %arg7[%add3A_468, %broadcast_in_dim3A] : memref<1024x32xf32, #tpu.memory_space<vmem>>[vector<16xi32>, vector<16xi32>], vector<16xf32>,
        %add3A_470 = vector.broadcast %mul3A_458 : i32 to vector<16xi32>
        %add3A_471 = arith.addi %add3A_47, %add3A_470 : vector<16xi32>
        %gather3A_472 = tpu.vector_load_idx %arg7[%add3A_471, %broadcast_in_dim3A] : memref<1024x32xf32, #tpu.memory_space<vmem>>[vector<16xi32>, vector<16xi32>], vector<16xf32>,
        %add3A_473 = vector.broadcast %mul3A_458 : i32 to vector<16xi32>
        %add3A_474 = arith.addi %add3A_50, %add3A_473 : vector<16xi32>
        %gather3A_475 = tpu.vector_load_idx %arg7[%add3A_474, %broadcast_in_dim3A] : memref<1024x32xf32, #tpu.memory_space<vmem>>[vector<16xi32>, vector<16xi32>], vector<16xf32>,
        %add3A_476 = vector.broadcast %mul3A_458 : i32 to vector<16xi32>
        %add3A_477 = arith.addi %add3A_53, %add3A_476 : vector<16xi32>
        %gather3A_478 = tpu.vector_load_idx %arg7[%add3A_477, %broadcast_in_dim3A] : memref<1024x32xf32, #tpu.memory_space<vmem>>[vector<16xi32>, vector<16xi32>], vector<16xf32>,
        %add3A_479 = vector.broadcast %mul3A_458 : i32 to vector<16xi32>
        %add3A_480 = arith.addi %add3A_56, %add3A_479 : vector<16xi32>
        %gather3A_481 = tpu.vector_load_idx %arg7[%add3A_480, %broadcast_in_dim3A] : memref<1024x32xf32, #tpu.memory_space<vmem>>[vector<16xi32>, vector<16xi32>], vector<16xf32>,
        %swap3A = arith.index_cast %shift_right_arithmetic3A_452 : i32 to index
        %swap3A_482 = arith.index_cast %and3A_454 : i32 to index
        %swap3A_483 = arith.constant 0 : index
        %swap3A_484 = tpu.vector_load %arg10[%swap3A, %swap3A_482, %swap3A_483] {strides = array<i32>} : memref<8x8x128xf32, #tpu.memory_space<vmem>>, vector<16xf32>,
        tpu.vector_store %arg10[%swap3A, %swap3A_482, %swap3A_483], %gather3A {strides = array<i32>} : memref<8x8x128xf32, #tpu.memory_space<vmem>>, vector<16xf32>,
        %swap3A_485 = arith.index_cast %shift_right_arithmetic3A_452 : i32 to index
        %swap3A_486 = arith.index_cast %and3A_454 : i32 to index
        %swap3A_487 = arith.constant 16 : index
        %swap3A_488 = tpu.vector_load %arg10[%swap3A_485, %swap3A_486, %swap3A_487] {strides = array<i32>} : memref<8x8x128xf32, #tpu.memory_space<vmem>>, vector<16xf32>,
        tpu.vector_store %arg10[%swap3A_485, %swap3A_486, %swap3A_487], %gather3A_463 {strides = array<i32>} : memref<8x8x128xf32, #tpu.memory_space<vmem>>, vector<16xf32>,
        %swap3A_489 = arith.index_cast %shift_right_arithmetic3A_452 : i32 to index
        %swap3A_490 = arith.index_cast %and3A_454 : i32 to index
        %swap3A_491 = arith.constant 32 : index
        %swap3A_492 = tpu.vector_load %arg10[%swap3A_489, %swap3A_490, %swap3A_491] {strides = array<i32>} : memref<8x8x128xf32, #tpu.memory_space<vmem>>, vector<16xf32>,
        tpu.vector_store %arg10[%swap3A_489, %swap3A_490, %swap3A_491], %gather3A_466 {strides = array<i32>} : memref<8x8x128xf32, #tpu.memory_space<vmem>>, vector<16xf32>,
        %swap3A_493 = arith.index_cast %shift_right_arithmetic3A_452 : i32 to index
        %swap3A_494 = arith.index_cast %and3A_454 : i32 to index
        %swap3A_495 = arith.constant 48 : index
        %swap3A_496 = tpu.vector_load %arg10[%swap3A_493, %swap3A_494, %swap3A_495] {strides = array<i32>} : memref<8x8x128xf32, #tpu.memory_space<vmem>>, vector<16xf32>,
        tpu.vector_store %arg10[%swap3A_493, %swap3A_494, %swap3A_495], %gather3A_469 {strides = array<i32>} : memref<8x8x128xf32, #tpu.memory_space<vmem>>, vector<16xf32>,
        %swap3A_497 = arith.index_cast %shift_right_arithmetic3A_452 : i32 to index
        %swap3A_498 = arith.index_cast %and3A_454 : i32 to index
        %swap3A_499 = arith.constant 64 : index
        %swap3A_500 = tpu.vector_load %arg10[%swap3A_497, %swap3A_498, %swap3A_499] {strides = array<i32>} : memref<8x8x128xf32, #tpu.memory_space<vmem>>, vector<16xf32>,
        tpu.vector_store %arg10[%swap3A_497, %swap3A_498, %swap3A_499], %gather3A_472 {strides = array<i32>} : memref<8x8x128xf32, #tpu.memory_space<vmem>>, vector<16xf32>,
        %swap3A_501 = arith.index_cast %shift_right_arithmetic3A_452 : i32 to index
        %swap3A_502 = arith.index_cast %and3A_454 : i32 to index
        %swap3A_503 = arith.constant 80 : index
        %swap3A_504 = tpu.vector_load %arg10[%swap3A_501, %swap3A_502, %swap3A_503] {strides = array<i32>} : memref<8x8x128xf32, #tpu.memory_space<vmem>>, vector<16xf32>,
        tpu.vector_store %arg10[%swap3A_501, %swap3A_502, %swap3A_503], %gather3A_475 {strides = array<i32>} : memref<8x8x128xf32, #tpu.memory_space<vmem>>, vector<16xf32>,
        %swap3A_505 = arith.index_cast %shift_right_arithmetic3A_452 : i32 to index
        %swap3A_506 = arith.index_cast %and3A_454 : i32 to index
        %swap3A_507 = arith.constant 96 : index
        %swap3A_508 = tpu.vector_load %arg10[%swap3A_505, %swap3A_506, %swap3A_507] {strides = array<i32>} : memref<8x8x128xf32, #tpu.memory_space<vmem>>, vector<16xf32>,
        tpu.vector_store %arg10[%swap3A_505, %swap3A_506, %swap3A_507], %gather3A_478 {strides = array<i32>} : memref<8x8x128xf32, #tpu.memory_space<vmem>>, vector<16xf32>,
        %swap3A_509 = arith.index_cast %shift_right_arithmetic3A_452 : i32 to index
        %swap3A_510 = arith.index_cast %and3A_454 : i32 to index
        %swap3A_511 = arith.constant 112 : index
        %swap3A_512 = tpu.vector_load %arg10[%swap3A_509, %swap3A_510, %swap3A_511] {strides = array<i32>} : memref<8x8x128xf32, #tpu.memory_space<vmem>>, vector<16xf32>,
        tpu.vector_store %arg10[%swap3A_509, %swap3A_510, %swap3A_511], %gather3A_481 {strides = array<i32>} : memref<8x8x128xf32, #tpu.memory_space<vmem>>, vector<16xf32>,
      }
      %scan3A_259 = arith.constant 64 : i32
      %mul3A_260 = arith.constant 8 : i32
      %mul3A_261 = arith.muli %select_n3A_30, %mul3A_260 : i32
      %dma_start3A_262 = arith.constant 1 : i32
      %dma_start3A_263 = arith.constant 0 : i32
      %dma_start3A_264 = arith.constant 0 : i32
      %dma_start3A_265 = tpu.memref_slice %arg4[%add3A_229, %dma_start3A_262, %mul3A_261, %dma_start3A_263, %dma_start3A_264] : memref<26x4x128x8x128xf32, #tpu.memory_space<hbm>> -> memref<1x1x8x8x128xf32, #tpu.memory_space<hbm>>
      %dma_start3A_266 = tpu.memref_squeeze %dma_start3A_265 : memref<1x1x8x8x128xf32, #tpu.memory_space<hbm>> -> memref<8x8x128xf32, #tpu.memory_space<hbm>>
      %dma_start3A_267 = arith.constant 0 : i32
      %dma_start3A_268 = arith.constant 0 : i32
      %dma_start3A_269 = tpu.memref_slice %arg4[%add3A_229, %dma_start3A_262, %mul3A_261, %dma_start3A_267, %dma_start3A_268] : memref<26x4x128x8x128xf32, #tpu.memory_space<hbm>> -> memref<1x1x8x8x128xf32, #tpu.memory_space<hbm>>
      %dma_start3A_270 = tpu.memref_squeeze %dma_start3A_269 : memref<1x1x8x8x128xf32, #tpu.memory_space<hbm>> -> memref<8x8x128xf32, #tpu.memory_space<hbm>>
      tpu.enqueue_dma source(%arg10 : memref<8x8x128xf32, #tpu.memory_space<vmem>>) target(%dma_start3A_270 : memref<8x8x128xf32, #tpu.memory_space<hbm>>) target_semaphore(%arg14 : memref<!tpu.dma_semaphore, #tpu.memory_space<semaphore_mem>>)
      %mul3A_271 = arith.constant 8 : i32
      %mul3A_272 = arith.muli %select_n3A_30, %mul3A_271 : i32
      %dma_wait3A_273 = arith.constant 2 : i32
      %dma_wait3A_274 = arith.constant 0 : i32
      %dma_wait3A_275 = arith.constant 0 : i32
      %dma_wait3A_276 = tpu.memref_slice %arg4[%add3A_229, %dma_wait3A_273, %mul3A_272, %dma_wait3A_274, %dma_wait3A_275] : memref<26x4x128x8x128xf32, #tpu.memory_space<hbm>> -> memref<1x1x8x8x128xf32, #tpu.memory_space<hbm>>
      %dma_wait3A_277 = tpu.memref_squeeze %dma_wait3A_276 : memref<1x1x8x8x128xf32, #tpu.memory_space<hbm>> -> memref<8x8x128xf32, #tpu.memory_space<hbm>>
      %dma_wait3A_278 = arith.constant 0 : i32
      %dma_wait3A_279 = arith.constant 0 : i32
      %dma_wait3A_280 = tpu.memref_slice %arg4[%add3A_229, %dma_wait3A_273, %mul3A_272, %dma_wait3A_278, %dma_wait3A_279] : memref<26x4x128x8x128xf32, #tpu.memory_space<hbm>> -> memref<1x1x8x8x128xf32, #tpu.memory_space<hbm>>
      %dma_wait3A_281 = tpu.memref_squeeze %dma_wait3A_280 : memref<1x1x8x8x128xf32, #tpu.memory_space<hbm>> -> memref<8x8x128xf32, #tpu.memory_space<hbm>>
      tpu.wait_dma2 semaphore(%arg13 : memref<!tpu.dma_semaphore, #tpu.memory_space<semaphore_mem>>) src(%arg9 : memref<8x8x128xf32, #tpu.memory_space<vmem>>) dst(%dma_wait3A_281 : memref<8x8x128xf32, #tpu.memory_space<hbm>>)
      %scan3A_282 = arith.constant 0 : i32
      %scan3A_283 = arith.constant 0 : i32
      %scan3A_284 = arith.constant 64 : i32
      %scan3A_285 = arith.addi %scan3A_283, %scan3A_284 : i32
      %scan3A_286 = arith.constant 1 : i32
      scf.for %scan3A_451 = %scan3A_283 to %scan3A_285 step %scan3A_286  : i32 {
        %shift_right_arithmetic3A = arith.constant 3 : i32
        %shift_right_arithmetic3A_452 = arith.shrsi %scan3A_451, %shift_right_arithmetic3A : i32
        %and3A_453 = arith.constant 7 : i32
        %and3A_454 = arith.andi %scan3A_451, %and3A_453 : i32
        %add3A_455 = arith.constant 16 : i32
        %add3A_456 = arith.addi %add3A_455, %and3A_454 : i32
        %broadcast_in_dim3A = vector.broadcast %add3A_456 : i32 to vector<16xi32>
        %mul3A_457 = arith.constant 128 : i32
        %mul3A_458 = arith.muli %shift_right_arithmetic3A_452, %mul3A_457 : i32
        %add3A_459 = vector.broadcast %mul3A_458 : i32 to vector<16xi32>
        %add3A_460 = arith.addi %add3A_35, %add3A_459 : vector<16xi32>
        %gather3A = tpu.vector_load_idx %arg7[%add3A_460, %broadcast_in_dim3A] : memref<1024x32xf32, #tpu.memory_space<vmem>>[vector<16xi32>, vector<16xi32>], vector<16xf32>,
        %add3A_461 = vector.broadcast %mul3A_458 : i32 to vector<16xi32>
        %add3A_462 = arith.addi %add3A_38, %add3A_461 : vector<16xi32>
        %gather3A_463 = tpu.vector_load_idx %arg7[%add3A_462, %broadcast_in_dim3A] : memref<1024x32xf32, #tpu.memory_space<vmem>>[vector<16xi32>, vector<16xi32>], vector<16xf32>,
        %add3A_464 = vector.broadcast %mul3A_458 : i32 to vector<16xi32>
        %add3A_465 = arith.addi %add3A_41, %add3A_464 : vector<16xi32>
        %gather3A_466 = tpu.vector_load_idx %arg7[%add3A_465, %broadcast_in_dim3A] : memref<1024x32xf32, #tpu.memory_space<vmem>>[vector<16xi32>, vector<16xi32>], vector<16xf32>,
        %add3A_467 = vector.broadcast %mul3A_458 : i32 to vector<16xi32>
        %add3A_468 = arith.addi %add3A_44, %add3A_467 : vector<16xi32>
        %gather3A_469 = tpu.vector_load_idx %arg7[%add3A_468, %broadcast_in_dim3A] : memref<1024x32xf32, #tpu.memory_space<vmem>>[vector<16xi32>, vector<16xi32>], vector<16xf32>,
        %add3A_470 = vector.broadcast %mul3A_458 : i32 to vector<16xi32>
        %add3A_471 = arith.addi %add3A_47, %add3A_470 : vector<16xi32>
        %gather3A_472 = tpu.vector_load_idx %arg7[%add3A_471, %broadcast_in_dim3A] : memref<1024x32xf32, #tpu.memory_space<vmem>>[vector<16xi32>, vector<16xi32>], vector<16xf32>,
        %add3A_473 = vector.broadcast %mul3A_458 : i32 to vector<16xi32>
        %add3A_474 = arith.addi %add3A_50, %add3A_473 : vector<16xi32>
        %gather3A_475 = tpu.vector_load_idx %arg7[%add3A_474, %broadcast_in_dim3A] : memref<1024x32xf32, #tpu.memory_space<vmem>>[vector<16xi32>, vector<16xi32>], vector<16xf32>,
        %add3A_476 = vector.broadcast %mul3A_458 : i32 to vector<16xi32>
        %add3A_477 = arith.addi %add3A_53, %add3A_476 : vector<16xi32>
        %gather3A_478 = tpu.vector_load_idx %arg7[%add3A_477, %broadcast_in_dim3A] : memref<1024x32xf32, #tpu.memory_space<vmem>>[vector<16xi32>, vector<16xi32>], vector<16xf32>,
        %add3A_479 = vector.broadcast %mul3A_458 : i32 to vector<16xi32>
        %add3A_480 = arith.addi %add3A_56, %add3A_479 : vector<16xi32>
        %gather3A_481 = tpu.vector_load_idx %arg7[%add3A_480, %broadcast_in_dim3A] : memref<1024x32xf32, #tpu.memory_space<vmem>>[vector<16xi32>, vector<16xi32>], vector<16xf32>,
        %swap3A = arith.index_cast %shift_right_arithmetic3A_452 : i32 to index
        %swap3A_482 = arith.index_cast %and3A_454 : i32 to index
        %swap3A_483 = arith.constant 0 : index
        %swap3A_484 = tpu.vector_load %arg9[%swap3A, %swap3A_482, %swap3A_483] {strides = array<i32>} : memref<8x8x128xf32, #tpu.memory_space<vmem>>, vector<16xf32>,
        tpu.vector_store %arg9[%swap3A, %swap3A_482, %swap3A_483], %gather3A {strides = array<i32>} : memref<8x8x128xf32, #tpu.memory_space<vmem>>, vector<16xf32>,
        %swap3A_485 = arith.index_cast %shift_right_arithmetic3A_452 : i32 to index
        %swap3A_486 = arith.index_cast %and3A_454 : i32 to index
        %swap3A_487 = arith.constant 16 : index
        %swap3A_488 = tpu.vector_load %arg9[%swap3A_485, %swap3A_486, %swap3A_487] {strides = array<i32>} : memref<8x8x128xf32, #tpu.memory_space<vmem>>, vector<16xf32>,
        tpu.vector_store %arg9[%swap3A_485, %swap3A_486, %swap3A_487], %gather3A_463 {strides = array<i32>} : memref<8x8x128xf32, #tpu.memory_space<vmem>>, vector<16xf32>,
        %swap3A_489 = arith.index_cast %shift_right_arithmetic3A_452 : i32 to index
        %swap3A_490 = arith.index_cast %and3A_454 : i32 to index
        %swap3A_491 = arith.constant 32 : index
        %swap3A_492 = tpu.vector_load %arg9[%swap3A_489, %swap3A_490, %swap3A_491] {strides = array<i32>} : memref<8x8x128xf32, #tpu.memory_space<vmem>>, vector<16xf32>,
        tpu.vector_store %arg9[%swap3A_489, %swap3A_490, %swap3A_491], %gather3A_466 {strides = array<i32>} : memref<8x8x128xf32, #tpu.memory_space<vmem>>, vector<16xf32>,
        %swap3A_493 = arith.index_cast %shift_right_arithmetic3A_452 : i32 to index
        %swap3A_494 = arith.index_cast %and3A_454 : i32 to index
        %swap3A_495 = arith.constant 48 : index
        %swap3A_496 = tpu.vector_load %arg9[%swap3A_493, %swap3A_494, %swap3A_495] {strides = array<i32>} : memref<8x8x128xf32, #tpu.memory_space<vmem>>, vector<16xf32>,
        tpu.vector_store %arg9[%swap3A_493, %swap3A_494, %swap3A_495], %gather3A_469 {strides = array<i32>} : memref<8x8x128xf32, #tpu.memory_space<vmem>>, vector<16xf32>,
        %swap3A_497 = arith.index_cast %shift_right_arithmetic3A_452 : i32 to index
        %swap3A_498 = arith.index_cast %and3A_454 : i32 to index
        %swap3A_499 = arith.constant 64 : index
        %swap3A_500 = tpu.vector_load %arg9[%swap3A_497, %swap3A_498, %swap3A_499] {strides = array<i32>} : memref<8x8x128xf32, #tpu.memory_space<vmem>>, vector<16xf32>,
        tpu.vector_store %arg9[%swap3A_497, %swap3A_498, %swap3A_499], %gather3A_472 {strides = array<i32>} : memref<8x8x128xf32, #tpu.memory_space<vmem>>, vector<16xf32>,
        %swap3A_501 = arith.index_cast %shift_right_arithmetic3A_452 : i32 to index
        %swap3A_502 = arith.index_cast %and3A_454 : i32 to index
        %swap3A_503 = arith.constant 80 : index
        %swap3A_504 = tpu.vector_load %arg9[%swap3A_501, %swap3A_502, %swap3A_503] {strides = array<i32>} : memref<8x8x128xf32, #tpu.memory_space<vmem>>, vector<16xf32>,
        tpu.vector_store %arg9[%swap3A_501, %swap3A_502, %swap3A_503], %gather3A_475 {strides = array<i32>} : memref<8x8x128xf32, #tpu.memory_space<vmem>>, vector<16xf32>,
        %swap3A_505 = arith.index_cast %shift_right_arithmetic3A_452 : i32 to index
        %swap3A_506 = arith.index_cast %and3A_454 : i32 to index
        %swap3A_507 = arith.constant 96 : index
        %swap3A_508 = tpu.vector_load %arg9[%swap3A_505, %swap3A_506, %swap3A_507] {strides = array<i32>} : memref<8x8x128xf32, #tpu.memory_space<vmem>>, vector<16xf32>,
        tpu.vector_store %arg9[%swap3A_505, %swap3A_506, %swap3A_507], %gather3A_478 {strides = array<i32>} : memref<8x8x128xf32, #tpu.memory_space<vmem>>, vector<16xf32>,
        %swap3A_509 = arith.index_cast %shift_right_arithmetic3A_452 : i32 to index
        %swap3A_510 = arith.index_cast %and3A_454 : i32 to index
        %swap3A_511 = arith.constant 112 : index
        %swap3A_512 = tpu.vector_load %arg9[%swap3A_509, %swap3A_510, %swap3A_511] {strides = array<i32>} : memref<8x8x128xf32, #tpu.memory_space<vmem>>, vector<16xf32>,
        tpu.vector_store %arg9[%swap3A_509, %swap3A_510, %swap3A_511], %gather3A_481 {strides = array<i32>} : memref<8x8x128xf32, #tpu.memory_space<vmem>>, vector<16xf32>,
      }
      %scan3A_287 = arith.constant 64 : i32
      %mul3A_288 = arith.constant 8 : i32
      %mul3A_289 = arith.muli %select_n3A_30, %mul3A_288 : i32
      %dma_start3A_290 = arith.constant 2 : i32
      %dma_start3A_291 = arith.constant 0 : i32
      %dma_start3A_292 = arith.constant 0 : i32
      %dma_start3A_293 = tpu.memref_slice %arg4[%add3A_229, %dma_start3A_290, %mul3A_289, %dma_start3A_291, %dma_start3A_292] : memref<26x4x128x8x128xf32, #tpu.memory_space<hbm>> -> memref<1x1x8x8x128xf32, #tpu.memory_space<hbm>>
      %dma_start3A_294 = tpu.memref_squeeze %dma_start3A_293 : memref<1x1x8x8x128xf32, #tpu.memory_space<hbm>> -> memref<8x8x128xf32, #tpu.memory_space<hbm>>
      %dma_start3A_295 = arith.constant 0 : i32
      %dma_start3A_296 = arith.constant 0 : i32
      %dma_start3A_297 = tpu.memref_slice %arg4[%add3A_229, %dma_start3A_290, %mul3A_289, %dma_start3A_295, %dma_start3A_296] : memref<26x4x128x8x128xf32, #tpu.memory_space<hbm>> -> memref<1x1x8x8x128xf32, #tpu.memory_space<hbm>>
      %dma_start3A_298 = tpu.memref_squeeze %dma_start3A_297 : memref<1x1x8x8x128xf32, #tpu.memory_space<hbm>> -> memref<8x8x128xf32, #tpu.memory_space<hbm>>
      tpu.enqueue_dma source(%arg9 : memref<8x8x128xf32, #tpu.memory_space<vmem>>) target(%dma_start3A_298 : memref<8x8x128xf32, #tpu.memory_space<hbm>>) target_semaphore(%arg13 : memref<!tpu.dma_semaphore, #tpu.memory_space<semaphore_mem>>)
      %mul3A_299 = arith.constant 8 : i32
      %mul3A_300 = arith.muli %select_n3A_30, %mul3A_299 : i32
      %dma_wait3A_301 = arith.constant 3 : i32
      %dma_wait3A_302 = arith.constant 0 : i32
      %dma_wait3A_303 = arith.constant 0 : i32
      %dma_wait3A_304 = tpu.memref_slice %arg4[%add3A_229, %dma_wait3A_301, %mul3A_300, %dma_wait3A_302, %dma_wait3A_303] : memref<26x4x128x8x128xf32, #tpu.memory_space<hbm>> -> memref<1x1x8x8x128xf32, #tpu.memory_space<hbm>>
      %dma_wait3A_305 = tpu.memref_squeeze %dma_wait3A_304 : memref<1x1x8x8x128xf32, #tpu.memory_space<hbm>> -> memref<8x8x128xf32, #tpu.memory_space<hbm>>
      %dma_wait3A_306 = arith.constant 0 : i32
      %dma_wait3A_307 = arith.constant 0 : i32
      %dma_wait3A_308 = tpu.memref_slice %arg4[%add3A_229, %dma_wait3A_301, %mul3A_300, %dma_wait3A_306, %dma_wait3A_307] : memref<26x4x128x8x128xf32, #tpu.memory_space<hbm>> -> memref<1x1x8x8x128xf32, #tpu.memory_space<hbm>>
      %dma_wait3A_309 = tpu.memref_squeeze %dma_wait3A_308 : memref<1x1x8x8x128xf32, #tpu.memory_space<hbm>> -> memref<8x8x128xf32, #tpu.memory_space<hbm>>
      tpu.wait_dma2 semaphore(%arg14 : memref<!tpu.dma_semaphore, #tpu.memory_space<semaphore_mem>>) src(%arg10 : memref<8x8x128xf32, #tpu.memory_space<vmem>>) dst(%dma_wait3A_309 : memref<8x8x128xf32, #tpu.memory_space<hbm>>)
      %scan3A_310 = arith.constant 0 : i32
      %scan3A_311 = arith.constant 0 : i32
      %scan3A_312 = arith.constant 64 : i32
      %scan3A_313 = arith.addi %scan3A_311, %scan3A_312 : i32
      %scan3A_314 = arith.constant 1 : i32
      scf.for %scan3A_451 = %scan3A_311 to %scan3A_313 step %scan3A_314  : i32 {
        %shift_right_arithmetic3A = arith.constant 3 : i32
        %shift_right_arithmetic3A_452 = arith.shrsi %scan3A_451, %shift_right_arithmetic3A : i32
        %and3A_453 = arith.constant 7 : i32
        %and3A_454 = arith.andi %scan3A_451, %and3A_453 : i32
        %add3A_455 = arith.constant 24 : i32
        %add3A_456 = arith.addi %add3A_455, %and3A_454 : i32
        %broadcast_in_dim3A = vector.broadcast %add3A_456 : i32 to vector<16xi32>
        %mul3A_457 = arith.constant 128 : i32
        %mul3A_458 = arith.muli %shift_right_arithmetic3A_452, %mul3A_457 : i32
        %add3A_459 = vector.broadcast %mul3A_458 : i32 to vector<16xi32>
        %add3A_460 = arith.addi %add3A_35, %add3A_459 : vector<16xi32>
        %gather3A = tpu.vector_load_idx %arg7[%add3A_460, %broadcast_in_dim3A] : memref<1024x32xf32, #tpu.memory_space<vmem>>[vector<16xi32>, vector<16xi32>], vector<16xf32>,
        %add3A_461 = vector.broadcast %mul3A_458 : i32 to vector<16xi32>
        %add3A_462 = arith.addi %add3A_38, %add3A_461 : vector<16xi32>
        %gather3A_463 = tpu.vector_load_idx %arg7[%add3A_462, %broadcast_in_dim3A] : memref<1024x32xf32, #tpu.memory_space<vmem>>[vector<16xi32>, vector<16xi32>], vector<16xf32>,
        %add3A_464 = vector.broadcast %mul3A_458 : i32 to vector<16xi32>
        %add3A_465 = arith.addi %add3A_41, %add3A_464 : vector<16xi32>
        %gather3A_466 = tpu.vector_load_idx %arg7[%add3A_465, %broadcast_in_dim3A] : memref<1024x32xf32, #tpu.memory_space<vmem>>[vector<16xi32>, vector<16xi32>], vector<16xf32>,
        %add3A_467 = vector.broadcast %mul3A_458 : i32 to vector<16xi32>
        %add3A_468 = arith.addi %add3A_44, %add3A_467 : vector<16xi32>
        %gather3A_469 = tpu.vector_load_idx %arg7[%add3A_468, %broadcast_in_dim3A] : memref<1024x32xf32, #tpu.memory_space<vmem>>[vector<16xi32>, vector<16xi32>], vector<16xf32>,
        %add3A_470 = vector.broadcast %mul3A_458 : i32 to vector<16xi32>
        %add3A_471 = arith.addi %add3A_47, %add3A_470 : vector<16xi32>
        %gather3A_472 = tpu.vector_load_idx %arg7[%add3A_471, %broadcast_in_dim3A] : memref<1024x32xf32, #tpu.memory_space<vmem>>[vector<16xi32>, vector<16xi32>], vector<16xf32>,
        %add3A_473 = vector.broadcast %mul3A_458 : i32 to vector<16xi32>
        %add3A_474 = arith.addi %add3A_50, %add3A_473 : vector<16xi32>
        %gather3A_475 = tpu.vector_load_idx %arg7[%add3A_474, %broadcast_in_dim3A] : memref<1024x32xf32, #tpu.memory_space<vmem>>[vector<16xi32>, vector<16xi32>], vector<16xf32>,
        %add3A_476 = vector.broadcast %mul3A_458 : i32 to vector<16xi32>
        %add3A_477 = arith.addi %add3A_53, %add3A_476 : vector<16xi32>
        %gather3A_478 = tpu.vector_load_idx %arg7[%add3A_477, %broadcast_in_dim3A] : memref<1024x32xf32, #tpu.memory_space<vmem>>[vector<16xi32>, vector<16xi32>], vector<16xf32>,
        %add3A_479 = vector.broadcast %mul3A_458 : i32 to vector<16xi32>
        %add3A_480 = arith.addi %add3A_56, %add3A_479 : vector<16xi32>
        %gather3A_481 = tpu.vector_load_idx %arg7[%add3A_480, %broadcast_in_dim3A] : memref<1024x32xf32, #tpu.memory_space<vmem>>[vector<16xi32>, vector<16xi32>], vector<16xf32>,
        %swap3A = arith.index_cast %shift_right_arithmetic3A_452 : i32 to index
        %swap3A_482 = arith.index_cast %and3A_454 : i32 to index
        %swap3A_483 = arith.constant 0 : index
        %swap3A_484 = tpu.vector_load %arg10[%swap3A, %swap3A_482, %swap3A_483] {strides = array<i32>} : memref<8x8x128xf32, #tpu.memory_space<vmem>>, vector<16xf32>,
        tpu.vector_store %arg10[%swap3A, %swap3A_482, %swap3A_483], %gather3A {strides = array<i32>} : memref<8x8x128xf32, #tpu.memory_space<vmem>>, vector<16xf32>,
        %swap3A_485 = arith.index_cast %shift_right_arithmetic3A_452 : i32 to index
        %swap3A_486 = arith.index_cast %and3A_454 : i32 to index
        %swap3A_487 = arith.constant 16 : index
        %swap3A_488 = tpu.vector_load %arg10[%swap3A_485, %swap3A_486, %swap3A_487] {strides = array<i32>} : memref<8x8x128xf32, #tpu.memory_space<vmem>>, vector<16xf32>,
        tpu.vector_store %arg10[%swap3A_485, %swap3A_486, %swap3A_487], %gather3A_463 {strides = array<i32>} : memref<8x8x128xf32, #tpu.memory_space<vmem>>, vector<16xf32>,
        %swap3A_489 = arith.index_cast %shift_right_arithmetic3A_452 : i32 to index
        %swap3A_490 = arith.index_cast %and3A_454 : i32 to index
        %swap3A_491 = arith.constant 32 : index
        %swap3A_492 = tpu.vector_load %arg10[%swap3A_489, %swap3A_490, %swap3A_491] {strides = array<i32>} : memref<8x8x128xf32, #tpu.memory_space<vmem>>, vector<16xf32>,
        tpu.vector_store %arg10[%swap3A_489, %swap3A_490, %swap3A_491], %gather3A_466 {strides = array<i32>} : memref<8x8x128xf32, #tpu.memory_space<vmem>>, vector<16xf32>,
        %swap3A_493 = arith.index_cast %shift_right_arithmetic3A_452 : i32 to index
        %swap3A_494 = arith.index_cast %and3A_454 : i32 to index
        %swap3A_495 = arith.constant 48 : index
        %swap3A_496 = tpu.vector_load %arg10[%swap3A_493, %swap3A_494, %swap3A_495] {strides = array<i32>} : memref<8x8x128xf32, #tpu.memory_space<vmem>>, vector<16xf32>,
        tpu.vector_store %arg10[%swap3A_493, %swap3A_494, %swap3A_495], %gather3A_469 {strides = array<i32>} : memref<8x8x128xf32, #tpu.memory_space<vmem>>, vector<16xf32>,
        %swap3A_497 = arith.index_cast %shift_right_arithmetic3A_452 : i32 to index
        %swap3A_498 = arith.index_cast %and3A_454 : i32 to index
        %swap3A_499 = arith.constant 64 : index
        %swap3A_500 = tpu.vector_load %arg10[%swap3A_497, %swap3A_498, %swap3A_499] {strides = array<i32>} : memref<8x8x128xf32, #tpu.memory_space<vmem>>, vector<16xf32>,
        tpu.vector_store %arg10[%swap3A_497, %swap3A_498, %swap3A_499], %gather3A_472 {strides = array<i32>} : memref<8x8x128xf32, #tpu.memory_space<vmem>>, vector<16xf32>,
        %swap3A_501 = arith.index_cast %shift_right_arithmetic3A_452 : i32 to index
        %swap3A_502 = arith.index_cast %and3A_454 : i32 to index
        %swap3A_503 = arith.constant 80 : index
        %swap3A_504 = tpu.vector_load %arg10[%swap3A_501, %swap3A_502, %swap3A_503] {strides = array<i32>} : memref<8x8x128xf32, #tpu.memory_space<vmem>>, vector<16xf32>,
        tpu.vector_store %arg10[%swap3A_501, %swap3A_502, %swap3A_503], %gather3A_475 {strides = array<i32>} : memref<8x8x128xf32, #tpu.memory_space<vmem>>, vector<16xf32>,
        %swap3A_505 = arith.index_cast %shift_right_arithmetic3A_452 : i32 to index
        %swap3A_506 = arith.index_cast %and3A_454 : i32 to index
        %swap3A_507 = arith.constant 96 : index
        %swap3A_508 = tpu.vector_load %arg10[%swap3A_505, %swap3A_506, %swap3A_507] {strides = array<i32>} : memref<8x8x128xf32, #tpu.memory_space<vmem>>, vector<16xf32>,
        tpu.vector_store %arg10[%swap3A_505, %swap3A_506, %swap3A_507], %gather3A_478 {strides = array<i32>} : memref<8x8x128xf32, #tpu.memory_space<vmem>>, vector<16xf32>,
        %swap3A_509 = arith.index_cast %shift_right_arithmetic3A_452 : i32 to index
        %swap3A_510 = arith.index_cast %and3A_454 : i32 to index
        %swap3A_511 = arith.constant 112 : index
        %swap3A_512 = tpu.vector_load %arg10[%swap3A_509, %swap3A_510, %swap3A_511] {strides = array<i32>} : memref<8x8x128xf32, #tpu.memory_space<vmem>>, vector<16xf32>,
        tpu.vector_store %arg10[%swap3A_509, %swap3A_510, %swap3A_511], %gather3A_481 {strides = array<i32>} : memref<8x8x128xf32, #tpu.memory_space<vmem>>, vector<16xf32>,
      }
      %scan3A_315 = arith.constant 64 : i32
      %mul3A_316 = arith.constant 8 : i32
      %mul3A_317 = arith.muli %select_n3A_30, %mul3A_316 : i32
      %dma_start3A_318 = arith.constant 3 : i32
      %dma_start3A_319 = arith.constant 0 : i32
      %dma_start3A_320 = arith.constant 0 : i32
      %dma_start3A_321 = tpu.memref_slice %arg4[%add3A_229, %dma_start3A_318, %mul3A_317, %dma_start3A_319, %dma_start3A_320] : memref<26x4x128x8x128xf32, #tpu.memory_space<hbm>> -> memref<1x1x8x8x128xf32, #tpu.memory_space<hbm>>
      %dma_start3A_322 = tpu.memref_squeeze %dma_start3A_321 : memref<1x1x8x8x128xf32, #tpu.memory_space<hbm>> -> memref<8x8x128xf32, #tpu.memory_space<hbm>>
      %dma_start3A_323 = arith.constant 0 : i32
      %dma_start3A_324 = arith.constant 0 : i32
      %dma_start3A_325 = tpu.memref_slice %arg4[%add3A_229, %dma_start3A_318, %mul3A_317, %dma_start3A_323, %dma_start3A_324] : memref<26x4x128x8x128xf32, #tpu.memory_space<hbm>> -> memref<1x1x8x8x128xf32, #tpu.memory_space<hbm>>
      %dma_start3A_326 = tpu.memref_squeeze %dma_start3A_325 : memref<1x1x8x8x128xf32, #tpu.memory_space<hbm>> -> memref<8x8x128xf32, #tpu.memory_space<hbm>>
      tpu.enqueue_dma source(%arg10 : memref<8x8x128xf32, #tpu.memory_space<vmem>>) target(%dma_start3A_326 : memref<8x8x128xf32, #tpu.memory_space<hbm>>) target_semaphore(%arg14 : memref<!tpu.dma_semaphore, #tpu.memory_space<semaphore_mem>>)
      %add3A_327 = arith.constant 2 : i32
      %add3A_328 = arith.addi %add3A_223, %add3A_327 : i32
      %lt3A_329 = arith.constant 13 : i32
      %lt3A_330 = arith.cmpi slt, %add3A_328, %lt3A_329 : i32
      %convert_element_type3A_331 = arith.extui %lt3A_330 : i1 to i32
      %cond3A_332 = arith.constant 0 : i32
      %cond3A_333 = arith.cmpi ne, %convert_element_type3A_331, %cond3A_332 : i32
      scf.if %cond3A_333 {
        %add3A_451 = arith.constant 2 : i32
        %add3A_452 = arith.addi %add3A_223, %add3A_451 : i32
        %mul3A_453 = arith.constant 13 : i32
        %mul3A_454 = arith.muli %select_n3A_9, %mul3A_453 : i32
        %add3A_455 = arith.addi %mul3A_454, %add3A_452 : i32
        "tpu.region"() ({
          %run_scoped3A = tpu.sem_alloc : memref<!tpu.dma_semaphore, #tpu.memory_space<semaphore_mem>>
          %dma_start3A_459 = tpu.memref_slice %arg3[%add3A_455, %mul3A_32] : memref<26x16384xi32, #tpu.memory_space<hbm>> -> memref<1x1024xi32, #tpu.memory_space<hbm>>
          %dma_start3A_460 = tpu.memref_squeeze %dma_start3A_459 : memref<1x1024xi32, #tpu.memory_space<hbm>> -> memref<1024xi32, #tpu.memory_space<hbm>>
          %dma_start3A_461 = tpu.memref_slice %arg3[%add3A_455, %mul3A_32] : memref<26x16384xi32, #tpu.memory_space<hbm>> -> memref<1x1024xi32, #tpu.memory_space<hbm>>
          %dma_start3A_462 = tpu.memref_squeeze %dma_start3A_461 : memref<1x1024xi32, #tpu.memory_space<hbm>> -> memref<1024xi32, #tpu.memory_space<hbm>>
          tpu.enqueue_dma source(%dma_start3A_462 : memref<1024xi32, #tpu.memory_space<hbm>>) target(%arg5 : memref<1024xi32, #tpu.memory_space<vmem>>) target_semaphore(%run_scoped3A : memref<!tpu.dma_semaphore, #tpu.memory_space<semaphore_mem>>)
          %dma_wait3A_463 = tpu.memref_slice %arg3[%add3A_455, %mul3A_32] : memref<26x16384xi32, #tpu.memory_space<hbm>> -> memref<1x1024xi32, #tpu.memory_space<hbm>>
          %dma_wait3A_464 = tpu.memref_squeeze %dma_wait3A_463 : memref<1x1024xi32, #tpu.memory_space<hbm>> -> memref<1024xi32, #tpu.memory_space<hbm>>
          %dma_wait3A_465 = tpu.memref_slice %arg3[%add3A_455, %mul3A_32] : memref<26x16384xi32, #tpu.memory_space<hbm>> -> memref<1x1024xi32, #tpu.memory_space<hbm>>
          %dma_wait3A_466 = tpu.memref_squeeze %dma_wait3A_465 : memref<1x1024xi32, #tpu.memory_space<hbm>> -> memref<1024xi32, #tpu.memory_space<hbm>>
          tpu.wait_dma2 semaphore(%run_scoped3A : memref<!tpu.dma_semaphore, #tpu.memory_space<semaphore_mem>>) src(%dma_wait3A_466 : memref<1024xi32, #tpu.memory_space<hbm>>) dst(%arg5 : memref<1024xi32, #tpu.memory_space<vmem>>)
          tpu.yield
        }) : () -> ()
        %dma_start3A_456 = arith.constant 0 : i32
        %dma_start3A_457 = arith.constant 0 : i32
        %dma_start3A_458 = tpu.memref_slice %arg2[%dma_start3A_456, %dma_start3A_457] : memref<4000000x32xf32, #tpu.memory_space<hbm>> -> memref<4000000x32xf32, #tpu.memory_space<hbm>>
        tpu.enqueue_indirect_dma source(%dma_start3A_458 : memref<4000000x32xf32, #tpu.memory_space<hbm>>) target(%arg7 : memref<1024x32xf32, #tpu.memory_space<vmem>>) offsets(%arg5 : memref<1024xi32, #tpu.memory_space<vmem>>) semaphore(%arg11 : memref<!tpu.dma_semaphore, #tpu.memory_space<semaphore_mem>>)
      } else {
      }
      %mul3A_334 = arith.constant 2 : i32
      %mul3A_335 = arith.muli %scan3A_219, %mul3A_334 : i32
      %add3A_336 = arith.constant 1 : i32
      %add3A_337 = arith.addi %mul3A_335, %add3A_336 : i32
      %dma_wait3A_338 = arith.constant 0 : i32
      %dma_wait3A_339 = arith.constant 0 : i32
      %dma_wait3A_340 = tpu.memref_slice %arg2[%dma_wait3A_338, %dma_wait3A_339] : memref<4000000x32xf32, #tpu.memory_space<hbm>> -> memref<4000000x32xf32, #tpu.memory_space<hbm>>
      tpu.wait_indirect_dma semaphore(%arg12 : memref<!tpu.dma_semaphore, #tpu.memory_space<semaphore_mem>>) src(%dma_wait3A_340 : memref<4000000x32xf32, #tpu.memory_space<hbm>>) dst(%arg8 : memref<1024x32xf32, #tpu.memory_space<vmem>>)
      %mul3A_341 = arith.constant 13 : i32
      %mul3A_342 = arith.muli %select_n3A_9, %mul3A_341 : i32
      %add3A_343 = arith.addi %mul3A_342, %add3A_337 : i32
      %gt3A_344 = arith.constant 0 : i32
      %gt3A_345 = arith.cmpi sgt, %add3A_337, %gt3A_344 : i32
      %convert_element_type3A_346 = arith.extui %gt3A_345 : i1 to i32
      %cond3A_347 = arith.constant 0 : i32
      %cond3A_348 = arith.cmpi ne, %convert_element_type3A_346, %cond3A_347 : i32
      scf.if %cond3A_348 {
        %mul3A_451 = arith.constant 8 : i32
        %mul3A_452 = arith.muli %select_n3A_30, %mul3A_451 : i32
        %dma_wait3A_453 = arith.constant 0 : i32
        %dma_wait3A_454 = arith.constant 0 : i32
        %dma_wait3A_455 = arith.constant 0 : i32
        %dma_wait3A_456 = tpu.memref_slice %arg4[%add3A_343, %dma_wait3A_453, %mul3A_452, %dma_wait3A_454, %dma_wait3A_455] : memref<26x4x128x8x128xf32, #tpu.memory_space<hbm>> -> memref<1x1x8x8x128xf32, #tpu.memory_space<hbm>>
        %dma_wait3A_457 = tpu.memref_squeeze %dma_wait3A_456 : memref<1x1x8x8x128xf32, #tpu.memory_space<hbm>> -> memref<8x8x128xf32, #tpu.memory_space<hbm>>
        %dma_wait3A_458 = arith.constant 0 : i32
        %dma_wait3A_459 = arith.constant 0 : i32
        %dma_wait3A_460 = tpu.memref_slice %arg4[%add3A_343, %dma_wait3A_453, %mul3A_452, %dma_wait3A_458, %dma_wait3A_459] : memref<26x4x128x8x128xf32, #tpu.memory_space<hbm>> -> memref<1x1x8x8x128xf32, #tpu.memory_space<hbm>>
        %dma_wait3A_461 = tpu.memref_squeeze %dma_wait3A_460 : memref<1x1x8x8x128xf32, #tpu.memory_space<hbm>> -> memref<8x8x128xf32, #tpu.memory_space<hbm>>
        tpu.wait_dma2 semaphore(%arg13 : memref<!tpu.dma_semaphore, #tpu.memory_space<semaphore_mem>>) src(%arg9 : memref<8x8x128xf32, #tpu.memory_space<vmem>>) dst(%dma_wait3A_461 : memref<8x8x128xf32, #tpu.memory_space<hbm>>)
      } else {
      }
      %scan3A_349 = arith.constant 0 : i32
      %scan3A_350 = arith.constant 0 : i32
      %scan3A_351 = arith.constant 64 : i32
      %scan3A_352 = arith.addi %scan3A_350, %scan3A_351 : i32
      %scan3A_353 = arith.constant 1 : i32
      scf.for %scan3A_451 = %scan3A_350 to %scan3A_352 step %scan3A_353  : i32 {
        %shift_right_arithmetic3A = arith.constant 3 : i32
        %shift_right_arithmetic3A_452 = arith.shrsi %scan3A_451, %shift_right_arithmetic3A : i32
        %and3A_453 = arith.constant 7 : i32
        %and3A_454 = arith.andi %scan3A_451, %and3A_453 : i32
        %add3A_455 = arith.constant 0 : i32
        %add3A_456 = arith.addi %add3A_455, %and3A_454 : i32
        %broadcast_in_dim3A = vector.broadcast %add3A_456 : i32 to vector<16xi32>
        %mul3A_457 = arith.constant 128 : i32
        %mul3A_458 = arith.muli %shift_right_arithmetic3A_452, %mul3A_457 : i32
        %add3A_459 = vector.broadcast %mul3A_458 : i32 to vector<16xi32>
        %add3A_460 = arith.addi %add3A_35, %add3A_459 : vector<16xi32>
        %gather3A = tpu.vector_load_idx %arg8[%add3A_460, %broadcast_in_dim3A] : memref<1024x32xf32, #tpu.memory_space<vmem>>[vector<16xi32>, vector<16xi32>], vector<16xf32>,
        %add3A_461 = vector.broadcast %mul3A_458 : i32 to vector<16xi32>
        %add3A_462 = arith.addi %add3A_38, %add3A_461 : vector<16xi32>
        %gather3A_463 = tpu.vector_load_idx %arg8[%add3A_462, %broadcast_in_dim3A] : memref<1024x32xf32, #tpu.memory_space<vmem>>[vector<16xi32>, vector<16xi32>], vector<16xf32>,
        %add3A_464 = vector.broadcast %mul3A_458 : i32 to vector<16xi32>
        %add3A_465 = arith.addi %add3A_41, %add3A_464 : vector<16xi32>
        %gather3A_466 = tpu.vector_load_idx %arg8[%add3A_465, %broadcast_in_dim3A] : memref<1024x32xf32, #tpu.memory_space<vmem>>[vector<16xi32>, vector<16xi32>], vector<16xf32>,
        %add3A_467 = vector.broadcast %mul3A_458 : i32 to vector<16xi32>
        %add3A_468 = arith.addi %add3A_44, %add3A_467 : vector<16xi32>
        %gather3A_469 = tpu.vector_load_idx %arg8[%add3A_468, %broadcast_in_dim3A] : memref<1024x32xf32, #tpu.memory_space<vmem>>[vector<16xi32>, vector<16xi32>], vector<16xf32>,
        %add3A_470 = vector.broadcast %mul3A_458 : i32 to vector<16xi32>
        %add3A_471 = arith.addi %add3A_47, %add3A_470 : vector<16xi32>
        %gather3A_472 = tpu.vector_load_idx %arg8[%add3A_471, %broadcast_in_dim3A] : memref<1024x32xf32, #tpu.memory_space<vmem>>[vector<16xi32>, vector<16xi32>], vector<16xf32>,
        %add3A_473 = vector.broadcast %mul3A_458 : i32 to vector<16xi32>
        %add3A_474 = arith.addi %add3A_50, %add3A_473 : vector<16xi32>
        %gather3A_475 = tpu.vector_load_idx %arg8[%add3A_474, %broadcast_in_dim3A] : memref<1024x32xf32, #tpu.memory_space<vmem>>[vector<16xi32>, vector<16xi32>], vector<16xf32>,
        %add3A_476 = vector.broadcast %mul3A_458 : i32 to vector<16xi32>
        %add3A_477 = arith.addi %add3A_53, %add3A_476 : vector<16xi32>
        %gather3A_478 = tpu.vector_load_idx %arg8[%add3A_477, %broadcast_in_dim3A] : memref<1024x32xf32, #tpu.memory_space<vmem>>[vector<16xi32>, vector<16xi32>], vector<16xf32>,
        %add3A_479 = vector.broadcast %mul3A_458 : i32 to vector<16xi32>
        %add3A_480 = arith.addi %add3A_56, %add3A_479 : vector<16xi32>
        %gather3A_481 = tpu.vector_load_idx %arg8[%add3A_480, %broadcast_in_dim3A] : memref<1024x32xf32, #tpu.memory_space<vmem>>[vector<16xi32>, vector<16xi32>], vector<16xf32>,
        %swap3A = arith.index_cast %shift_right_arithmetic3A_452 : i32 to index
        %swap3A_482 = arith.index_cast %and3A_454 : i32 to index
        %swap3A_483 = arith.constant 0 : index
        %swap3A_484 = tpu.vector_load %arg9[%swap3A, %swap3A_482, %swap3A_483] {strides = array<i32>} : memref<8x8x128xf32, #tpu.memory_space<vmem>>, vector<16xf32>,
        tpu.vector_store %arg9[%swap3A, %swap3A_482, %swap3A_483], %gather3A {strides = array<i32>} : memref<8x8x128xf32, #tpu.memory_space<vmem>>, vector<16xf32>,
        %swap3A_485 = arith.index_cast %shift_right_arithmetic3A_452 : i32 to index
        %swap3A_486 = arith.index_cast %and3A_454 : i32 to index
        %swap3A_487 = arith.constant 16 : index
        %swap3A_488 = tpu.vector_load %arg9[%swap3A_485, %swap3A_486, %swap3A_487] {strides = array<i32>} : memref<8x8x128xf32, #tpu.memory_space<vmem>>, vector<16xf32>,
        tpu.vector_store %arg9[%swap3A_485, %swap3A_486, %swap3A_487], %gather3A_463 {strides = array<i32>} : memref<8x8x128xf32, #tpu.memory_space<vmem>>, vector<16xf32>,
        %swap3A_489 = arith.index_cast %shift_right_arithmetic3A_452 : i32 to index
        %swap3A_490 = arith.index_cast %and3A_454 : i32 to index
        %swap3A_491 = arith.constant 32 : index
        %swap3A_492 = tpu.vector_load %arg9[%swap3A_489, %swap3A_490, %swap3A_491] {strides = array<i32>} : memref<8x8x128xf32, #tpu.memory_space<vmem>>, vector<16xf32>,
        tpu.vector_store %arg9[%swap3A_489, %swap3A_490, %swap3A_491], %gather3A_466 {strides = array<i32>} : memref<8x8x128xf32, #tpu.memory_space<vmem>>, vector<16xf32>,
        %swap3A_493 = arith.index_cast %shift_right_arithmetic3A_452 : i32 to index
        %swap3A_494 = arith.index_cast %and3A_454 : i32 to index
        %swap3A_495 = arith.constant 48 : index
        %swap3A_496 = tpu.vector_load %arg9[%swap3A_493, %swap3A_494, %swap3A_495] {strides = array<i32>} : memref<8x8x128xf32, #tpu.memory_space<vmem>>, vector<16xf32>,
        tpu.vector_store %arg9[%swap3A_493, %swap3A_494, %swap3A_495], %gather3A_469 {strides = array<i32>} : memref<8x8x128xf32, #tpu.memory_space<vmem>>, vector<16xf32>,
        %swap3A_497 = arith.index_cast %shift_right_arithmetic3A_452 : i32 to index
        %swap3A_498 = arith.index_cast %and3A_454 : i32 to index
        %swap3A_499 = arith.constant 64 : index
        %swap3A_500 = tpu.vector_load %arg9[%swap3A_497, %swap3A_498, %swap3A_499] {strides = array<i32>} : memref<8x8x128xf32, #tpu.memory_space<vmem>>, vector<16xf32>,
        tpu.vector_store %arg9[%swap3A_497, %swap3A_498, %swap3A_499], %gather3A_472 {strides = array<i32>} : memref<8x8x128xf32, #tpu.memory_space<vmem>>, vector<16xf32>,
        %swap3A_501 = arith.index_cast %shift_right_arithmetic3A_452 : i32 to index
        %swap3A_502 = arith.index_cast %and3A_454 : i32 to index
        %swap3A_503 = arith.constant 80 : index
        %swap3A_504 = tpu.vector_load %arg9[%swap3A_501, %swap3A_502, %swap3A_503] {strides = array<i32>} : memref<8x8x128xf32, #tpu.memory_space<vmem>>, vector<16xf32>,
        tpu.vector_store %arg9[%swap3A_501, %swap3A_502, %swap3A_503], %gather3A_475 {strides = array<i32>} : memref<8x8x128xf32, #tpu.memory_space<vmem>>, vector<16xf32>,
        %swap3A_505 = arith.index_cast %shift_right_arithmetic3A_452 : i32 to index
        %swap3A_506 = arith.index_cast %and3A_454 : i32 to index
        %swap3A_507 = arith.constant 96 : index
        %swap3A_508 = tpu.vector_load %arg9[%swap3A_505, %swap3A_506, %swap3A_507] {strides = array<i32>} : memref<8x8x128xf32, #tpu.memory_space<vmem>>, vector<16xf32>,
        tpu.vector_store %arg9[%swap3A_505, %swap3A_506, %swap3A_507], %gather3A_478 {strides = array<i32>} : memref<8x8x128xf32, #tpu.memory_space<vmem>>, vector<16xf32>,
        %swap3A_509 = arith.index_cast %shift_right_arithmetic3A_452 : i32 to index
        %swap3A_510 = arith.index_cast %and3A_454 : i32 to index
        %swap3A_511 = arith.constant 112 : index
        %swap3A_512 = tpu.vector_load %arg9[%swap3A_509, %swap3A_510, %swap3A_511] {strides = array<i32>} : memref<8x8x128xf32, #tpu.memory_space<vmem>>, vector<16xf32>,
        tpu.vector_store %arg9[%swap3A_509, %swap3A_510, %swap3A_511], %gather3A_481 {strides = array<i32>} : memref<8x8x128xf32, #tpu.memory_space<vmem>>, vector<16xf32>,
      }
      %scan3A_354 = arith.constant 64 : i32
      %mul3A_355 = arith.constant 8 : i32
      %mul3A_356 = arith.muli %select_n3A_30, %mul3A_355 : i32
      %dma_start3A_357 = arith.constant 0 : i32
      %dma_start3A_358 = arith.constant 0 : i32
      %dma_start3A_359 = arith.constant 0 : i32
      %dma_start3A_360 = tpu.memref_slice %arg4[%add3A_343, %dma_start3A_357, %mul3A_356, %dma_start3A_358, %dma_start3A_359] : memref<26x4x128x8x128xf32, #tpu.memory_space<hbm>> -> memref<1x1x8x8x128xf32, #tpu.memory_space<hbm>>
      %dma_start3A_361 = tpu.memref_squeeze %dma_start3A_360 : memref<1x1x8x8x128xf32, #tpu.memory_space<hbm>> -> memref<8x8x128xf32, #tpu.memory_space<hbm>>
      %dma_start3A_362 = arith.constant 0 : i32
      %dma_start3A_363 = arith.constant 0 : i32
      %dma_start3A_364 = tpu.memref_slice %arg4[%add3A_343, %dma_start3A_357, %mul3A_356, %dma_start3A_362, %dma_start3A_363] : memref<26x4x128x8x128xf32, #tpu.memory_space<hbm>> -> memref<1x1x8x8x128xf32, #tpu.memory_space<hbm>>
      %dma_start3A_365 = tpu.memref_squeeze %dma_start3A_364 : memref<1x1x8x8x128xf32, #tpu.memory_space<hbm>> -> memref<8x8x128xf32, #tpu.memory_space<hbm>>
      tpu.enqueue_dma source(%arg9 : memref<8x8x128xf32, #tpu.memory_space<vmem>>) target(%dma_start3A_365 : memref<8x8x128xf32, #tpu.memory_space<hbm>>) target_semaphore(%arg13 : memref<!tpu.dma_semaphore, #tpu.memory_space<semaphore_mem>>)
      %gt3A_366 = arith.constant 0 : i32
      %gt3A_367 = arith.cmpi sgt, %add3A_337, %gt3A_366 : i32
      %convert_element_type3A_368 = arith.extui %gt3A_367 : i1 to i32
      %cond3A_369 = arith.constant 0 : i32
      %cond3A_370 = arith.cmpi ne, %convert_element_type3A_368, %cond3A_369 : i32
      scf.if %cond3A_370 {
        %mul3A_451 = arith.constant 8 : i32
        %mul3A_452 = arith.muli %select_n3A_30, %mul3A_451 : i32
        %dma_wait3A_453 = arith.constant 1 : i32
        %dma_wait3A_454 = arith.constant 0 : i32
        %dma_wait3A_455 = arith.constant 0 : i32
        %dma_wait3A_456 = tpu.memref_slice %arg4[%add3A_343, %dma_wait3A_453, %mul3A_452, %dma_wait3A_454, %dma_wait3A_455] : memref<26x4x128x8x128xf32, #tpu.memory_space<hbm>> -> memref<1x1x8x8x128xf32, #tpu.memory_space<hbm>>
        %dma_wait3A_457 = tpu.memref_squeeze %dma_wait3A_456 : memref<1x1x8x8x128xf32, #tpu.memory_space<hbm>> -> memref<8x8x128xf32, #tpu.memory_space<hbm>>
        %dma_wait3A_458 = arith.constant 0 : i32
        %dma_wait3A_459 = arith.constant 0 : i32
        %dma_wait3A_460 = tpu.memref_slice %arg4[%add3A_343, %dma_wait3A_453, %mul3A_452, %dma_wait3A_458, %dma_wait3A_459] : memref<26x4x128x8x128xf32, #tpu.memory_space<hbm>> -> memref<1x1x8x8x128xf32, #tpu.memory_space<hbm>>
        %dma_wait3A_461 = tpu.memref_squeeze %dma_wait3A_460 : memref<1x1x8x8x128xf32, #tpu.memory_space<hbm>> -> memref<8x8x128xf32, #tpu.memory_space<hbm>>
        tpu.wait_dma2 semaphore(%arg14 : memref<!tpu.dma_semaphore, #tpu.memory_space<semaphore_mem>>) src(%arg10 : memref<8x8x128xf32, #tpu.memory_space<vmem>>) dst(%dma_wait3A_461 : memref<8x8x128xf32, #tpu.memory_space<hbm>>)
      } else {
      }
      %scan3A_371 = arith.constant 0 : i32
      %scan3A_372 = arith.constant 0 : i32
      %scan3A_373 = arith.constant 64 : i32
      %scan3A_374 = arith.addi %scan3A_372, %scan3A_373 : i32
      %scan3A_375 = arith.constant 1 : i32
      scf.for %scan3A_451 = %scan3A_372 to %scan3A_374 step %scan3A_375  : i32 {
        %shift_right_arithmetic3A = arith.constant 3 : i32
        %shift_right_arithmetic3A_452 = arith.shrsi %scan3A_451, %shift_right_arithmetic3A : i32
        %and3A_453 = arith.constant 7 : i32
        %and3A_454 = arith.andi %scan3A_451, %and3A_453 : i32
        %add3A_455 = arith.constant 8 : i32
        %add3A_456 = arith.addi %add3A_455, %and3A_454 : i32
        %broadcast_in_dim3A = vector.broadcast %add3A_456 : i32 to vector<16xi32>
        %mul3A_457 = arith.constant 128 : i32
        %mul3A_458 = arith.muli %shift_right_arithmetic3A_452, %mul3A_457 : i32
        %add3A_459 = vector.broadcast %mul3A_458 : i32 to vector<16xi32>
        %add3A_460 = arith.addi %add3A_35, %add3A_459 : vector<16xi32>
        %gather3A = tpu.vector_load_idx %arg8[%add3A_460, %broadcast_in_dim3A] : memref<1024x32xf32, #tpu.memory_space<vmem>>[vector<16xi32>, vector<16xi32>], vector<16xf32>,
        %add3A_461 = vector.broadcast %mul3A_458 : i32 to vector<16xi32>
        %add3A_462 = arith.addi %add3A_38, %add3A_461 : vector<16xi32>
        %gather3A_463 = tpu.vector_load_idx %arg8[%add3A_462, %broadcast_in_dim3A] : memref<1024x32xf32, #tpu.memory_space<vmem>>[vector<16xi32>, vector<16xi32>], vector<16xf32>,
        %add3A_464 = vector.broadcast %mul3A_458 : i32 to vector<16xi32>
        %add3A_465 = arith.addi %add3A_41, %add3A_464 : vector<16xi32>
        %gather3A_466 = tpu.vector_load_idx %arg8[%add3A_465, %broadcast_in_dim3A] : memref<1024x32xf32, #tpu.memory_space<vmem>>[vector<16xi32>, vector<16xi32>], vector<16xf32>,
        %add3A_467 = vector.broadcast %mul3A_458 : i32 to vector<16xi32>
        %add3A_468 = arith.addi %add3A_44, %add3A_467 : vector<16xi32>
        %gather3A_469 = tpu.vector_load_idx %arg8[%add3A_468, %broadcast_in_dim3A] : memref<1024x32xf32, #tpu.memory_space<vmem>>[vector<16xi32>, vector<16xi32>], vector<16xf32>,
        %add3A_470 = vector.broadcast %mul3A_458 : i32 to vector<16xi32>
        %add3A_471 = arith.addi %add3A_47, %add3A_470 : vector<16xi32>
        %gather3A_472 = tpu.vector_load_idx %arg8[%add3A_471, %broadcast_in_dim3A] : memref<1024x32xf32, #tpu.memory_space<vmem>>[vector<16xi32>, vector<16xi32>], vector<16xf32>,
        %add3A_473 = vector.broadcast %mul3A_458 : i32 to vector<16xi32>
        %add3A_474 = arith.addi %add3A_50, %add3A_473 : vector<16xi32>
        %gather3A_475 = tpu.vector_load_idx %arg8[%add3A_474, %broadcast_in_dim3A] : memref<1024x32xf32, #tpu.memory_space<vmem>>[vector<16xi32>, vector<16xi32>], vector<16xf32>,
        %add3A_476 = vector.broadcast %mul3A_458 : i32 to vector<16xi32>
        %add3A_477 = arith.addi %add3A_53, %add3A_476 : vector<16xi32>
        %gather3A_478 = tpu.vector_load_idx %arg8[%add3A_477, %broadcast_in_dim3A] : memref<1024x32xf32, #tpu.memory_space<vmem>>[vector<16xi32>, vector<16xi32>], vector<16xf32>,
        %add3A_479 = vector.broadcast %mul3A_458 : i32 to vector<16xi32>
        %add3A_480 = arith.addi %add3A_56, %add3A_479 : vector<16xi32>
        %gather3A_481 = tpu.vector_load_idx %arg8[%add3A_480, %broadcast_in_dim3A] : memref<1024x32xf32, #tpu.memory_space<vmem>>[vector<16xi32>, vector<16xi32>], vector<16xf32>,
        %swap3A = arith.index_cast %shift_right_arithmetic3A_452 : i32 to index
        %swap3A_482 = arith.index_cast %and3A_454 : i32 to index
        %swap3A_483 = arith.constant 0 : index
        %swap3A_484 = tpu.vector_load %arg10[%swap3A, %swap3A_482, %swap3A_483] {strides = array<i32>} : memref<8x8x128xf32, #tpu.memory_space<vmem>>, vector<16xf32>,
        tpu.vector_store %arg10[%swap3A, %swap3A_482, %swap3A_483], %gather3A {strides = array<i32>} : memref<8x8x128xf32, #tpu.memory_space<vmem>>, vector<16xf32>,
        %swap3A_485 = arith.index_cast %shift_right_arithmetic3A_452 : i32 to index
        %swap3A_486 = arith.index_cast %and3A_454 : i32 to index
        %swap3A_487 = arith.constant 16 : index
        %swap3A_488 = tpu.vector_load %arg10[%swap3A_485, %swap3A_486, %swap3A_487] {strides = array<i32>} : memref<8x8x128xf32, #tpu.memory_space<vmem>>, vector<16xf32>,
        tpu.vector_store %arg10[%swap3A_485, %swap3A_486, %swap3A_487], %gather3A_463 {strides = array<i32>} : memref<8x8x128xf32, #tpu.memory_space<vmem>>, vector<16xf32>,
        %swap3A_489 = arith.index_cast %shift_right_arithmetic3A_452 : i32 to index
        %swap3A_490 = arith.index_cast %and3A_454 : i32 to index
        %swap3A_491 = arith.constant 32 : index
        %swap3A_492 = tpu.vector_load %arg10[%swap3A_489, %swap3A_490, %swap3A_491] {strides = array<i32>} : memref<8x8x128xf32, #tpu.memory_space<vmem>>, vector<16xf32>,
        tpu.vector_store %arg10[%swap3A_489, %swap3A_490, %swap3A_491], %gather3A_466 {strides = array<i32>} : memref<8x8x128xf32, #tpu.memory_space<vmem>>, vector<16xf32>,
        %swap3A_493 = arith.index_cast %shift_right_arithmetic3A_452 : i32 to index
        %swap3A_494 = arith.index_cast %and3A_454 : i32 to index
        %swap3A_495 = arith.constant 48 : index
        %swap3A_496 = tpu.vector_load %arg10[%swap3A_493, %swap3A_494, %swap3A_495] {strides = array<i32>} : memref<8x8x128xf32, #tpu.memory_space<vmem>>, vector<16xf32>,
        tpu.vector_store %arg10[%swap3A_493, %swap3A_494, %swap3A_495], %gather3A_469 {strides = array<i32>} : memref<8x8x128xf32, #tpu.memory_space<vmem>>, vector<16xf32>,
        %swap3A_497 = arith.index_cast %shift_right_arithmetic3A_452 : i32 to index
        %swap3A_498 = arith.index_cast %and3A_454 : i32 to index
        %swap3A_499 = arith.constant 64 : index
        %swap3A_500 = tpu.vector_load %arg10[%swap3A_497, %swap3A_498, %swap3A_499] {strides = array<i32>} : memref<8x8x128xf32, #tpu.memory_space<vmem>>, vector<16xf32>,
        tpu.vector_store %arg10[%swap3A_497, %swap3A_498, %swap3A_499], %gather3A_472 {strides = array<i32>} : memref<8x8x128xf32, #tpu.memory_space<vmem>>, vector<16xf32>,
        %swap3A_501 = arith.index_cast %shift_right_arithmetic3A_452 : i32 to index
        %swap3A_502 = arith.index_cast %and3A_454 : i32 to index
        %swap3A_503 = arith.constant 80 : index
        %swap3A_504 = tpu.vector_load %arg10[%swap3A_501, %swap3A_502, %swap3A_503] {strides = array<i32>} : memref<8x8x128xf32, #tpu.memory_space<vmem>>, vector<16xf32>,
        tpu.vector_store %arg10[%swap3A_501, %swap3A_502, %swap3A_503], %gather3A_475 {strides = array<i32>} : memref<8x8x128xf32, #tpu.memory_space<vmem>>, vector<16xf32>,
        %swap3A_505 = arith.index_cast %shift_right_arithmetic3A_452 : i32 to index
        %swap3A_506 = arith.index_cast %and3A_454 : i32 to index
        %swap3A_507 = arith.constant 96 : index
        %swap3A_508 = tpu.vector_load %arg10[%swap3A_505, %swap3A_506, %swap3A_507] {strides = array<i32>} : memref<8x8x128xf32, #tpu.memory_space<vmem>>, vector<16xf32>,
        tpu.vector_store %arg10[%swap3A_505, %swap3A_506, %swap3A_507], %gather3A_478 {strides = array<i32>} : memref<8x8x128xf32, #tpu.memory_space<vmem>>, vector<16xf32>,
        %swap3A_509 = arith.index_cast %shift_right_arithmetic3A_452 : i32 to index
        %swap3A_510 = arith.index_cast %and3A_454 : i32 to index
        %swap3A_511 = arith.constant 112 : index
        %swap3A_512 = tpu.vector_load %arg10[%swap3A_509, %swap3A_510, %swap3A_511] {strides = array<i32>} : memref<8x8x128xf32, #tpu.memory_space<vmem>>, vector<16xf32>,
        tpu.vector_store %arg10[%swap3A_509, %swap3A_510, %swap3A_511], %gather3A_481 {strides = array<i32>} : memref<8x8x128xf32, #tpu.memory_space<vmem>>, vector<16xf32>,
      }
      %scan3A_376 = arith.constant 64 : i32
      %mul3A_377 = arith.constant 8 : i32
      %mul3A_378 = arith.muli %select_n3A_30, %mul3A_377 : i32
      %dma_start3A_379 = arith.constant 1 : i32
      %dma_start3A_380 = arith.constant 0 : i32
      %dma_start3A_381 = arith.constant 0 : i32
      %dma_start3A_382 = tpu.memref_slice %arg4[%add3A_343, %dma_start3A_379, %mul3A_378, %dma_start3A_380, %dma_start3A_381] : memref<26x4x128x8x128xf32, #tpu.memory_space<hbm>> -> memref<1x1x8x8x128xf32, #tpu.memory_space<hbm>>
      %dma_start3A_383 = tpu.memref_squeeze %dma_start3A_382 : memref<1x1x8x8x128xf32, #tpu.memory_space<hbm>> -> memref<8x8x128xf32, #tpu.memory_space<hbm>>
      %dma_start3A_384 = arith.constant 0 : i32
      %dma_start3A_385 = arith.constant 0 : i32
      %dma_start3A_386 = tpu.memref_slice %arg4[%add3A_343, %dma_start3A_379, %mul3A_378, %dma_start3A_384, %dma_start3A_385] : memref<26x4x128x8x128xf32, #tpu.memory_space<hbm>> -> memref<1x1x8x8x128xf32, #tpu.memory_space<hbm>>
      %dma_start3A_387 = tpu.memref_squeeze %dma_start3A_386 : memref<1x1x8x8x128xf32, #tpu.memory_space<hbm>> -> memref<8x8x128xf32, #tpu.memory_space<hbm>>
      tpu.enqueue_dma source(%arg10 : memref<8x8x128xf32, #tpu.memory_space<vmem>>) target(%dma_start3A_387 : memref<8x8x128xf32, #tpu.memory_space<hbm>>) target_semaphore(%arg14 : memref<!tpu.dma_semaphore, #tpu.memory_space<semaphore_mem>>)
      %mul3A_388 = arith.constant 8 : i32
      %mul3A_389 = arith.muli %select_n3A_30, %mul3A_388 : i32
      %dma_wait3A_390 = arith.constant 2 : i32
      %dma_wait3A_391 = arith.constant 0 : i32
      %dma_wait3A_392 = arith.constant 0 : i32
      %dma_wait3A_393 = tpu.memref_slice %arg4[%add3A_343, %dma_wait3A_390, %mul3A_389, %dma_wait3A_391, %dma_wait3A_392] : memref<26x4x128x8x128xf32, #tpu.memory_space<hbm>> -> memref<1x1x8x8x128xf32, #tpu.memory_space<hbm>>
      %dma_wait3A_394 = tpu.memref_squeeze %dma_wait3A_393 : memref<1x1x8x8x128xf32, #tpu.memory_space<hbm>> -> memref<8x8x128xf32, #tpu.memory_space<hbm>>
      %dma_wait3A_395 = arith.constant 0 : i32
      %dma_wait3A_396 = arith.constant 0 : i32
      %dma_wait3A_397 = tpu.memref_slice %arg4[%add3A_343, %dma_wait3A_390, %mul3A_389, %dma_wait3A_395, %dma_wait3A_396] : memref<26x4x128x8x128xf32, #tpu.memory_space<hbm>> -> memref<1x1x8x8x128xf32, #tpu.memory_space<hbm>>
      %dma_wait3A_398 = tpu.memref_squeeze %dma_wait3A_397 : memref<1x1x8x8x128xf32, #tpu.memory_space<hbm>> -> memref<8x8x128xf32, #tpu.memory_space<hbm>>
      tpu.wait_dma2 semaphore(%arg13 : memref<!tpu.dma_semaphore, #tpu.memory_space<semaphore_mem>>) src(%arg9 : memref<8x8x128xf32, #tpu.memory_space<vmem>>) dst(%dma_wait3A_398 : memref<8x8x128xf32, #tpu.memory_space<hbm>>)
      %scan3A_399 = arith.constant 0 : i32
      %scan3A_400 = arith.constant 0 : i32
      %scan3A_401 = arith.constant 64 : i32
      %scan3A_402 = arith.addi %scan3A_400, %scan3A_401 : i32
      %scan3A_403 = arith.constant 1 : i32
      scf.for %scan3A_451 = %scan3A_400 to %scan3A_402 step %scan3A_403  : i32 {
        %shift_right_arithmetic3A = arith.constant 3 : i32
        %shift_right_arithmetic3A_452 = arith.shrsi %scan3A_451, %shift_right_arithmetic3A : i32
        %and3A_453 = arith.constant 7 : i32
        %and3A_454 = arith.andi %scan3A_451, %and3A_453 : i32
        %add3A_455 = arith.constant 16 : i32
        %add3A_456 = arith.addi %add3A_455, %and3A_454 : i32
        %broadcast_in_dim3A = vector.broadcast %add3A_456 : i32 to vector<16xi32>
        %mul3A_457 = arith.constant 128 : i32
        %mul3A_458 = arith.muli %shift_right_arithmetic3A_452, %mul3A_457 : i32
        %add3A_459 = vector.broadcast %mul3A_458 : i32 to vector<16xi32>
        %add3A_460 = arith.addi %add3A_35, %add3A_459 : vector<16xi32>
        %gather3A = tpu.vector_load_idx %arg8[%add3A_460, %broadcast_in_dim3A] : memref<1024x32xf32, #tpu.memory_space<vmem>>[vector<16xi32>, vector<16xi32>], vector<16xf32>,
        %add3A_461 = vector.broadcast %mul3A_458 : i32 to vector<16xi32>
        %add3A_462 = arith.addi %add3A_38, %add3A_461 : vector<16xi32>
        %gather3A_463 = tpu.vector_load_idx %arg8[%add3A_462, %broadcast_in_dim3A] : memref<1024x32xf32, #tpu.memory_space<vmem>>[vector<16xi32>, vector<16xi32>], vector<16xf32>,
        %add3A_464 = vector.broadcast %mul3A_458 : i32 to vector<16xi32>
        %add3A_465 = arith.addi %add3A_41, %add3A_464 : vector<16xi32>
        %gather3A_466 = tpu.vector_load_idx %arg8[%add3A_465, %broadcast_in_dim3A] : memref<1024x32xf32, #tpu.memory_space<vmem>>[vector<16xi32>, vector<16xi32>], vector<16xf32>,
        %add3A_467 = vector.broadcast %mul3A_458 : i32 to vector<16xi32>
        %add3A_468 = arith.addi %add3A_44, %add3A_467 : vector<16xi32>
        %gather3A_469 = tpu.vector_load_idx %arg8[%add3A_468, %broadcast_in_dim3A] : memref<1024x32xf32, #tpu.memory_space<vmem>>[vector<16xi32>, vector<16xi32>], vector<16xf32>,
        %add3A_470 = vector.broadcast %mul3A_458 : i32 to vector<16xi32>
        %add3A_471 = arith.addi %add3A_47, %add3A_470 : vector<16xi32>
        %gather3A_472 = tpu.vector_load_idx %arg8[%add3A_471, %broadcast_in_dim3A] : memref<1024x32xf32, #tpu.memory_space<vmem>>[vector<16xi32>, vector<16xi32>], vector<16xf32>,
        %add3A_473 = vector.broadcast %mul3A_458 : i32 to vector<16xi32>
        %add3A_474 = arith.addi %add3A_50, %add3A_473 : vector<16xi32>
        %gather3A_475 = tpu.vector_load_idx %arg8[%add3A_474, %broadcast_in_dim3A] : memref<1024x32xf32, #tpu.memory_space<vmem>>[vector<16xi32>, vector<16xi32>], vector<16xf32>,
        %add3A_476 = vector.broadcast %mul3A_458 : i32 to vector<16xi32>
        %add3A_477 = arith.addi %add3A_53, %add3A_476 : vector<16xi32>
        %gather3A_478 = tpu.vector_load_idx %arg8[%add3A_477, %broadcast_in_dim3A] : memref<1024x32xf32, #tpu.memory_space<vmem>>[vector<16xi32>, vector<16xi32>], vector<16xf32>,
        %add3A_479 = vector.broadcast %mul3A_458 : i32 to vector<16xi32>
        %add3A_480 = arith.addi %add3A_56, %add3A_479 : vector<16xi32>
        %gather3A_481 = tpu.vector_load_idx %arg8[%add3A_480, %broadcast_in_dim3A] : memref<1024x32xf32, #tpu.memory_space<vmem>>[vector<16xi32>, vector<16xi32>], vector<16xf32>,
        %swap3A = arith.index_cast %shift_right_arithmetic3A_452 : i32 to index
        %swap3A_482 = arith.index_cast %and3A_454 : i32 to index
        %swap3A_483 = arith.constant 0 : index
        %swap3A_484 = tpu.vector_load %arg9[%swap3A, %swap3A_482, %swap3A_483] {strides = array<i32>} : memref<8x8x128xf32, #tpu.memory_space<vmem>>, vector<16xf32>,
        tpu.vector_store %arg9[%swap3A, %swap3A_482, %swap3A_483], %gather3A {strides = array<i32>} : memref<8x8x128xf32, #tpu.memory_space<vmem>>, vector<16xf32>,
        %swap3A_485 = arith.index_cast %shift_right_arithmetic3A_452 : i32 to index
        %swap3A_486 = arith.index_cast %and3A_454 : i32 to index
        %swap3A_487 = arith.constant 16 : index
        %swap3A_488 = tpu.vector_load %arg9[%swap3A_485, %swap3A_486, %swap3A_487] {strides = array<i32>} : memref<8x8x128xf32, #tpu.memory_space<vmem>>, vector<16xf32>,
        tpu.vector_store %arg9[%swap3A_485, %swap3A_486, %swap3A_487], %gather3A_463 {strides = array<i32>} : memref<8x8x128xf32, #tpu.memory_space<vmem>>, vector<16xf32>,
        %swap3A_489 = arith.index_cast %shift_right_arithmetic3A_452 : i32 to index
        %swap3A_490 = arith.index_cast %and3A_454 : i32 to index
        %swap3A_491 = arith.constant 32 : index
        %swap3A_492 = tpu.vector_load %arg9[%swap3A_489, %swap3A_490, %swap3A_491] {strides = array<i32>} : memref<8x8x128xf32, #tpu.memory_space<vmem>>, vector<16xf32>,
        tpu.vector_store %arg9[%swap3A_489, %swap3A_490, %swap3A_491], %gather3A_466 {strides = array<i32>} : memref<8x8x128xf32, #tpu.memory_space<vmem>>, vector<16xf32>,
        %swap3A_493 = arith.index_cast %shift_right_arithmetic3A_452 : i32 to index
        %swap3A_494 = arith.index_cast %and3A_454 : i32 to index
        %swap3A_495 = arith.constant 48 : index
        %swap3A_496 = tpu.vector_load %arg9[%swap3A_493, %swap3A_494, %swap3A_495] {strides = array<i32>} : memref<8x8x128xf32, #tpu.memory_space<vmem>>, vector<16xf32>,
        tpu.vector_store %arg9[%swap3A_493, %swap3A_494, %swap3A_495], %gather3A_469 {strides = array<i32>} : memref<8x8x128xf32, #tpu.memory_space<vmem>>, vector<16xf32>,
        %swap3A_497 = arith.index_cast %shift_right_arithmetic3A_452 : i32 to index
        %swap3A_498 = arith.index_cast %and3A_454 : i32 to index
        %swap3A_499 = arith.constant 64 : index
        %swap3A_500 = tpu.vector_load %arg9[%swap3A_497, %swap3A_498, %swap3A_499] {strides = array<i32>} : memref<8x8x128xf32, #tpu.memory_space<vmem>>, vector<16xf32>,
        tpu.vector_store %arg9[%swap3A_497, %swap3A_498, %swap3A_499], %gather3A_472 {strides = array<i32>} : memref<8x8x128xf32, #tpu.memory_space<vmem>>, vector<16xf32>,
        %swap3A_501 = arith.index_cast %shift_right_arithmetic3A_452 : i32 to index
        %swap3A_502 = arith.index_cast %and3A_454 : i32 to index
        %swap3A_503 = arith.constant 80 : index
        %swap3A_504 = tpu.vector_load %arg9[%swap3A_501, %swap3A_502, %swap3A_503] {strides = array<i32>} : memref<8x8x128xf32, #tpu.memory_space<vmem>>, vector<16xf32>,
        tpu.vector_store %arg9[%swap3A_501, %swap3A_502, %swap3A_503], %gather3A_475 {strides = array<i32>} : memref<8x8x128xf32, #tpu.memory_space<vmem>>, vector<16xf32>,
        %swap3A_505 = arith.index_cast %shift_right_arithmetic3A_452 : i32 to index
        %swap3A_506 = arith.index_cast %and3A_454 : i32 to index
        %swap3A_507 = arith.constant 96 : index
        %swap3A_508 = tpu.vector_load %arg9[%swap3A_505, %swap3A_506, %swap3A_507] {strides = array<i32>} : memref<8x8x128xf32, #tpu.memory_space<vmem>>, vector<16xf32>,
        tpu.vector_store %arg9[%swap3A_505, %swap3A_506, %swap3A_507], %gather3A_478 {strides = array<i32>} : memref<8x8x128xf32, #tpu.memory_space<vmem>>, vector<16xf32>,
        %swap3A_509 = arith.index_cast %shift_right_arithmetic3A_452 : i32 to index
        %swap3A_510 = arith.index_cast %and3A_454 : i32 to index
        %swap3A_511 = arith.constant 112 : index
        %swap3A_512 = tpu.vector_load %arg9[%swap3A_509, %swap3A_510, %swap3A_511] {strides = array<i32>} : memref<8x8x128xf32, #tpu.memory_space<vmem>>, vector<16xf32>,
        tpu.vector_store %arg9[%swap3A_509, %swap3A_510, %swap3A_511], %gather3A_481 {strides = array<i32>} : memref<8x8x128xf32, #tpu.memory_space<vmem>>, vector<16xf32>,
      }
      %scan3A_404 = arith.constant 64 : i32
      %mul3A_405 = arith.constant 8 : i32
      %mul3A_406 = arith.muli %select_n3A_30, %mul3A_405 : i32
      %dma_start3A_407 = arith.constant 2 : i32
      %dma_start3A_408 = arith.constant 0 : i32
      %dma_start3A_409 = arith.constant 0 : i32
      %dma_start3A_410 = tpu.memref_slice %arg4[%add3A_343, %dma_start3A_407, %mul3A_406, %dma_start3A_408, %dma_start3A_409] : memref<26x4x128x8x128xf32, #tpu.memory_space<hbm>> -> memref<1x1x8x8x128xf32, #tpu.memory_space<hbm>>
      %dma_start3A_411 = tpu.memref_squeeze %dma_start3A_410 : memref<1x1x8x8x128xf32, #tpu.memory_space<hbm>> -> memref<8x8x128xf32, #tpu.memory_space<hbm>>
      %dma_start3A_412 = arith.constant 0 : i32
      %dma_start3A_413 = arith.constant 0 : i32
      %dma_start3A_414 = tpu.memref_slice %arg4[%add3A_343, %dma_start3A_407, %mul3A_406, %dma_start3A_412, %dma_start3A_413] : memref<26x4x128x8x128xf32, #tpu.memory_space<hbm>> -> memref<1x1x8x8x128xf32, #tpu.memory_space<hbm>>
      %dma_start3A_415 = tpu.memref_squeeze %dma_start3A_414 : memref<1x1x8x8x128xf32, #tpu.memory_space<hbm>> -> memref<8x8x128xf32, #tpu.memory_space<hbm>>
      tpu.enqueue_dma source(%arg9 : memref<8x8x128xf32, #tpu.memory_space<vmem>>) target(%dma_start3A_415 : memref<8x8x128xf32, #tpu.memory_space<hbm>>) target_semaphore(%arg13 : memref<!tpu.dma_semaphore, #tpu.memory_space<semaphore_mem>>)
      %mul3A_416 = arith.constant 8 : i32
      %mul3A_417 = arith.muli %select_n3A_30, %mul3A_416 : i32
      %dma_wait3A_418 = arith.constant 3 : i32
      %dma_wait3A_419 = arith.constant 0 : i32
      %dma_wait3A_420 = arith.constant 0 : i32
      %dma_wait3A_421 = tpu.memref_slice %arg4[%add3A_343, %dma_wait3A_418, %mul3A_417, %dma_wait3A_419, %dma_wait3A_420] : memref<26x4x128x8x128xf32, #tpu.memory_space<hbm>> -> memref<1x1x8x8x128xf32, #tpu.memory_space<hbm>>
      %dma_wait3A_422 = tpu.memref_squeeze %dma_wait3A_421 : memref<1x1x8x8x128xf32, #tpu.memory_space<hbm>> -> memref<8x8x128xf32, #tpu.memory_space<hbm>>
      %dma_wait3A_423 = arith.constant 0 : i32
      %dma_wait3A_424 = arith.constant 0 : i32
      %dma_wait3A_425 = tpu.memref_slice %arg4[%add3A_343, %dma_wait3A_418, %mul3A_417, %dma_wait3A_423, %dma_wait3A_424] : memref<26x4x128x8x128xf32, #tpu.memory_space<hbm>> -> memref<1x1x8x8x128xf32, #tpu.memory_space<hbm>>
      %dma_wait3A_426 = tpu.memref_squeeze %dma_wait3A_425 : memref<1x1x8x8x128xf32, #tpu.memory_space<hbm>> -> memref<8x8x128xf32, #tpu.memory_space<hbm>>
      tpu.wait_dma2 semaphore(%arg14 : memref<!tpu.dma_semaphore, #tpu.memory_space<semaphore_mem>>) src(%arg10 : memref<8x8x128xf32, #tpu.memory_space<vmem>>) dst(%dma_wait3A_426 : memref<8x8x128xf32, #tpu.memory_space<hbm>>)
      %scan3A_427 = arith.constant 0 : i32
      %scan3A_428 = arith.constant 0 : i32
      %scan3A_429 = arith.constant 64 : i32
      %scan3A_430 = arith.addi %scan3A_428, %scan3A_429 : i32
      %scan3A_431 = arith.constant 1 : i32
      scf.for %scan3A_451 = %scan3A_428 to %scan3A_430 step %scan3A_431  : i32 {
        %shift_right_arithmetic3A = arith.constant 3 : i32
        %shift_right_arithmetic3A_452 = arith.shrsi %scan3A_451, %shift_right_arithmetic3A : i32
        %and3A_453 = arith.constant 7 : i32
        %and3A_454 = arith.andi %scan3A_451, %and3A_453 : i32
        %add3A_455 = arith.constant 24 : i32
        %add3A_456 = arith.addi %add3A_455, %and3A_454 : i32
        %broadcast_in_dim3A = vector.broadcast %add3A_456 : i32 to vector<16xi32>
        %mul3A_457 = arith.constant 128 : i32
        %mul3A_458 = arith.muli %shift_right_arithmetic3A_452, %mul3A_457 : i32
        %add3A_459 = vector.broadcast %mul3A_458 : i32 to vector<16xi32>
        %add3A_460 = arith.addi %add3A_35, %add3A_459 : vector<16xi32>
        %gather3A = tpu.vector_load_idx %arg8[%add3A_460, %broadcast_in_dim3A] : memref<1024x32xf32, #tpu.memory_space<vmem>>[vector<16xi32>, vector<16xi32>], vector<16xf32>,
        %add3A_461 = vector.broadcast %mul3A_458 : i32 to vector<16xi32>
        %add3A_462 = arith.addi %add3A_38, %add3A_461 : vector<16xi32>
        %gather3A_463 = tpu.vector_load_idx %arg8[%add3A_462, %broadcast_in_dim3A] : memref<1024x32xf32, #tpu.memory_space<vmem>>[vector<16xi32>, vector<16xi32>], vector<16xf32>,
        %add3A_464 = vector.broadcast %mul3A_458 : i32 to vector<16xi32>
        %add3A_465 = arith.addi %add3A_41, %add3A_464 : vector<16xi32>
        %gather3A_466 = tpu.vector_load_idx %arg8[%add3A_465, %broadcast_in_dim3A] : memref<1024x32xf32, #tpu.memory_space<vmem>>[vector<16xi32>, vector<16xi32>], vector<16xf32>,
        %add3A_467 = vector.broadcast %mul3A_458 : i32 to vector<16xi32>
        %add3A_468 = arith.addi %add3A_44, %add3A_467 : vector<16xi32>
        %gather3A_469 = tpu.vector_load_idx %arg8[%add3A_468, %broadcast_in_dim3A] : memref<1024x32xf32, #tpu.memory_space<vmem>>[vector<16xi32>, vector<16xi32>], vector<16xf32>,
        %add3A_470 = vector.broadcast %mul3A_458 : i32 to vector<16xi32>
        %add3A_471 = arith.addi %add3A_47, %add3A_470 : vector<16xi32>
        %gather3A_472 = tpu.vector_load_idx %arg8[%add3A_471, %broadcast_in_dim3A] : memref<1024x32xf32, #tpu.memory_space<vmem>>[vector<16xi32>, vector<16xi32>], vector<16xf32>,
        %add3A_473 = vector.broadcast %mul3A_458 : i32 to vector<16xi32>
        %add3A_474 = arith.addi %add3A_50, %add3A_473 : vector<16xi32>
        %gather3A_475 = tpu.vector_load_idx %arg8[%add3A_474, %broadcast_in_dim3A] : memref<1024x32xf32, #tpu.memory_space<vmem>>[vector<16xi32>, vector<16xi32>], vector<16xf32>,
        %add3A_476 = vector.broadcast %mul3A_458 : i32 to vector<16xi32>
        %add3A_477 = arith.addi %add3A_53, %add3A_476 : vector<16xi32>
        %gather3A_478 = tpu.vector_load_idx %arg8[%add3A_477, %broadcast_in_dim3A] : memref<1024x32xf32, #tpu.memory_space<vmem>>[vector<16xi32>, vector<16xi32>], vector<16xf32>,
        %add3A_479 = vector.broadcast %mul3A_458 : i32 to vector<16xi32>
        %add3A_480 = arith.addi %add3A_56, %add3A_479 : vector<16xi32>
        %gather3A_481 = tpu.vector_load_idx %arg8[%add3A_480, %broadcast_in_dim3A] : memref<1024x32xf32, #tpu.memory_space<vmem>>[vector<16xi32>, vector<16xi32>], vector<16xf32>,
        %swap3A = arith.index_cast %shift_right_arithmetic3A_452 : i32 to index
        %swap3A_482 = arith.index_cast %and3A_454 : i32 to index
        %swap3A_483 = arith.constant 0 : index
        %swap3A_484 = tpu.vector_load %arg10[%swap3A, %swap3A_482, %swap3A_483] {strides = array<i32>} : memref<8x8x128xf32, #tpu.memory_space<vmem>>, vector<16xf32>,
        tpu.vector_store %arg10[%swap3A, %swap3A_482, %swap3A_483], %gather3A {strides = array<i32>} : memref<8x8x128xf32, #tpu.memory_space<vmem>>, vector<16xf32>,
        %swap3A_485 = arith.index_cast %shift_right_arithmetic3A_452 : i32 to index
        %swap3A_486 = arith.index_cast %and3A_454 : i32 to index
        %swap3A_487 = arith.constant 16 : index
        %swap3A_488 = tpu.vector_load %arg10[%swap3A_485, %swap3A_486, %swap3A_487] {strides = array<i32>} : memref<8x8x128xf32, #tpu.memory_space<vmem>>, vector<16xf32>,
        tpu.vector_store %arg10[%swap3A_485, %swap3A_486, %swap3A_487], %gather3A_463 {strides = array<i32>} : memref<8x8x128xf32, #tpu.memory_space<vmem>>, vector<16xf32>,
        %swap3A_489 = arith.index_cast %shift_right_arithmetic3A_452 : i32 to index
        %swap3A_490 = arith.index_cast %and3A_454 : i32 to index
        %swap3A_491 = arith.constant 32 : index
        %swap3A_492 = tpu.vector_load %arg10[%swap3A_489, %swap3A_490, %swap3A_491] {strides = array<i32>} : memref<8x8x128xf32, #tpu.memory_space<vmem>>, vector<16xf32>,
        tpu.vector_store %arg10[%swap3A_489, %swap3A_490, %swap3A_491], %gather3A_466 {strides = array<i32>} : memref<8x8x128xf32, #tpu.memory_space<vmem>>, vector<16xf32>,
        %swap3A_493 = arith.index_cast %shift_right_arithmetic3A_452 : i32 to index
        %swap3A_494 = arith.index_cast %and3A_454 : i32 to index
        %swap3A_495 = arith.constant 48 : index
        %swap3A_496 = tpu.vector_load %arg10[%swap3A_493, %swap3A_494, %swap3A_495] {strides = array<i32>} : memref<8x8x128xf32, #tpu.memory_space<vmem>>, vector<16xf32>,
        tpu.vector_store %arg10[%swap3A_493, %swap3A_494, %swap3A_495], %gather3A_469 {strides = array<i32>} : memref<8x8x128xf32, #tpu.memory_space<vmem>>, vector<16xf32>,
        %swap3A_497 = arith.index_cast %shift_right_arithmetic3A_452 : i32 to index
        %swap3A_498 = arith.index_cast %and3A_454 : i32 to index
        %swap3A_499 = arith.constant 64 : index
        %swap3A_500 = tpu.vector_load %arg10[%swap3A_497, %swap3A_498, %swap3A_499] {strides = array<i32>} : memref<8x8x128xf32, #tpu.memory_space<vmem>>, vector<16xf32>,
        tpu.vector_store %arg10[%swap3A_497, %swap3A_498, %swap3A_499], %gather3A_472 {strides = array<i32>} : memref<8x8x128xf32, #tpu.memory_space<vmem>>, vector<16xf32>,
        %swap3A_501 = arith.index_cast %shift_right_arithmetic3A_452 : i32 to index
        %swap3A_502 = arith.index_cast %and3A_454 : i32 to index
        %swap3A_503 = arith.constant 80 : index
        %swap3A_504 = tpu.vector_load %arg10[%swap3A_501, %swap3A_502, %swap3A_503] {strides = array<i32>} : memref<8x8x128xf32, #tpu.memory_space<vmem>>, vector<16xf32>,
        tpu.vector_store %arg10[%swap3A_501, %swap3A_502, %swap3A_503], %gather3A_475 {strides = array<i32>} : memref<8x8x128xf32, #tpu.memory_space<vmem>>, vector<16xf32>,
        %swap3A_505 = arith.index_cast %shift_right_arithmetic3A_452 : i32 to index
        %swap3A_506 = arith.index_cast %and3A_454 : i32 to index
        %swap3A_507 = arith.constant 96 : index
        %swap3A_508 = tpu.vector_load %arg10[%swap3A_505, %swap3A_506, %swap3A_507] {strides = array<i32>} : memref<8x8x128xf32, #tpu.memory_space<vmem>>, vector<16xf32>,
        tpu.vector_store %arg10[%swap3A_505, %swap3A_506, %swap3A_507], %gather3A_478 {strides = array<i32>} : memref<8x8x128xf32, #tpu.memory_space<vmem>>, vector<16xf32>,
        %swap3A_509 = arith.index_cast %shift_right_arithmetic3A_452 : i32 to index
        %swap3A_510 = arith.index_cast %and3A_454 : i32 to index
        %swap3A_511 = arith.constant 112 : index
        %swap3A_512 = tpu.vector_load %arg10[%swap3A_509, %swap3A_510, %swap3A_511] {strides = array<i32>} : memref<8x8x128xf32, #tpu.memory_space<vmem>>, vector<16xf32>,
        tpu.vector_store %arg10[%swap3A_509, %swap3A_510, %swap3A_511], %gather3A_481 {strides = array<i32>} : memref<8x8x128xf32, #tpu.memory_space<vmem>>, vector<16xf32>,
      }
      %scan3A_432 = arith.constant 64 : i32
      %mul3A_433 = arith.constant 8 : i32
      %mul3A_434 = arith.muli %select_n3A_30, %mul3A_433 : i32
      %dma_start3A_435 = arith.constant 3 : i32
      %dma_start3A_436 = arith.constant 0 : i32
      %dma_start3A_437 = arith.constant 0 : i32
      %dma_start3A_438 = tpu.memref_slice %arg4[%add3A_343, %dma_start3A_435, %mul3A_434, %dma_start3A_436, %dma_start3A_437] : memref<26x4x128x8x128xf32, #tpu.memory_space<hbm>> -> memref<1x1x8x8x128xf32, #tpu.memory_space<hbm>>
      %dma_start3A_439 = tpu.memref_squeeze %dma_start3A_438 : memref<1x1x8x8x128xf32, #tpu.memory_space<hbm>> -> memref<8x8x128xf32, #tpu.memory_space<hbm>>
      %dma_start3A_440 = arith.constant 0 : i32
      %dma_start3A_441 = arith.constant 0 : i32
      %dma_start3A_442 = tpu.memref_slice %arg4[%add3A_343, %dma_start3A_435, %mul3A_434, %dma_start3A_440, %dma_start3A_441] : memref<26x4x128x8x128xf32, #tpu.memory_space<hbm>> -> memref<1x1x8x8x128xf32, #tpu.memory_space<hbm>>
      %dma_start3A_443 = tpu.memref_squeeze %dma_start3A_442 : memref<1x1x8x8x128xf32, #tpu.memory_space<hbm>> -> memref<8x8x128xf32, #tpu.memory_space<hbm>>
      tpu.enqueue_dma source(%arg10 : memref<8x8x128xf32, #tpu.memory_space<vmem>>) target(%dma_start3A_443 : memref<8x8x128xf32, #tpu.memory_space<hbm>>) target_semaphore(%arg14 : memref<!tpu.dma_semaphore, #tpu.memory_space<semaphore_mem>>)
      %add3A_444 = arith.constant 2 : i32
      %add3A_445 = arith.addi %add3A_337, %add3A_444 : i32
      %lt3A_446 = arith.constant 13 : i32
      %lt3A_447 = arith.cmpi slt, %add3A_445, %lt3A_446 : i32
      %convert_element_type3A_448 = arith.extui %lt3A_447 : i1 to i32
      %cond3A_449 = arith.constant 0 : i32
      %cond3A_450 = arith.cmpi ne, %convert_element_type3A_448, %cond3A_449 : i32
      scf.if %cond3A_450 {
        %add3A_451 = arith.constant 2 : i32
        %add3A_452 = arith.addi %add3A_337, %add3A_451 : i32
        %mul3A_453 = arith.constant 13 : i32
        %mul3A_454 = arith.muli %select_n3A_9, %mul3A_453 : i32
        %add3A_455 = arith.addi %mul3A_454, %add3A_452 : i32
        "tpu.region"() ({
          %run_scoped3A = tpu.sem_alloc : memref<!tpu.dma_semaphore, #tpu.memory_space<semaphore_mem>>
          %dma_start3A_459 = tpu.memref_slice %arg3[%add3A_455, %mul3A_32] : memref<26x16384xi32, #tpu.memory_space<hbm>> -> memref<1x1024xi32, #tpu.memory_space<hbm>>
          %dma_start3A_460 = tpu.memref_squeeze %dma_start3A_459 : memref<1x1024xi32, #tpu.memory_space<hbm>> -> memref<1024xi32, #tpu.memory_space<hbm>>
          %dma_start3A_461 = tpu.memref_slice %arg3[%add3A_455, %mul3A_32] : memref<26x16384xi32, #tpu.memory_space<hbm>> -> memref<1x1024xi32, #tpu.memory_space<hbm>>
          %dma_start3A_462 = tpu.memref_squeeze %dma_start3A_461 : memref<1x1024xi32, #tpu.memory_space<hbm>> -> memref<1024xi32, #tpu.memory_space<hbm>>
          tpu.enqueue_dma source(%dma_start3A_462 : memref<1024xi32, #tpu.memory_space<hbm>>) target(%arg6 : memref<1024xi32, #tpu.memory_space<vmem>>) target_semaphore(%run_scoped3A : memref<!tpu.dma_semaphore, #tpu.memory_space<semaphore_mem>>)
          %dma_wait3A_463 = tpu.memref_slice %arg3[%add3A_455, %mul3A_32] : memref<26x16384xi32, #tpu.memory_space<hbm>> -> memref<1x1024xi32, #tpu.memory_space<hbm>>
          %dma_wait3A_464 = tpu.memref_squeeze %dma_wait3A_463 : memref<1x1024xi32, #tpu.memory_space<hbm>> -> memref<1024xi32, #tpu.memory_space<hbm>>
          %dma_wait3A_465 = tpu.memref_slice %arg3[%add3A_455, %mul3A_32] : memref<26x16384xi32, #tpu.memory_space<hbm>> -> memref<1x1024xi32, #tpu.memory_space<hbm>>
          %dma_wait3A_466 = tpu.memref_squeeze %dma_wait3A_465 : memref<1x1024xi32, #tpu.memory_space<hbm>> -> memref<1024xi32, #tpu.memory_space<hbm>>
          tpu.wait_dma2 semaphore(%run_scoped3A : memref<!tpu.dma_semaphore, #tpu.memory_space<semaphore_mem>>) src(%dma_wait3A_466 : memref<1024xi32, #tpu.memory_space<hbm>>) dst(%arg6 : memref<1024xi32, #tpu.memory_space<vmem>>)
          tpu.yield
        }) : () -> ()
        %dma_start3A_456 = arith.constant 0 : i32
        %dma_start3A_457 = arith.constant 0 : i32
        %dma_start3A_458 = tpu.memref_slice %arg2[%dma_start3A_456, %dma_start3A_457] : memref<4000000x32xf32, #tpu.memory_space<hbm>> -> memref<4000000x32xf32, #tpu.memory_space<hbm>>
        tpu.enqueue_indirect_dma source(%dma_start3A_458 : memref<4000000x32xf32, #tpu.memory_space<hbm>>) target(%arg8 : memref<1024x32xf32, #tpu.memory_space<vmem>>) offsets(%arg6 : memref<1024xi32, #tpu.memory_space<vmem>>) semaphore(%arg12 : memref<!tpu.dma_semaphore, #tpu.memory_space<semaphore_mem>>)
      } else {
      }
    }
    %scan3A_74 = arith.constant 6 : i32
    %dma_wait3A = arith.constant 0 : i32
    %dma_wait3A_75 = arith.constant 0 : i32
    %dma_wait3A_76 = tpu.memref_slice %arg2[%dma_wait3A, %dma_wait3A_75] : memref<4000000x32xf32, #tpu.memory_space<hbm>> -> memref<4000000x32xf32, #tpu.memory_space<hbm>>
    tpu.wait_indirect_dma semaphore(%arg11 : memref<!tpu.dma_semaphore, #tpu.memory_space<semaphore_mem>>) src(%dma_wait3A_76 : memref<4000000x32xf32, #tpu.memory_space<hbm>>) dst(%arg7 : memref<1024x32xf32, #tpu.memory_space<vmem>>)
    %mul3A_77 = arith.constant 13 : i32
    %mul3A_78 = arith.muli %select_n3A_9, %mul3A_77 : i32
    %add3A_79 = arith.constant 12 : i32
    %add3A_80 = arith.addi %mul3A_78, %add3A_79 : i32
    %mul3A_81 = arith.constant 8 : i32
    %mul3A_82 = arith.muli %select_n3A_30, %mul3A_81 : i32
    %dma_wait3A_83 = arith.constant 0 : i32
    %dma_wait3A_84 = arith.constant 0 : i32
    %dma_wait3A_85 = arith.constant 0 : i32
    %dma_wait3A_86 = tpu.memref_slice %arg4[%add3A_80, %dma_wait3A_83, %mul3A_82, %dma_wait3A_84, %dma_wait3A_85] : memref<26x4x128x8x128xf32, #tpu.memory_space<hbm>> -> memref<1x1x8x8x128xf32, #tpu.memory_space<hbm>>
    %dma_wait3A_87 = tpu.memref_squeeze %dma_wait3A_86 : memref<1x1x8x8x128xf32, #tpu.memory_space<hbm>> -> memref<8x8x128xf32, #tpu.memory_space<hbm>>
    %dma_wait3A_88 = arith.constant 0 : i32
    %dma_wait3A_89 = arith.constant 0 : i32
    %dma_wait3A_90 = tpu.memref_slice %arg4[%add3A_80, %dma_wait3A_83, %mul3A_82, %dma_wait3A_88, %dma_wait3A_89] : memref<26x4x128x8x128xf32, #tpu.memory_space<hbm>> -> memref<1x1x8x8x128xf32, #tpu.memory_space<hbm>>
    %dma_wait3A_91 = tpu.memref_squeeze %dma_wait3A_90 : memref<1x1x8x8x128xf32, #tpu.memory_space<hbm>> -> memref<8x8x128xf32, #tpu.memory_space<hbm>>
    tpu.wait_dma2 semaphore(%arg13 : memref<!tpu.dma_semaphore, #tpu.memory_space<semaphore_mem>>) src(%arg9 : memref<8x8x128xf32, #tpu.memory_space<vmem>>) dst(%dma_wait3A_91 : memref<8x8x128xf32, #tpu.memory_space<hbm>>)
    %scan3A_92 = arith.constant 0 : i32
    %scan3A_93 = arith.constant 0 : i32
    %scan3A_94 = arith.constant 64 : i32
    %scan3A_95 = arith.addi %scan3A_93, %scan3A_94 : i32
    %scan3A_96 = arith.constant 1 : i32
    scf.for %scan3A_219 = %scan3A_93 to %scan3A_95 step %scan3A_96  : i32 {
      %shift_right_arithmetic3A = arith.constant 3 : i32
      %shift_right_arithmetic3A_220 = arith.shrsi %scan3A_219, %shift_right_arithmetic3A : i32
      %and3A_221 = arith.constant 7 : i32
      %and3A_222 = arith.andi %scan3A_219, %and3A_221 : i32
      %add3A_223 = arith.constant 0 : i32
      %add3A_224 = arith.addi %add3A_223, %and3A_222 : i32
      %broadcast_in_dim3A = vector.broadcast %add3A_224 : i32 to vector<16xi32>
      %mul3A_225 = arith.constant 128 : i32
      %mul3A_226 = arith.muli %shift_right_arithmetic3A_220, %mul3A_225 : i32
      %add3A_227 = vector.broadcast %mul3A_226 : i32 to vector<16xi32>
      %add3A_228 = arith.addi %add3A_35, %add3A_227 : vector<16xi32>
      %gather3A = tpu.vector_load_idx %arg7[%add3A_228, %broadcast_in_dim3A] : memref<1024x32xf32, #tpu.memory_space<vmem>>[vector<16xi32>, vector<16xi32>], vector<16xf32>,
      %add3A_229 = vector.broadcast %mul3A_226 : i32 to vector<16xi32>
      %add3A_230 = arith.addi %add3A_38, %add3A_229 : vector<16xi32>
      %gather3A_231 = tpu.vector_load_idx %arg7[%add3A_230, %broadcast_in_dim3A] : memref<1024x32xf32, #tpu.memory_space<vmem>>[vector<16xi32>, vector<16xi32>], vector<16xf32>,
      %add3A_232 = vector.broadcast %mul3A_226 : i32 to vector<16xi32>
      %add3A_233 = arith.addi %add3A_41, %add3A_232 : vector<16xi32>
      %gather3A_234 = tpu.vector_load_idx %arg7[%add3A_233, %broadcast_in_dim3A] : memref<1024x32xf32, #tpu.memory_space<vmem>>[vector<16xi32>, vector<16xi32>], vector<16xf32>,
      %add3A_235 = vector.broadcast %mul3A_226 : i32 to vector<16xi32>
      %add3A_236 = arith.addi %add3A_44, %add3A_235 : vector<16xi32>
      %gather3A_237 = tpu.vector_load_idx %arg7[%add3A_236, %broadcast_in_dim3A] : memref<1024x32xf32, #tpu.memory_space<vmem>>[vector<16xi32>, vector<16xi32>], vector<16xf32>,
      %add3A_238 = vector.broadcast %mul3A_226 : i32 to vector<16xi32>
      %add3A_239 = arith.addi %add3A_47, %add3A_238 : vector<16xi32>
      %gather3A_240 = tpu.vector_load_idx %arg7[%add3A_239, %broadcast_in_dim3A] : memref<1024x32xf32, #tpu.memory_space<vmem>>[vector<16xi32>, vector<16xi32>], vector<16xf32>,
      %add3A_241 = vector.broadcast %mul3A_226 : i32 to vector<16xi32>
      %add3A_242 = arith.addi %add3A_50, %add3A_241 : vector<16xi32>
      %gather3A_243 = tpu.vector_load_idx %arg7[%add3A_242, %broadcast_in_dim3A] : memref<1024x32xf32, #tpu.memory_space<vmem>>[vector<16xi32>, vector<16xi32>], vector<16xf32>,
      %add3A_244 = vector.broadcast %mul3A_226 : i32 to vector<16xi32>
      %add3A_245 = arith.addi %add3A_53, %add3A_244 : vector<16xi32>
      %gather3A_246 = tpu.vector_load_idx %arg7[%add3A_245, %broadcast_in_dim3A] : memref<1024x32xf32, #tpu.memory_space<vmem>>[vector<16xi32>, vector<16xi32>], vector<16xf32>,
      %add3A_247 = vector.broadcast %mul3A_226 : i32 to vector<16xi32>
      %add3A_248 = arith.addi %add3A_56, %add3A_247 : vector<16xi32>
      %gather3A_249 = tpu.vector_load_idx %arg7[%add3A_248, %broadcast_in_dim3A] : memref<1024x32xf32, #tpu.memory_space<vmem>>[vector<16xi32>, vector<16xi32>], vector<16xf32>,
      %swap3A = arith.index_cast %shift_right_arithmetic3A_220 : i32 to index
      %swap3A_250 = arith.index_cast %and3A_222 : i32 to index
      %swap3A_251 = arith.constant 0 : index
      %swap3A_252 = tpu.vector_load %arg9[%swap3A, %swap3A_250, %swap3A_251] {strides = array<i32>} : memref<8x8x128xf32, #tpu.memory_space<vmem>>, vector<16xf32>,
      tpu.vector_store %arg9[%swap3A, %swap3A_250, %swap3A_251], %gather3A {strides = array<i32>} : memref<8x8x128xf32, #tpu.memory_space<vmem>>, vector<16xf32>,
      %swap3A_253 = arith.index_cast %shift_right_arithmetic3A_220 : i32 to index
      %swap3A_254 = arith.index_cast %and3A_222 : i32 to index
      %swap3A_255 = arith.constant 16 : index
      %swap3A_256 = tpu.vector_load %arg9[%swap3A_253, %swap3A_254, %swap3A_255] {strides = array<i32>} : memref<8x8x128xf32, #tpu.memory_space<vmem>>, vector<16xf32>,
      tpu.vector_store %arg9[%swap3A_253, %swap3A_254, %swap3A_255], %gather3A_231 {strides = array<i32>} : memref<8x8x128xf32, #tpu.memory_space<vmem>>, vector<16xf32>,
      %swap3A_257 = arith.index_cast %shift_right_arithmetic3A_220 : i32 to index
      %swap3A_258 = arith.index_cast %and3A_222 : i32 to index
      %swap3A_259 = arith.constant 32 : index
      %swap3A_260 = tpu.vector_load %arg9[%swap3A_257, %swap3A_258, %swap3A_259] {strides = array<i32>} : memref<8x8x128xf32, #tpu.memory_space<vmem>>, vector<16xf32>,
      tpu.vector_store %arg9[%swap3A_257, %swap3A_258, %swap3A_259], %gather3A_234 {strides = array<i32>} : memref<8x8x128xf32, #tpu.memory_space<vmem>>, vector<16xf32>,
      %swap3A_261 = arith.index_cast %shift_right_arithmetic3A_220 : i32 to index
      %swap3A_262 = arith.index_cast %and3A_222 : i32 to index
      %swap3A_263 = arith.constant 48 : index
      %swap3A_264 = tpu.vector_load %arg9[%swap3A_261, %swap3A_262, %swap3A_263] {strides = array<i32>} : memref<8x8x128xf32, #tpu.memory_space<vmem>>, vector<16xf32>,
      tpu.vector_store %arg9[%swap3A_261, %swap3A_262, %swap3A_263], %gather3A_237 {strides = array<i32>} : memref<8x8x128xf32, #tpu.memory_space<vmem>>, vector<16xf32>,
      %swap3A_265 = arith.index_cast %shift_right_arithmetic3A_220 : i32 to index
      %swap3A_266 = arith.index_cast %and3A_222 : i32 to index
      %swap3A_267 = arith.constant 64 : index
      %swap3A_268 = tpu.vector_load %arg9[%swap3A_265, %swap3A_266, %swap3A_267] {strides = array<i32>} : memref<8x8x128xf32, #tpu.memory_space<vmem>>, vector<16xf32>,
      tpu.vector_store %arg9[%swap3A_265, %swap3A_266, %swap3A_267], %gather3A_240 {strides = array<i32>} : memref<8x8x128xf32, #tpu.memory_space<vmem>>, vector<16xf32>,
      %swap3A_269 = arith.index_cast %shift_right_arithmetic3A_220 : i32 to index
      %swap3A_270 = arith.index_cast %and3A_222 : i32 to index
      %swap3A_271 = arith.constant 80 : index
      %swap3A_272 = tpu.vector_load %arg9[%swap3A_269, %swap3A_270, %swap3A_271] {strides = array<i32>} : memref<8x8x128xf32, #tpu.memory_space<vmem>>, vector<16xf32>,
      tpu.vector_store %arg9[%swap3A_269, %swap3A_270, %swap3A_271], %gather3A_243 {strides = array<i32>} : memref<8x8x128xf32, #tpu.memory_space<vmem>>, vector<16xf32>,
      %swap3A_273 = arith.index_cast %shift_right_arithmetic3A_220 : i32 to index
      %swap3A_274 = arith.index_cast %and3A_222 : i32 to index
      %swap3A_275 = arith.constant 96 : index
      %swap3A_276 = tpu.vector_load %arg9[%swap3A_273, %swap3A_274, %swap3A_275] {strides = array<i32>} : memref<8x8x128xf32, #tpu.memory_space<vmem>>, vector<16xf32>,
      tpu.vector_store %arg9[%swap3A_273, %swap3A_274, %swap3A_275], %gather3A_246 {strides = array<i32>} : memref<8x8x128xf32, #tpu.memory_space<vmem>>, vector<16xf32>,
      %swap3A_277 = arith.index_cast %shift_right_arithmetic3A_220 : i32 to index
      %swap3A_278 = arith.index_cast %and3A_222 : i32 to index
      %swap3A_279 = arith.constant 112 : index
      %swap3A_280 = tpu.vector_load %arg9[%swap3A_277, %swap3A_278, %swap3A_279] {strides = array<i32>} : memref<8x8x128xf32, #tpu.memory_space<vmem>>, vector<16xf32>,
      tpu.vector_store %arg9[%swap3A_277, %swap3A_278, %swap3A_279], %gather3A_249 {strides = array<i32>} : memref<8x8x128xf32, #tpu.memory_space<vmem>>, vector<16xf32>,
    }
    %scan3A_97 = arith.constant 64 : i32
    %mul3A_98 = arith.constant 8 : i32
    %mul3A_99 = arith.muli %select_n3A_30, %mul3A_98 : i32
    %dma_start3A_100 = arith.constant 0 : i32
    %dma_start3A_101 = arith.constant 0 : i32
    %dma_start3A_102 = arith.constant 0 : i32
    %dma_start3A_103 = tpu.memref_slice %arg4[%add3A_80, %dma_start3A_100, %mul3A_99, %dma_start3A_101, %dma_start3A_102] : memref<26x4x128x8x128xf32, #tpu.memory_space<hbm>> -> memref<1x1x8x8x128xf32, #tpu.memory_space<hbm>>
    %dma_start3A_104 = tpu.memref_squeeze %dma_start3A_103 : memref<1x1x8x8x128xf32, #tpu.memory_space<hbm>> -> memref<8x8x128xf32, #tpu.memory_space<hbm>>
    %dma_start3A_105 = arith.constant 0 : i32
    %dma_start3A_106 = arith.constant 0 : i32
    %dma_start3A_107 = tpu.memref_slice %arg4[%add3A_80, %dma_start3A_100, %mul3A_99, %dma_start3A_105, %dma_start3A_106] : memref<26x4x128x8x128xf32, #tpu.memory_space<hbm>> -> memref<1x1x8x8x128xf32, #tpu.memory_space<hbm>>
    %dma_start3A_108 = tpu.memref_squeeze %dma_start3A_107 : memref<1x1x8x8x128xf32, #tpu.memory_space<hbm>> -> memref<8x8x128xf32, #tpu.memory_space<hbm>>
    tpu.enqueue_dma source(%arg9 : memref<8x8x128xf32, #tpu.memory_space<vmem>>) target(%dma_start3A_108 : memref<8x8x128xf32, #tpu.memory_space<hbm>>) target_semaphore(%arg13 : memref<!tpu.dma_semaphore, #tpu.memory_space<semaphore_mem>>)
    %mul3A_109 = arith.constant 8 : i32
    %mul3A_110 = arith.muli %select_n3A_30, %mul3A_109 : i32
    %dma_wait3A_111 = arith.constant 1 : i32
    %dma_wait3A_112 = arith.constant 0 : i32
    %dma_wait3A_113 = arith.constant 0 : i32
    %dma_wait3A_114 = tpu.memref_slice %arg4[%add3A_80, %dma_wait3A_111, %mul3A_110, %dma_wait3A_112, %dma_wait3A_113] : memref<26x4x128x8x128xf32, #tpu.memory_space<hbm>> -> memref<1x1x8x8x128xf32, #tpu.memory_space<hbm>>
    %dma_wait3A_115 = tpu.memref_squeeze %dma_wait3A_114 : memref<1x1x8x8x128xf32, #tpu.memory_space<hbm>> -> memref<8x8x128xf32, #tpu.memory_space<hbm>>
    %dma_wait3A_116 = arith.constant 0 : i32
    %dma_wait3A_117 = arith.constant 0 : i32
    %dma_wait3A_118 = tpu.memref_slice %arg4[%add3A_80, %dma_wait3A_111, %mul3A_110, %dma_wait3A_116, %dma_wait3A_117] : memref<26x4x128x8x128xf32, #tpu.memory_space<hbm>> -> memref<1x1x8x8x128xf32, #tpu.memory_space<hbm>>
    %dma_wait3A_119 = tpu.memref_squeeze %dma_wait3A_118 : memref<1x1x8x8x128xf32, #tpu.memory_space<hbm>> -> memref<8x8x128xf32, #tpu.memory_space<hbm>>
    tpu.wait_dma2 semaphore(%arg14 : memref<!tpu.dma_semaphore, #tpu.memory_space<semaphore_mem>>) src(%arg10 : memref<8x8x128xf32, #tpu.memory_space<vmem>>) dst(%dma_wait3A_119 : memref<8x8x128xf32, #tpu.memory_space<hbm>>)
    %scan3A_120 = arith.constant 0 : i32
    %scan3A_121 = arith.constant 0 : i32
    %scan3A_122 = arith.constant 64 : i32
    %scan3A_123 = arith.addi %scan3A_121, %scan3A_122 : i32
    %scan3A_124 = arith.constant 1 : i32
    scf.for %scan3A_219 = %scan3A_121 to %scan3A_123 step %scan3A_124  : i32 {
      %shift_right_arithmetic3A = arith.constant 3 : i32
      %shift_right_arithmetic3A_220 = arith.shrsi %scan3A_219, %shift_right_arithmetic3A : i32
      %and3A_221 = arith.constant 7 : i32
      %and3A_222 = arith.andi %scan3A_219, %and3A_221 : i32
      %add3A_223 = arith.constant 8 : i32
      %add3A_224 = arith.addi %add3A_223, %and3A_222 : i32
      %broadcast_in_dim3A = vector.broadcast %add3A_224 : i32 to vector<16xi32>
      %mul3A_225 = arith.constant 128 : i32
      %mul3A_226 = arith.muli %shift_right_arithmetic3A_220, %mul3A_225 : i32
      %add3A_227 = vector.broadcast %mul3A_226 : i32 to vector<16xi32>
      %add3A_228 = arith.addi %add3A_35, %add3A_227 : vector<16xi32>
      %gather3A = tpu.vector_load_idx %arg7[%add3A_228, %broadcast_in_dim3A] : memref<1024x32xf32, #tpu.memory_space<vmem>>[vector<16xi32>, vector<16xi32>], vector<16xf32>,
      %add3A_229 = vector.broadcast %mul3A_226 : i32 to vector<16xi32>
      %add3A_230 = arith.addi %add3A_38, %add3A_229 : vector<16xi32>
      %gather3A_231 = tpu.vector_load_idx %arg7[%add3A_230, %broadcast_in_dim3A] : memref<1024x32xf32, #tpu.memory_space<vmem>>[vector<16xi32>, vector<16xi32>], vector<16xf32>,
      %add3A_232 = vector.broadcast %mul3A_226 : i32 to vector<16xi32>
      %add3A_233 = arith.addi %add3A_41, %add3A_232 : vector<16xi32>
      %gather3A_234 = tpu.vector_load_idx %arg7[%add3A_233, %broadcast_in_dim3A] : memref<1024x32xf32, #tpu.memory_space<vmem>>[vector<16xi32>, vector<16xi32>], vector<16xf32>,
      %add3A_235 = vector.broadcast %mul3A_226 : i32 to vector<16xi32>
      %add3A_236 = arith.addi %add3A_44, %add3A_235 : vector<16xi32>
      %gather3A_237 = tpu.vector_load_idx %arg7[%add3A_236, %broadcast_in_dim3A] : memref<1024x32xf32, #tpu.memory_space<vmem>>[vector<16xi32>, vector<16xi32>], vector<16xf32>,
      %add3A_238 = vector.broadcast %mul3A_226 : i32 to vector<16xi32>
      %add3A_239 = arith.addi %add3A_47, %add3A_238 : vector<16xi32>
      %gather3A_240 = tpu.vector_load_idx %arg7[%add3A_239, %broadcast_in_dim3A] : memref<1024x32xf32, #tpu.memory_space<vmem>>[vector<16xi32>, vector<16xi32>], vector<16xf32>,
      %add3A_241 = vector.broadcast %mul3A_226 : i32 to vector<16xi32>
      %add3A_242 = arith.addi %add3A_50, %add3A_241 : vector<16xi32>
      %gather3A_243 = tpu.vector_load_idx %arg7[%add3A_242, %broadcast_in_dim3A] : memref<1024x32xf32, #tpu.memory_space<vmem>>[vector<16xi32>, vector<16xi32>], vector<16xf32>,
      %add3A_244 = vector.broadcast %mul3A_226 : i32 to vector<16xi32>
      %add3A_245 = arith.addi %add3A_53, %add3A_244 : vector<16xi32>
      %gather3A_246 = tpu.vector_load_idx %arg7[%add3A_245, %broadcast_in_dim3A] : memref<1024x32xf32, #tpu.memory_space<vmem>>[vector<16xi32>, vector<16xi32>], vector<16xf32>,
      %add3A_247 = vector.broadcast %mul3A_226 : i32 to vector<16xi32>
      %add3A_248 = arith.addi %add3A_56, %add3A_247 : vector<16xi32>
      %gather3A_249 = tpu.vector_load_idx %arg7[%add3A_248, %broadcast_in_dim3A] : memref<1024x32xf32, #tpu.memory_space<vmem>>[vector<16xi32>, vector<16xi32>], vector<16xf32>,
      %swap3A = arith.index_cast %shift_right_arithmetic3A_220 : i32 to index
      %swap3A_250 = arith.index_cast %and3A_222 : i32 to index
      %swap3A_251 = arith.constant 0 : index
      %swap3A_252 = tpu.vector_load %arg10[%swap3A, %swap3A_250, %swap3A_251] {strides = array<i32>} : memref<8x8x128xf32, #tpu.memory_space<vmem>>, vector<16xf32>,
      tpu.vector_store %arg10[%swap3A, %swap3A_250, %swap3A_251], %gather3A {strides = array<i32>} : memref<8x8x128xf32, #tpu.memory_space<vmem>>, vector<16xf32>,
      %swap3A_253 = arith.index_cast %shift_right_arithmetic3A_220 : i32 to index
      %swap3A_254 = arith.index_cast %and3A_222 : i32 to index
      %swap3A_255 = arith.constant 16 : index
      %swap3A_256 = tpu.vector_load %arg10[%swap3A_253, %swap3A_254, %swap3A_255] {strides = array<i32>} : memref<8x8x128xf32, #tpu.memory_space<vmem>>, vector<16xf32>,
      tpu.vector_store %arg10[%swap3A_253, %swap3A_254, %swap3A_255], %gather3A_231 {strides = array<i32>} : memref<8x8x128xf32, #tpu.memory_space<vmem>>, vector<16xf32>,
      %swap3A_257 = arith.index_cast %shift_right_arithmetic3A_220 : i32 to index
      %swap3A_258 = arith.index_cast %and3A_222 : i32 to index
      %swap3A_259 = arith.constant 32 : index
      %swap3A_260 = tpu.vector_load %arg10[%swap3A_257, %swap3A_258, %swap3A_259] {strides = array<i32>} : memref<8x8x128xf32, #tpu.memory_space<vmem>>, vector<16xf32>,
      tpu.vector_store %arg10[%swap3A_257, %swap3A_258, %swap3A_259], %gather3A_234 {strides = array<i32>} : memref<8x8x128xf32, #tpu.memory_space<vmem>>, vector<16xf32>,
      %swap3A_261 = arith.index_cast %shift_right_arithmetic3A_220 : i32 to index
      %swap3A_262 = arith.index_cast %and3A_222 : i32 to index
      %swap3A_263 = arith.constant 48 : index
      %swap3A_264 = tpu.vector_load %arg10[%swap3A_261, %swap3A_262, %swap3A_263] {strides = array<i32>} : memref<8x8x128xf32, #tpu.memory_space<vmem>>, vector<16xf32>,
      tpu.vector_store %arg10[%swap3A_261, %swap3A_262, %swap3A_263], %gather3A_237 {strides = array<i32>} : memref<8x8x128xf32, #tpu.memory_space<vmem>>, vector<16xf32>,
      %swap3A_265 = arith.index_cast %shift_right_arithmetic3A_220 : i32 to index
      %swap3A_266 = arith.index_cast %and3A_222 : i32 to index
      %swap3A_267 = arith.constant 64 : index
      %swap3A_268 = tpu.vector_load %arg10[%swap3A_265, %swap3A_266, %swap3A_267] {strides = array<i32>} : memref<8x8x128xf32, #tpu.memory_space<vmem>>, vector<16xf32>,
      tpu.vector_store %arg10[%swap3A_265, %swap3A_266, %swap3A_267], %gather3A_240 {strides = array<i32>} : memref<8x8x128xf32, #tpu.memory_space<vmem>>, vector<16xf32>,
      %swap3A_269 = arith.index_cast %shift_right_arithmetic3A_220 : i32 to index
      %swap3A_270 = arith.index_cast %and3A_222 : i32 to index
      %swap3A_271 = arith.constant 80 : index
      %swap3A_272 = tpu.vector_load %arg10[%swap3A_269, %swap3A_270, %swap3A_271] {strides = array<i32>} : memref<8x8x128xf32, #tpu.memory_space<vmem>>, vector<16xf32>,
      tpu.vector_store %arg10[%swap3A_269, %swap3A_270, %swap3A_271], %gather3A_243 {strides = array<i32>} : memref<8x8x128xf32, #tpu.memory_space<vmem>>, vector<16xf32>,
      %swap3A_273 = arith.index_cast %shift_right_arithmetic3A_220 : i32 to index
      %swap3A_274 = arith.index_cast %and3A_222 : i32 to index
      %swap3A_275 = arith.constant 96 : index
      %swap3A_276 = tpu.vector_load %arg10[%swap3A_273, %swap3A_274, %swap3A_275] {strides = array<i32>} : memref<8x8x128xf32, #tpu.memory_space<vmem>>, vector<16xf32>,
      tpu.vector_store %arg10[%swap3A_273, %swap3A_274, %swap3A_275], %gather3A_246 {strides = array<i32>} : memref<8x8x128xf32, #tpu.memory_space<vmem>>, vector<16xf32>,
      %swap3A_277 = arith.index_cast %shift_right_arithmetic3A_220 : i32 to index
      %swap3A_278 = arith.index_cast %and3A_222 : i32 to index
      %swap3A_279 = arith.constant 112 : index
      %swap3A_280 = tpu.vector_load %arg10[%swap3A_277, %swap3A_278, %swap3A_279] {strides = array<i32>} : memref<8x8x128xf32, #tpu.memory_space<vmem>>, vector<16xf32>,
      tpu.vector_store %arg10[%swap3A_277, %swap3A_278, %swap3A_279], %gather3A_249 {strides = array<i32>} : memref<8x8x128xf32, #tpu.memory_space<vmem>>, vector<16xf32>,
    }
    %scan3A_125 = arith.constant 64 : i32
    %mul3A_126 = arith.constant 8 : i32
    %mul3A_127 = arith.muli %select_n3A_30, %mul3A_126 : i32
    %dma_start3A_128 = arith.constant 1 : i32
    %dma_start3A_129 = arith.constant 0 : i32
    %dma_start3A_130 = arith.constant 0 : i32
    %dma_start3A_131 = tpu.memref_slice %arg4[%add3A_80, %dma_start3A_128, %mul3A_127, %dma_start3A_129, %dma_start3A_130] : memref<26x4x128x8x128xf32, #tpu.memory_space<hbm>> -> memref<1x1x8x8x128xf32, #tpu.memory_space<hbm>>
    %dma_start3A_132 = tpu.memref_squeeze %dma_start3A_131 : memref<1x1x8x8x128xf32, #tpu.memory_space<hbm>> -> memref<8x8x128xf32, #tpu.memory_space<hbm>>
    %dma_start3A_133 = arith.constant 0 : i32
    %dma_start3A_134 = arith.constant 0 : i32
    %dma_start3A_135 = tpu.memref_slice %arg4[%add3A_80, %dma_start3A_128, %mul3A_127, %dma_start3A_133, %dma_start3A_134] : memref<26x4x128x8x128xf32, #tpu.memory_space<hbm>> -> memref<1x1x8x8x128xf32, #tpu.memory_space<hbm>>
    %dma_start3A_136 = tpu.memref_squeeze %dma_start3A_135 : memref<1x1x8x8x128xf32, #tpu.memory_space<hbm>> -> memref<8x8x128xf32, #tpu.memory_space<hbm>>
    tpu.enqueue_dma source(%arg10 : memref<8x8x128xf32, #tpu.memory_space<vmem>>) target(%dma_start3A_136 : memref<8x8x128xf32, #tpu.memory_space<hbm>>) target_semaphore(%arg14 : memref<!tpu.dma_semaphore, #tpu.memory_space<semaphore_mem>>)
    %mul3A_137 = arith.constant 8 : i32
    %mul3A_138 = arith.muli %select_n3A_30, %mul3A_137 : i32
    %dma_wait3A_139 = arith.constant 2 : i32
    %dma_wait3A_140 = arith.constant 0 : i32
    %dma_wait3A_141 = arith.constant 0 : i32
    %dma_wait3A_142 = tpu.memref_slice %arg4[%add3A_80, %dma_wait3A_139, %mul3A_138, %dma_wait3A_140, %dma_wait3A_141] : memref<26x4x128x8x128xf32, #tpu.memory_space<hbm>> -> memref<1x1x8x8x128xf32, #tpu.memory_space<hbm>>
    %dma_wait3A_143 = tpu.memref_squeeze %dma_wait3A_142 : memref<1x1x8x8x128xf32, #tpu.memory_space<hbm>> -> memref<8x8x128xf32, #tpu.memory_space<hbm>>
    %dma_wait3A_144 = arith.constant 0 : i32
    %dma_wait3A_145 = arith.constant 0 : i32
    %dma_wait3A_146 = tpu.memref_slice %arg4[%add3A_80, %dma_wait3A_139, %mul3A_138, %dma_wait3A_144, %dma_wait3A_145] : memref<26x4x128x8x128xf32, #tpu.memory_space<hbm>> -> memref<1x1x8x8x128xf32, #tpu.memory_space<hbm>>
    %dma_wait3A_147 = tpu.memref_squeeze %dma_wait3A_146 : memref<1x1x8x8x128xf32, #tpu.memory_space<hbm>> -> memref<8x8x128xf32, #tpu.memory_space<hbm>>
    tpu.wait_dma2 semaphore(%arg13 : memref<!tpu.dma_semaphore, #tpu.memory_space<semaphore_mem>>) src(%arg9 : memref<8x8x128xf32, #tpu.memory_space<vmem>>) dst(%dma_wait3A_147 : memref<8x8x128xf32, #tpu.memory_space<hbm>>)
    %scan3A_148 = arith.constant 0 : i32
    %scan3A_149 = arith.constant 0 : i32
    %scan3A_150 = arith.constant 64 : i32
    %scan3A_151 = arith.addi %scan3A_149, %scan3A_150 : i32
    %scan3A_152 = arith.constant 1 : i32
    scf.for %scan3A_219 = %scan3A_149 to %scan3A_151 step %scan3A_152  : i32 {
      %shift_right_arithmetic3A = arith.constant 3 : i32
      %shift_right_arithmetic3A_220 = arith.shrsi %scan3A_219, %shift_right_arithmetic3A : i32
      %and3A_221 = arith.constant 7 : i32
      %and3A_222 = arith.andi %scan3A_219, %and3A_221 : i32
      %add3A_223 = arith.constant 16 : i32
      %add3A_224 = arith.addi %add3A_223, %and3A_222 : i32
      %broadcast_in_dim3A = vector.broadcast %add3A_224 : i32 to vector<16xi32>
      %mul3A_225 = arith.constant 128 : i32
      %mul3A_226 = arith.muli %shift_right_arithmetic3A_220, %mul3A_225 : i32
      %add3A_227 = vector.broadcast %mul3A_226 : i32 to vector<16xi32>
      %add3A_228 = arith.addi %add3A_35, %add3A_227 : vector<16xi32>
      %gather3A = tpu.vector_load_idx %arg7[%add3A_228, %broadcast_in_dim3A] : memref<1024x32xf32, #tpu.memory_space<vmem>>[vector<16xi32>, vector<16xi32>], vector<16xf32>,
      %add3A_229 = vector.broadcast %mul3A_226 : i32 to vector<16xi32>
      %add3A_230 = arith.addi %add3A_38, %add3A_229 : vector<16xi32>
      %gather3A_231 = tpu.vector_load_idx %arg7[%add3A_230, %broadcast_in_dim3A] : memref<1024x32xf32, #tpu.memory_space<vmem>>[vector<16xi32>, vector<16xi32>], vector<16xf32>,
      %add3A_232 = vector.broadcast %mul3A_226 : i32 to vector<16xi32>
      %add3A_233 = arith.addi %add3A_41, %add3A_232 : vector<16xi32>
      %gather3A_234 = tpu.vector_load_idx %arg7[%add3A_233, %broadcast_in_dim3A] : memref<1024x32xf32, #tpu.memory_space<vmem>>[vector<16xi32>, vector<16xi32>], vector<16xf32>,
      %add3A_235 = vector.broadcast %mul3A_226 : i32 to vector<16xi32>
      %add3A_236 = arith.addi %add3A_44, %add3A_235 : vector<16xi32>
      %gather3A_237 = tpu.vector_load_idx %arg7[%add3A_236, %broadcast_in_dim3A] : memref<1024x32xf32, #tpu.memory_space<vmem>>[vector<16xi32>, vector<16xi32>], vector<16xf32>,
      %add3A_238 = vector.broadcast %mul3A_226 : i32 to vector<16xi32>
      %add3A_239 = arith.addi %add3A_47, %add3A_238 : vector<16xi32>
      %gather3A_240 = tpu.vector_load_idx %arg7[%add3A_239, %broadcast_in_dim3A] : memref<1024x32xf32, #tpu.memory_space<vmem>>[vector<16xi32>, vector<16xi32>], vector<16xf32>,
      %add3A_241 = vector.broadcast %mul3A_226 : i32 to vector<16xi32>
      %add3A_242 = arith.addi %add3A_50, %add3A_241 : vector<16xi32>
      %gather3A_243 = tpu.vector_load_idx %arg7[%add3A_242, %broadcast_in_dim3A] : memref<1024x32xf32, #tpu.memory_space<vmem>>[vector<16xi32>, vector<16xi32>], vector<16xf32>,
      %add3A_244 = vector.broadcast %mul3A_226 : i32 to vector<16xi32>
      %add3A_245 = arith.addi %add3A_53, %add3A_244 : vector<16xi32>
      %gather3A_246 = tpu.vector_load_idx %arg7[%add3A_245, %broadcast_in_dim3A] : memref<1024x32xf32, #tpu.memory_space<vmem>>[vector<16xi32>, vector<16xi32>], vector<16xf32>,
      %add3A_247 = vector.broadcast %mul3A_226 : i32 to vector<16xi32>
      %add3A_248 = arith.addi %add3A_56, %add3A_247 : vector<16xi32>
      %gather3A_249 = tpu.vector_load_idx %arg7[%add3A_248, %broadcast_in_dim3A] : memref<1024x32xf32, #tpu.memory_space<vmem>>[vector<16xi32>, vector<16xi32>], vector<16xf32>,
      %swap3A = arith.index_cast %shift_right_arithmetic3A_220 : i32 to index
      %swap3A_250 = arith.index_cast %and3A_222 : i32 to index
      %swap3A_251 = arith.constant 0 : index
      %swap3A_252 = tpu.vector_load %arg9[%swap3A, %swap3A_250, %swap3A_251] {strides = array<i32>} : memref<8x8x128xf32, #tpu.memory_space<vmem>>, vector<16xf32>,
      tpu.vector_store %arg9[%swap3A, %swap3A_250, %swap3A_251], %gather3A {strides = array<i32>} : memref<8x8x128xf32, #tpu.memory_space<vmem>>, vector<16xf32>,
      %swap3A_253 = arith.index_cast %shift_right_arithmetic3A_220 : i32 to index
      %swap3A_254 = arith.index_cast %and3A_222 : i32 to index
      %swap3A_255 = arith.constant 16 : index
      %swap3A_256 = tpu.vector_load %arg9[%swap3A_253, %swap3A_254, %swap3A_255] {strides = array<i32>} : memref<8x8x128xf32, #tpu.memory_space<vmem>>, vector<16xf32>,
      tpu.vector_store %arg9[%swap3A_253, %swap3A_254, %swap3A_255], %gather3A_231 {strides = array<i32>} : memref<8x8x128xf32, #tpu.memory_space<vmem>>, vector<16xf32>,
      %swap3A_257 = arith.index_cast %shift_right_arithmetic3A_220 : i32 to index
      %swap3A_258 = arith.index_cast %and3A_222 : i32 to index
      %swap3A_259 = arith.constant 32 : index
      %swap3A_260 = tpu.vector_load %arg9[%swap3A_257, %swap3A_258, %swap3A_259] {strides = array<i32>} : memref<8x8x128xf32, #tpu.memory_space<vmem>>, vector<16xf32>,
      tpu.vector_store %arg9[%swap3A_257, %swap3A_258, %swap3A_259], %gather3A_234 {strides = array<i32>} : memref<8x8x128xf32, #tpu.memory_space<vmem>>, vector<16xf32>,
      %swap3A_261 = arith.index_cast %shift_right_arithmetic3A_220 : i32 to index
      %swap3A_262 = arith.index_cast %and3A_222 : i32 to index
      %swap3A_263 = arith.constant 48 : index
      %swap3A_264 = tpu.vector_load %arg9[%swap3A_261, %swap3A_262, %swap3A_263] {strides = array<i32>} : memref<8x8x128xf32, #tpu.memory_space<vmem>>, vector<16xf32>,
      tpu.vector_store %arg9[%swap3A_261, %swap3A_262, %swap3A_263], %gather3A_237 {strides = array<i32>} : memref<8x8x128xf32, #tpu.memory_space<vmem>>, vector<16xf32>,
      %swap3A_265 = arith.index_cast %shift_right_arithmetic3A_220 : i32 to index
      %swap3A_266 = arith.index_cast %and3A_222 : i32 to index
      %swap3A_267 = arith.constant 64 : index
      %swap3A_268 = tpu.vector_load %arg9[%swap3A_265, %swap3A_266, %swap3A_267] {strides = array<i32>} : memref<8x8x128xf32, #tpu.memory_space<vmem>>, vector<16xf32>,
      tpu.vector_store %arg9[%swap3A_265, %swap3A_266, %swap3A_267], %gather3A_240 {strides = array<i32>} : memref<8x8x128xf32, #tpu.memory_space<vmem>>, vector<16xf32>,
      %swap3A_269 = arith.index_cast %shift_right_arithmetic3A_220 : i32 to index
      %swap3A_270 = arith.index_cast %and3A_222 : i32 to index
      %swap3A_271 = arith.constant 80 : index
      %swap3A_272 = tpu.vector_load %arg9[%swap3A_269, %swap3A_270, %swap3A_271] {strides = array<i32>} : memref<8x8x128xf32, #tpu.memory_space<vmem>>, vector<16xf32>,
      tpu.vector_store %arg9[%swap3A_269, %swap3A_270, %swap3A_271], %gather3A_243 {strides = array<i32>} : memref<8x8x128xf32, #tpu.memory_space<vmem>>, vector<16xf32>,
      %swap3A_273 = arith.index_cast %shift_right_arithmetic3A_220 : i32 to index
      %swap3A_274 = arith.index_cast %and3A_222 : i32 to index
      %swap3A_275 = arith.constant 96 : index
      %swap3A_276 = tpu.vector_load %arg9[%swap3A_273, %swap3A_274, %swap3A_275] {strides = array<i32>} : memref<8x8x128xf32, #tpu.memory_space<vmem>>, vector<16xf32>,
      tpu.vector_store %arg9[%swap3A_273, %swap3A_274, %swap3A_275], %gather3A_246 {strides = array<i32>} : memref<8x8x128xf32, #tpu.memory_space<vmem>>, vector<16xf32>,
      %swap3A_277 = arith.index_cast %shift_right_arithmetic3A_220 : i32 to index
      %swap3A_278 = arith.index_cast %and3A_222 : i32 to index
      %swap3A_279 = arith.constant 112 : index
      %swap3A_280 = tpu.vector_load %arg9[%swap3A_277, %swap3A_278, %swap3A_279] {strides = array<i32>} : memref<8x8x128xf32, #tpu.memory_space<vmem>>, vector<16xf32>,
      tpu.vector_store %arg9[%swap3A_277, %swap3A_278, %swap3A_279], %gather3A_249 {strides = array<i32>} : memref<8x8x128xf32, #tpu.memory_space<vmem>>, vector<16xf32>,
    }
    %scan3A_153 = arith.constant 64 : i32
    %mul3A_154 = arith.constant 8 : i32
    %mul3A_155 = arith.muli %select_n3A_30, %mul3A_154 : i32
    %dma_start3A_156 = arith.constant 2 : i32
    %dma_start3A_157 = arith.constant 0 : i32
    %dma_start3A_158 = arith.constant 0 : i32
    %dma_start3A_159 = tpu.memref_slice %arg4[%add3A_80, %dma_start3A_156, %mul3A_155, %dma_start3A_157, %dma_start3A_158] : memref<26x4x128x8x128xf32, #tpu.memory_space<hbm>> -> memref<1x1x8x8x128xf32, #tpu.memory_space<hbm>>
    %dma_start3A_160 = tpu.memref_squeeze %dma_start3A_159 : memref<1x1x8x8x128xf32, #tpu.memory_space<hbm>> -> memref<8x8x128xf32, #tpu.memory_space<hbm>>
    %dma_start3A_161 = arith.constant 0 : i32
    %dma_start3A_162 = arith.constant 0 : i32
    %dma_start3A_163 = tpu.memref_slice %arg4[%add3A_80, %dma_start3A_156, %mul3A_155, %dma_start3A_161, %dma_start3A_162] : memref<26x4x128x8x128xf32, #tpu.memory_space<hbm>> -> memref<1x1x8x8x128xf32, #tpu.memory_space<hbm>>
    %dma_start3A_164 = tpu.memref_squeeze %dma_start3A_163 : memref<1x1x8x8x128xf32, #tpu.memory_space<hbm>> -> memref<8x8x128xf32, #tpu.memory_space<hbm>>
    tpu.enqueue_dma source(%arg9 : memref<8x8x128xf32, #tpu.memory_space<vmem>>) target(%dma_start3A_164 : memref<8x8x128xf32, #tpu.memory_space<hbm>>) target_semaphore(%arg13 : memref<!tpu.dma_semaphore, #tpu.memory_space<semaphore_mem>>)
    %mul3A_165 = arith.constant 8 : i32
    %mul3A_166 = arith.muli %select_n3A_30, %mul3A_165 : i32
    %dma_wait3A_167 = arith.constant 3 : i32
    %dma_wait3A_168 = arith.constant 0 : i32
    %dma_wait3A_169 = arith.constant 0 : i32
    %dma_wait3A_170 = tpu.memref_slice %arg4[%add3A_80, %dma_wait3A_167, %mul3A_166, %dma_wait3A_168, %dma_wait3A_169] : memref<26x4x128x8x128xf32, #tpu.memory_space<hbm>> -> memref<1x1x8x8x128xf32, #tpu.memory_space<hbm>>
    %dma_wait3A_171 = tpu.memref_squeeze %dma_wait3A_170 : memref<1x1x8x8x128xf32, #tpu.memory_space<hbm>> -> memref<8x8x128xf32, #tpu.memory_space<hbm>>
    %dma_wait3A_172 = arith.constant 0 : i32
    %dma_wait3A_173 = arith.constant 0 : i32
    %dma_wait3A_174 = tpu.memref_slice %arg4[%add3A_80, %dma_wait3A_167, %mul3A_166, %dma_wait3A_172, %dma_wait3A_173] : memref<26x4x128x8x128xf32, #tpu.memory_space<hbm>> -> memref<1x1x8x8x128xf32, #tpu.memory_space<hbm>>
    %dma_wait3A_175 = tpu.memref_squeeze %dma_wait3A_174 : memref<1x1x8x8x128xf32, #tpu.memory_space<hbm>> -> memref<8x8x128xf32, #tpu.memory_space<hbm>>
    tpu.wait_dma2 semaphore(%arg14 : memref<!tpu.dma_semaphore, #tpu.memory_space<semaphore_mem>>) src(%arg10 : memref<8x8x128xf32, #tpu.memory_space<vmem>>) dst(%dma_wait3A_175 : memref<8x8x128xf32, #tpu.memory_space<hbm>>)
    %scan3A_176 = arith.constant 0 : i32
    %scan3A_177 = arith.constant 0 : i32
    %scan3A_178 = arith.constant 64 : i32
    %scan3A_179 = arith.addi %scan3A_177, %scan3A_178 : i32
    %scan3A_180 = arith.constant 1 : i32
    scf.for %scan3A_219 = %scan3A_177 to %scan3A_179 step %scan3A_180  : i32 {
      %shift_right_arithmetic3A = arith.constant 3 : i32
      %shift_right_arithmetic3A_220 = arith.shrsi %scan3A_219, %shift_right_arithmetic3A : i32
      %and3A_221 = arith.constant 7 : i32
      %and3A_222 = arith.andi %scan3A_219, %and3A_221 : i32
      %add3A_223 = arith.constant 24 : i32
      %add3A_224 = arith.addi %add3A_223, %and3A_222 : i32
      %broadcast_in_dim3A = vector.broadcast %add3A_224 : i32 to vector<16xi32>
      %mul3A_225 = arith.constant 128 : i32
      %mul3A_226 = arith.muli %shift_right_arithmetic3A_220, %mul3A_225 : i32
      %add3A_227 = vector.broadcast %mul3A_226 : i32 to vector<16xi32>
      %add3A_228 = arith.addi %add3A_35, %add3A_227 : vector<16xi32>
      %gather3A = tpu.vector_load_idx %arg7[%add3A_228, %broadcast_in_dim3A] : memref<1024x32xf32, #tpu.memory_space<vmem>>[vector<16xi32>, vector<16xi32>], vector<16xf32>,
      %add3A_229 = vector.broadcast %mul3A_226 : i32 to vector<16xi32>
      %add3A_230 = arith.addi %add3A_38, %add3A_229 : vector<16xi32>
      %gather3A_231 = tpu.vector_load_idx %arg7[%add3A_230, %broadcast_in_dim3A] : memref<1024x32xf32, #tpu.memory_space<vmem>>[vector<16xi32>, vector<16xi32>], vector<16xf32>,
      %add3A_232 = vector.broadcast %mul3A_226 : i32 to vector<16xi32>
      %add3A_233 = arith.addi %add3A_41, %add3A_232 : vector<16xi32>
      %gather3A_234 = tpu.vector_load_idx %arg7[%add3A_233, %broadcast_in_dim3A] : memref<1024x32xf32, #tpu.memory_space<vmem>>[vector<16xi32>, vector<16xi32>], vector<16xf32>,
      %add3A_235 = vector.broadcast %mul3A_226 : i32 to vector<16xi32>
      %add3A_236 = arith.addi %add3A_44, %add3A_235 : vector<16xi32>
      %gather3A_237 = tpu.vector_load_idx %arg7[%add3A_236, %broadcast_in_dim3A] : memref<1024x32xf32, #tpu.memory_space<vmem>>[vector<16xi32>, vector<16xi32>], vector<16xf32>,
      %add3A_238 = vector.broadcast %mul3A_226 : i32 to vector<16xi32>
      %add3A_239 = arith.addi %add3A_47, %add3A_238 : vector<16xi32>
      %gather3A_240 = tpu.vector_load_idx %arg7[%add3A_239, %broadcast_in_dim3A] : memref<1024x32xf32, #tpu.memory_space<vmem>>[vector<16xi32>, vector<16xi32>], vector<16xf32>,
      %add3A_241 = vector.broadcast %mul3A_226 : i32 to vector<16xi32>
      %add3A_242 = arith.addi %add3A_50, %add3A_241 : vector<16xi32>
      %gather3A_243 = tpu.vector_load_idx %arg7[%add3A_242, %broadcast_in_dim3A] : memref<1024x32xf32, #tpu.memory_space<vmem>>[vector<16xi32>, vector<16xi32>], vector<16xf32>,
      %add3A_244 = vector.broadcast %mul3A_226 : i32 to vector<16xi32>
      %add3A_245 = arith.addi %add3A_53, %add3A_244 : vector<16xi32>
      %gather3A_246 = tpu.vector_load_idx %arg7[%add3A_245, %broadcast_in_dim3A] : memref<1024x32xf32, #tpu.memory_space<vmem>>[vector<16xi32>, vector<16xi32>], vector<16xf32>,
      %add3A_247 = vector.broadcast %mul3A_226 : i32 to vector<16xi32>
      %add3A_248 = arith.addi %add3A_56, %add3A_247 : vector<16xi32>
      %gather3A_249 = tpu.vector_load_idx %arg7[%add3A_248, %broadcast_in_dim3A] : memref<1024x32xf32, #tpu.memory_space<vmem>>[vector<16xi32>, vector<16xi32>], vector<16xf32>,
      %swap3A = arith.index_cast %shift_right_arithmetic3A_220 : i32 to index
      %swap3A_250 = arith.index_cast %and3A_222 : i32 to index
      %swap3A_251 = arith.constant 0 : index
      %swap3A_252 = tpu.vector_load %arg10[%swap3A, %swap3A_250, %swap3A_251] {strides = array<i32>} : memref<8x8x128xf32, #tpu.memory_space<vmem>>, vector<16xf32>,
      tpu.vector_store %arg10[%swap3A, %swap3A_250, %swap3A_251], %gather3A {strides = array<i32>} : memref<8x8x128xf32, #tpu.memory_space<vmem>>, vector<16xf32>,
      %swap3A_253 = arith.index_cast %shift_right_arithmetic3A_220 : i32 to index
      %swap3A_254 = arith.index_cast %and3A_222 : i32 to index
      %swap3A_255 = arith.constant 16 : index
      %swap3A_256 = tpu.vector_load %arg10[%swap3A_253, %swap3A_254, %swap3A_255] {strides = array<i32>} : memref<8x8x128xf32, #tpu.memory_space<vmem>>, vector<16xf32>,
      tpu.vector_store %arg10[%swap3A_253, %swap3A_254, %swap3A_255], %gather3A_231 {strides = array<i32>} : memref<8x8x128xf32, #tpu.memory_space<vmem>>, vector<16xf32>,
      %swap3A_257 = arith.index_cast %shift_right_arithmetic3A_220 : i32 to index
      %swap3A_258 = arith.index_cast %and3A_222 : i32 to index
      %swap3A_259 = arith.constant 32 : index
      %swap3A_260 = tpu.vector_load %arg10[%swap3A_257, %swap3A_258, %swap3A_259] {strides = array<i32>} : memref<8x8x128xf32, #tpu.memory_space<vmem>>, vector<16xf32>,
      tpu.vector_store %arg10[%swap3A_257, %swap3A_258, %swap3A_259], %gather3A_234 {strides = array<i32>} : memref<8x8x128xf32, #tpu.memory_space<vmem>>, vector<16xf32>,
      %swap3A_261 = arith.index_cast %shift_right_arithmetic3A_220 : i32 to index
      %swap3A_262 = arith.index_cast %and3A_222 : i32 to index
      %swap3A_263 = arith.constant 48 : index
      %swap3A_264 = tpu.vector_load %arg10[%swap3A_261, %swap3A_262, %swap3A_263] {strides = array<i32>} : memref<8x8x128xf32, #tpu.memory_space<vmem>>, vector<16xf32>,
      tpu.vector_store %arg10[%swap3A_261, %swap3A_262, %swap3A_263], %gather3A_237 {strides = array<i32>} : memref<8x8x128xf32, #tpu.memory_space<vmem>>, vector<16xf32>,
      %swap3A_265 = arith.index_cast %shift_right_arithmetic3A_220 : i32 to index
      %swap3A_266 = arith.index_cast %and3A_222 : i32 to index
      %swap3A_267 = arith.constant 64 : index
      %swap3A_268 = tpu.vector_load %arg10[%swap3A_265, %swap3A_266, %swap3A_267] {strides = array<i32>} : memref<8x8x128xf32, #tpu.memory_space<vmem>>, vector<16xf32>,
      tpu.vector_store %arg10[%swap3A_265, %swap3A_266, %swap3A_267], %gather3A_240 {strides = array<i32>} : memref<8x8x128xf32, #tpu.memory_space<vmem>>, vector<16xf32>,
      %swap3A_269 = arith.index_cast %shift_right_arithmetic3A_220 : i32 to index
      %swap3A_270 = arith.index_cast %and3A_222 : i32 to index
      %swap3A_271 = arith.constant 80 : index
      %swap3A_272 = tpu.vector_load %arg10[%swap3A_269, %swap3A_270, %swap3A_271] {strides = array<i32>} : memref<8x8x128xf32, #tpu.memory_space<vmem>>, vector<16xf32>,
      tpu.vector_store %arg10[%swap3A_269, %swap3A_270, %swap3A_271], %gather3A_243 {strides = array<i32>} : memref<8x8x128xf32, #tpu.memory_space<vmem>>, vector<16xf32>,
      %swap3A_273 = arith.index_cast %shift_right_arithmetic3A_220 : i32 to index
      %swap3A_274 = arith.index_cast %and3A_222 : i32 to index
      %swap3A_275 = arith.constant 96 : index
      %swap3A_276 = tpu.vector_load %arg10[%swap3A_273, %swap3A_274, %swap3A_275] {strides = array<i32>} : memref<8x8x128xf32, #tpu.memory_space<vmem>>, vector<16xf32>,
      tpu.vector_store %arg10[%swap3A_273, %swap3A_274, %swap3A_275], %gather3A_246 {strides = array<i32>} : memref<8x8x128xf32, #tpu.memory_space<vmem>>, vector<16xf32>,
      %swap3A_277 = arith.index_cast %shift_right_arithmetic3A_220 : i32 to index
      %swap3A_278 = arith.index_cast %and3A_222 : i32 to index
      %swap3A_279 = arith.constant 112 : index
      %swap3A_280 = tpu.vector_load %arg10[%swap3A_277, %swap3A_278, %swap3A_279] {strides = array<i32>} : memref<8x8x128xf32, #tpu.memory_space<vmem>>, vector<16xf32>,
      tpu.vector_store %arg10[%swap3A_277, %swap3A_278, %swap3A_279], %gather3A_249 {strides = array<i32>} : memref<8x8x128xf32, #tpu.memory_space<vmem>>, vector<16xf32>,
    }
    %scan3A_181 = arith.constant 64 : i32
    %mul3A_182 = arith.constant 8 : i32
    %mul3A_183 = arith.muli %select_n3A_30, %mul3A_182 : i32
    %dma_start3A_184 = arith.constant 3 : i32
    %dma_start3A_185 = arith.constant 0 : i32
    %dma_start3A_186 = arith.constant 0 : i32
    %dma_start3A_187 = tpu.memref_slice %arg4[%add3A_80, %dma_start3A_184, %mul3A_183, %dma_start3A_185, %dma_start3A_186] : memref<26x4x128x8x128xf32, #tpu.memory_space<hbm>> -> memref<1x1x8x8x128xf32, #tpu.memory_space<hbm>>
    %dma_start3A_188 = tpu.memref_squeeze %dma_start3A_187 : memref<1x1x8x8x128xf32, #tpu.memory_space<hbm>> -> memref<8x8x128xf32, #tpu.memory_space<hbm>>
    %dma_start3A_189 = arith.constant 0 : i32
    %dma_start3A_190 = arith.constant 0 : i32
    %dma_start3A_191 = tpu.memref_slice %arg4[%add3A_80, %dma_start3A_184, %mul3A_183, %dma_start3A_189, %dma_start3A_190] : memref<26x4x128x8x128xf32, #tpu.memory_space<hbm>> -> memref<1x1x8x8x128xf32, #tpu.memory_space<hbm>>
    %dma_start3A_192 = tpu.memref_squeeze %dma_start3A_191 : memref<1x1x8x8x128xf32, #tpu.memory_space<hbm>> -> memref<8x8x128xf32, #tpu.memory_space<hbm>>
    tpu.enqueue_dma source(%arg10 : memref<8x8x128xf32, #tpu.memory_space<vmem>>) target(%dma_start3A_192 : memref<8x8x128xf32, #tpu.memory_space<hbm>>) target_semaphore(%arg14 : memref<!tpu.dma_semaphore, #tpu.memory_space<semaphore_mem>>)
    %mul3A_193 = arith.constant 13 : i32
    %mul3A_194 = arith.muli %select_n3A_9, %mul3A_193 : i32
    %add3A_195 = arith.constant 12 : i32
    %add3A_196 = arith.addi %mul3A_194, %add3A_195 : i32
    %mul3A_197 = arith.constant 8 : i32
    %mul3A_198 = arith.muli %select_n3A_30, %mul3A_197 : i32
    %dma_wait3A_199 = arith.constant 2 : i32
    %dma_wait3A_200 = arith.constant 0 : i32
    %dma_wait3A_201 = arith.constant 0 : i32
    %dma_wait3A_202 = tpu.memref_slice %arg4[%add3A_196, %dma_wait3A_199, %mul3A_198, %dma_wait3A_200, %dma_wait3A_201] : memref<26x4x128x8x128xf32, #tpu.memory_space<hbm>> -> memref<1x1x8x8x128xf32, #tpu.memory_space<hbm>>
    %dma_wait3A_203 = tpu.memref_squeeze %dma_wait3A_202 : memref<1x1x8x8x128xf32, #tpu.memory_space<hbm>> -> memref<8x8x128xf32, #tpu.memory_space<hbm>>
    %dma_wait3A_204 = arith.constant 0 : i32
    %dma_wait3A_205 = arith.constant 0 : i32
    %dma_wait3A_206 = tpu.memref_slice %arg4[%add3A_196, %dma_wait3A_199, %mul3A_198, %dma_wait3A_204, %dma_wait3A_205] : memref<26x4x128x8x128xf32, #tpu.memory_space<hbm>> -> memref<1x1x8x8x128xf32, #tpu.memory_space<hbm>>
    %dma_wait3A_207 = tpu.memref_squeeze %dma_wait3A_206 : memref<1x1x8x8x128xf32, #tpu.memory_space<hbm>> -> memref<8x8x128xf32, #tpu.memory_space<hbm>>
    tpu.wait_dma2 semaphore(%arg13 : memref<!tpu.dma_semaphore, #tpu.memory_space<semaphore_mem>>) src(%arg9 : memref<8x8x128xf32, #tpu.memory_space<vmem>>) dst(%dma_wait3A_207 : memref<8x8x128xf32, #tpu.memory_space<hbm>>)
    %mul3A_208 = arith.constant 8 : i32
    %mul3A_209 = arith.muli %select_n3A_30, %mul3A_208 : i32
    %dma_wait3A_210 = arith.constant 3 : i32
    %dma_wait3A_211 = arith.constant 0 : i32
    %dma_wait3A_212 = arith.constant 0 : i32
    %dma_wait3A_213 = tpu.memref_slice %arg4[%add3A_196, %dma_wait3A_210, %mul3A_209, %dma_wait3A_211, %dma_wait3A_212] : memref<26x4x128x8x128xf32, #tpu.memory_space<hbm>> -> memref<1x1x8x8x128xf32, #tpu.memory_space<hbm>>
    %dma_wait3A_214 = tpu.memref_squeeze %dma_wait3A_213 : memref<1x1x8x8x128xf32, #tpu.memory_space<hbm>> -> memref<8x8x128xf32, #tpu.memory_space<hbm>>
    %dma_wait3A_215 = arith.constant 0 : i32
    %dma_wait3A_216 = arith.constant 0 : i32
    %dma_wait3A_217 = tpu.memref_slice %arg4[%add3A_196, %dma_wait3A_210, %mul3A_209, %dma_wait3A_215, %dma_wait3A_216] : memref<26x4x128x8x128xf32, #tpu.memory_space<hbm>> -> memref<1x1x8x8x128xf32, #tpu.memory_space<hbm>>
    %dma_wait3A_218 = tpu.memref_squeeze %dma_wait3A_217 : memref<1x1x8x8x128xf32, #tpu.memory_space<hbm>> -> memref<8x8x128xf32, #tpu.memory_space<hbm>>
    tpu.wait_dma2 semaphore(%arg14 : memref<!tpu.dma_semaphore, #tpu.memory_space<semaphore_mem>>) src(%arg10 : memref<8x8x128xf32, #tpu.memory_space<vmem>>) dst(%dma_wait3A_218 : memref<8x8x128xf32, #tpu.memory_space<hbm>>)
    return
  }
}

</mosaic_0001>

<sc_bundles>
// kernel: kernel.3.cloned.1.call-start
scs
__scs_entry_jumppad:
0x0: {  	(pc) =	sbr.rel $0x88, $3  }
0x1: {  	(tag) =	ssettag $0x0;
	lr =	simm.s32 $0x1  }
0x2: {  	[smem:$0x3F9F] =	sst lr;
	_ =	strace $0xD0000000  }
0x3: {  	_ = 	snop  }
0x4: {  	_ = 	snop  }
0x5: {  	_ = 	snop  }
0x6: {  	_ = 	snop  }
0x7: {  	_ = 	snop  }
__scs_overlays_trampoline_lowered:
0x8: {  	[smem:$0x3FAE] =	sst s0  }
0x9: {  	[smem:$0x3FAF] =	sst s1  }
0xa: {  	[smem:$0x3FB0] =	sst s2  }
0xb: {  	[smem:$0x3FB1] =	sst s3  }
0xc: {  	[smem:$0x3FB2] =	sst s4  }
0xd: {  	[smem:$0x3FB3] =	sst s5  }
0xe: {  	[smem:$0x3FB4] =	sst s6  }
0xf: {  	[smem:$0x3FB5] =	sst s7  }
0x10: {  	[smem:$0x3FB6] =	sst s8  }
0x11: {  	[smem:$0x3FB7] =	sst s9;
	s0 =	simm.s32 @!p0 $0x0  }
0x12: {  	s1 =	sld [smem:$0x3F9D];
	s0 =	simm.s32 @p0 $0x1  }
0x13: {  	[smem:$0x3FB8] =	sst s0;
	s0 =	simm.s32 @!p1 $0x0  }
0x14: {  	s2 =	sld [smem:$0x3F9C];
	s0 =	simm.s32 @p1 $0x1  }
0x15: {  	[smem:$0x3FB9] =	sst s0;
	s0 =	simm.s32 @!p2 $0x0  }
0x16: {  	s3 =	sld [smem:$0x3FDB];
	s0 =	simm.s32 @p2 $0x1  }
0x17: {  	s4 =	simm.s32 $0x1BF5;
	[smem:$0x3FBB] =	sst s0  }
0x18: {  	s0 =	sld [smem:$0x3F9E];
	_ =	swait.ge [sflag:s4], $0x0  }
0x19: {  	s7 =	sld [smem:$0x3F9F]  }
0x1a: {  	s8 =	sadd.s32 $0xFFFFE003, lr  }
0x1b: {  	s9 =	sadd.s32 $0xFFFFFEF7, lr;
	s5 =	simm.s32 $0xFFFFFFFF;
	p2 =	slt.u32 s8, $0xFFFFF086  }
0x1c: {  	p1 =	slt.u32 s9, $0xF7A;
	s5 =	simm.s32 @!p2 $0x0  }
0x1d: {  	s5 =	simm.s32 @p1 $0x1;
	p0 =	seq.s32 s7, s2  }
0x1e: {  	s7 =	smul.u32 @!p0 $0xF7A, s2;
	p2 =	seq.s32 @!p0 s5, $0x0  }
0x1f: {  	s9 =	smul.u32 $0xF7A, s1;
	s8 =	simm.s32 @!p0 $0x1BF5;
	p2 =	por !p2, p0  }
0x20: {  	[sflag:s8] =	ssyncset.s32 @!p0 $0xFFFFF086;
	s6 =	sadd.s32 @!p0 s3, s7;
	s7 =	simm.s32 @!p0 $0x108  }
0x21: {  	s3 =	sadd.s32 s3, s9;
	s6 =	sadd.s32 @!p0 $0x88, s6;
	s7 =	simm.s32 @p2 $0x1082  }
0x22: {  	[simem:s7], [sflag:s8] =	dma.local @!p0 [hbm:s6], $0xF7A  }
0x23: {  	s9 =	sor.u32 $0xD0000000, s2;
	s6 =	simm.s32 $0x108;
	_ =	swait.ge @!p0 [sflag:s8], $0x0  }
0x24: {  	s3 =	sadd.s32 $0x88, s3;
	s6 =	simm.s32 @!p1 $0x1082;
	[sflag:s4] =	ssyncset.s32 $0xFFFFF086  }
0x25: {  	[simem:s6], [sflag:s4] =	dma.local [hbm:s3], $0xF7A  }
0x26: {  	[smem:$0x3F9F] =	sst s1;
	(tag) =	ssettag s2;
	_ =	strace s9  }
0x27: {  	s1 =	sld [smem:$0x3FAF]  }
0x28: {  	s2 =	sld [smem:$0x3FB0]  }
0x29: {  	s4 =	sld [smem:$0x3FB2]  }
0x2a: {  	p0 =	seq.s32 s5, $0x0;
	s5 =	sld [smem:$0x3FB3]  }
0x2b: {  	s6 =	sld [smem:$0x3FB4]  }
0x2c: {  	s7 =	sld [smem:$0x3FB5]  }
0x2d: {  	s3 =	simm.s32 $0x108;
	s8 =	sld [smem:$0x3FB6]  }
0x2e: {  	s3 =	simm.s32 @!p0 $0x1082;
	s9 =	sld [smem:$0x3FB7]  }
0x2f: {  	lr =	sadd.s32 s0, s3;
	s0 =	sld [smem:$0x3FAE]  }
0x30: {  	s3 =	sld [smem:$0x3FB1]  }
0x31: {  	[smem:$0x3FBA] =	sst s10  }
0x32: {  	s10 =	sld [smem:$0x3FB8];
	_ =	sdelay $0x3  }
0x33: {  	p0 =	seq.s32 s10, $0x1;
	s10 =	sld [smem:$0x3FBA];
	_ =	sdelay $0x3  }
0x34: {  	[smem:$0x3FBA] =	sst s10  }
0x35: {  	s10 =	sld [smem:$0x3FB9];
	_ =	sdelay $0x3  }
0x36: {  	p1 =	seq.s32 s10, $0x1;
	s10 =	sld [smem:$0x3FBA];
	_ =	sdelay $0x3  }
0x37: {  	[smem:$0x3FBA] =	sst s10  }
0x38: {  	s10 =	sld [smem:$0x3FBB]  }
0x39: {  	_ = 	snop;
	(pc) =	sbr.ind lr, $3  }
0x3a: {  	_ = 	snop  }
0x3b: {  	_ = 	snop  }
0x3c: {  	p2 =	seq.s32 s10, $0x1;
	s10 =	sld [smem:$0x3FBA]  }
0x3d: {  	_ =	shalt  }
0x3e: {  	_ =	shalt  }
0x3f: {  	_ =	shalt  }
0x40: {  	_ =	shalt  }
0x41: {  	_ =	shalt  }
0x42: {  	_ =	shalt  }
0x43: {  	_ =	shalt  }
0x44: {  	_ =	shalt  }
0x45: {  	_ =	shalt  }
0x46: {  	_ =	shalt  }
0x47: {  	_ =	shalt  }
0x48: {  	_ =	shalt  }
0x49: {  	_ =	shalt  }
0x4a: {  	_ =	shalt  }
0x4b: {  	_ =	shalt  }
0x4c: {  	_ =	shalt  }
0x4d: {  	_ =	shalt  }
0x4e: {  	_ =	shalt  }
0x4f: {  	_ =	shalt  }
0x50: {  	_ =	shalt  }
0x51: {  	_ =	shalt  }
0x52: {  	_ =	shalt  }
0x53: {  	_ =	shalt  }
0x54: {  	_ =	shalt  }
0x55: {  	_ =	shalt  }
0x56: {  	_ =	shalt  }
0x57: {  	_ =	shalt  }
0x58: {  	_ =	shalt  }
0x59: {  	_ =	shalt  }
0x5a: {  	_ =	shalt  }
0x5b: {  	_ =	shalt  }
0x5c: {  	_ =	shalt  }
0x5d: {  	_ =	shalt  }
0x5e: {  	_ =	shalt  }
0x5f: {  	_ =	shalt  }
0x60: {  	_ =	shalt  }
0x61: {  	_ =	shalt  }
0x62: {  	_ =	shalt  }
0x63: {  	_ =	shalt  }
0x64: {  	_ =	shalt  }
0x65: {  	_ =	shalt  }
0x66: {  	_ =	shalt  }
0x67: {  	_ =	shalt  }
0x68: {  	_ =	shalt  }
0x69: {  	_ =	shalt  }
0x6a: {  	_ =	shalt  }
0x6b: {  	_ =	shalt  }
0x6c: {  	_ =	shalt  }
0x6d: {  	_ =	shalt  }
0x6e: {  	_ =	shalt  }
0x6f: {  	_ =	shalt  }
0x70: {  	_ =	shalt  }
0x71: {  	_ =	shalt  }
0x72: {  	_ =	shalt  }
0x73: {  	_ =	shalt  }
0x74: {  	_ =	shalt  }
0x75: {  	_ =	shalt  }
0x76: {  	_ =	shalt  }
0x77: {  	_ =	shalt  }
0x78: {  	_ =	shalt  }
0x79: {  	_ =	shalt  }
0x7a: {  	_ =	shalt  }
0x7b: {  	_ =	shalt  }
0x7c: {  	_ =	shalt  }
0x7d: {  	_ =	shalt  }
0x7e: {  	_ =	shalt  }
0x7f: {  	_ =	shalt  }
0x80: {  	_ =	shalt  }
0x81: {  	_ =	shalt  }
0x82: {  	_ =	shalt  }
0x83: {  	_ =	shalt  }
0x84: {  	_ =	shalt  }
0x85: {  	_ =	shalt  }
0x86: {  	_ =	shalt  }
0x87: {  	_ =	shalt  }
.Lfunc_end0:
.L_simem_size_0:
called_computation.1_lowered:
.L_overlay_start_0:
0x88: {  	s2 =	sld [smem:$0x3FD9]  }
0x89: {  	s3 =	sld [smem:$0x3FFE];
	_ =	sdelay $0x1  }
0x8a: {  	s1 =	srdreg.scid  }
0x8b: {  	s0 =	sand.u32 $0x1, s1  }
0x8c: {  	s17 =	sshll.u32 s0, $0xA;
	s2 =	sadd.s32 s3, s2  }
0x8d: {  	s2 =	sadd.s32 s2, s17  }
0x8e: {  	[smem:$0x3FC6] =	sst s2  }
0x8f: {  	_ = 	snop  }
0x90: {  	s2 =	sld [smem:$0x3FD0];
	(tm) =	ssettm $0x1  }
0x91: {  	s18 =	sld [smem:$0x3FFB];
	_ =	sdelay $0x3  }
0x92: {  	_ =	strace s18  }
0x93: {  	s3 =	sld [smem:$0x3FFC];
	_ =	sdelay $0x3  }
0x94: {  	_ =	strace s3  }
0x95: {  	s3 =	sld [smem:$0x3FFD];
	_ =	sdelay $0x3  }
0x96: {  	_ =	strace s3  }
0x97: {  	_ =	strace $0x8FFFFFFF  }
0x98: {  	s19 =	sld [smem:$0x3FDB];
	_ =	sdelay $0x1  }
0x99: {  	s4 =	simm.s32 $_scs_section_size  }
0x9a: {  	s5 =	simm.s32 $_size__tile_overlayer_lowered;
	s6 =	simm.s32 $_tile_overlayer_lowered  }
0x9b: {  	s22 =	simm.s32 $0x1BFF;
	s21 =	sshll.u32 s6, $0x1;
	s3 =	sadd.s32 s4, s19  }
0x9c: {  	s7 =	simm.s32 $0x0;
	s20 =	sshll.u32 s5, $0x1;
	s5 =	sadd.s32 s21, s3  }
0x9d: {  	[timem:s7], [sflag:s22] =	dma.local [hbm:s5], s20  }
0x9e: {  	_ =	swait.ge [sflag:s22], s20  }
0x9f: {  	s4 =	ssub.s32 $0x0, s20;
	[sflag:s22] =	ssyncset.done $0x0  }
0xa0: {  	[sflag:s22] =	ssyncadd.s32 s4;
	_ =	sdelay $0x1  }
0xa1: {  	s23 =	simm.s32 $0x1B8B  }
0xa2: {  	_ =	swait.ge [sflag:s23], $0x1  }
0xa3: {  	[sflag:s23] =	ssyncset.done $0x0  }
0xa4: {  	s25 =	simm.s32 $0x1B8E;
	s24 =	sld [smem:$0x3FFE];
	[sflag:s23] =	ssyncadd.s32 $0xFFFFFFFF  }
0xa5: {  	s26 =	simm.s32 $execute0_lowered;
	[smem:$0x3FD2] =	sst s25  }
0xa6: {  	s5 =	sshll.u32 s26, $0x1;
	_ =	strace $0x80000049;
	[dreg:$0x1] =	wrdreg $0xFFFFFFFF  }
0xa7: {  	s28 =	simm.s32 $_size_execute0_lowered;
	s3 =	sadd.s32 s3, s5;
	[dreg:$0x0] =	wrdreg $0x0  }
0xa8: {  	s5 =	sshll.u32 s28, $0x1;
	[dreg:$0x2] =	wrdreg s3  }
0xa9: {  	[dreg:$0x3] =	wrdreg s5  }
0xaa: {  	[dreg:$0x4] =	wrdreg $0xC0  }
0xab: {  	_ =	task [dreg:s7], $0x5FFFF  }
0xac: {  	[dreg:$0x1] =	wrdreg $0xFFFFFFFF  }
0xad: {  	[dreg:$0x0] =	wrdreg $0x60  }
0xae: {  	[dreg:$0x2] =	wrdreg s24  }
0xaf: {  	[dreg:$0x3] =	wrdreg s2  }
0xb0: {  	[dreg:$0x4] =	wrdreg $0x9  }
0xb1: {  	_ =	task.clear_ibuf [dreg:s7], $0x5FFFF;
	_ =	strace $0x90000049  }
0xb2: {  	s29 =	simm.s32 $0x9;
	_ =	strace $0x8000004B  }
0xb3: {  	_ =	swait.ge [sflag:s29], $0x1  }
0xb4: {  	[sflag:s29] =	ssyncadd.s32 $0xFFFFFFFF  }
0xb5: {  	_ =	strace $0x9000004B  }
0xb6: {  	_ =	sfence  }
0xb7: {  	s30 =	sld [smem:$0x0];
	_ =	sdelay $0x2  }
0xb8: {  	s31 =	sshll.u32 s1, $0xD;
	s1 =	sshrl.u32 s1, $0x2  }
0xb9: {  	s3 =	sand.u32 $0x4000, s31;
	s1 =	sadd.s32 s1, s30  }
0xba: {  	s0 =	sor.u32 s3, s0;
	s1 =	sshll.u32 s1, $0x11  }
0xbb: {  	s0 =	sor.u32 s1, s0  }
0xbc: {  	s0 =	sadd.s32 $0x8F2B, s0  }
0xbd: {  	[sflag:s0] =	ssyncadd.remote.s32 $0x1  }
0xbe: {  	_ =	sfence.sel $0xFFFF  }
0xbf: {  	[dreg:$0x0] =	wrdreg $0xFFFFFFFF;
	(pc) =	sbr.abs _section_cstart, $3  }
0xc0: {  	[dreg:$0x1] =	wrdreg $0xFFFFFFFF  }
0xc1: {  	_ =	task.clear_ibuf [dreg:s7], $0x2FFFF;
	_ =	strace $0x9FFFFFFF  }
0xc2: {  	(tm) =	ssettm $0x7FFFFFFF  }
0xc3: {  	_ =	shalt  }
tec
execute0_lowered:
.L_overlay_start_1:
0x0: {  	(tag) =	ssettag $0x1  }
0x1: {  	s0 =	rddreg [dreg:$0x0];
	s1 =	srdreg.scid  }
0x2: {  	s2 =	rddreg [dreg:$0x1];
	s8 =	stileid.u32;
	s3 =	simm.s32 $0x0  }
0x3: {  	s6 =	simm.s32 $0xD;
	s9 =	simm.s32 $0x1;
	s20 =	simm.s32 $0x5  }
0x4: {  	s21 =	simm.s32 $0x400;
	s28 =	simm.s32 $0x4;
	s29 =	simm.s32 $0x2  }
0x5: {  	s30 =	simm.s32 $0x0;
	s1 =	sand.u32 $0x1, s1;
	[smem:$0x7FF] =	sst s3  }
0x6: {  	s5 =	sadd.s32 $0xF42E00, s0;
	s4 =	sor.u32 s1, s8;
	p0 =	seq.s32 s1, $0x1  }
0x7: {  	_ =	strace $0x8000004A;
	s1 =	ssub.s32 $0x2, s1;
	p1 =	seq.s32 s4, $0x0  }
0x8: {  	s4 =	sadd.s32 $0xF4FE00, s0;
	s0 =	simm.s32 $0x1;
	p1 =	por !p1, !p0  }
0x9: {  	s7 =	sshrl.u32 s1, $0x1;
	s6 =	simm.s32 @!p0 $0x0;
	p1 =	por !p1, !p1  }
0xa: {  	s1 =	ssub.s32 s1, s7;
	s22 =	sshll.u32 s6, $0xE;
	s0 =	simm.s32 @!p1 $0x0  }
0xb: {  	s23 =	sshll.u32 s6, $0x13;
	s12 =	sor.u32 $0x2, s6;
	s0 =	ssub.s32 s8, s0  }
0xc: {  	s13 =	sadd.s32 $0x1, s6;
	s31 =	smax.u32 s1, $0x1;
	s7 =	sshll.u32 s0, $0xA  }
0xd: {  	[dreg:$0x9] =	wrdreg s31;
	s8 =	sshll.u32 s0, $0xD;
	s10 =	sadd.s32 s22, s7  }
0xe: {  	s0 =	sadd.s32 s8, s23;
	s11 =	sadd.s32 $0x4000, s10;
	s10 =	sshrl.u32 s10, $0x3  }
0xf: {  	s0 =	sadd.s32 $0x600000, s0;
	s11 =	sshrl.u32 s11, $0x3;
	s10 =	sadd.s32 s5, s10  }
0x10: {  	v0 =	vlaneseq.u32;
	s0 =	sshrl.u32 s0, $0x3;
	[dreg:$0x3] =	wrdreg s10;
	s24 =	sadd.s32 s5, s11  }
0x11: {  	v0 =	vmul.u32 $0x20, v0;
	s15 =	sadd.s32 $0x3, s6;
	s0 =	sadd.s32 s2, s0;
	[dreg:$0x4] =	wrdreg s24  }
0x12: {  	s22 =	simm.s32 $0x800;
	s25 =	sadd.s32 $0x4000, s0;
	[dreg:$0x5] =	wrdreg s0  }
0x13: {  	v1 =	vor.u32 $0xE00, v0;
	s23 =	simm.s32 $0x8800;
	s26 =	sadd.s32 $0x8000, s0;
	[dreg:$0x6] =	wrdreg s25  }
0x14: {  	v2 =	vor.u32 $0xC00, v0;
	v3 =	vor.u32 $0xA00, v0;
	v4 =	vor.u32 $0x800, v0;
	s0 =	sadd.s32 $0xC000, s0;
	s24 =	simm.s32 $0x10800;
	[dreg:$0x7] =	wrdreg s26  }
0x15: {  	v5 =	vor.u32 $0x600, v0;
	v6 =	vor.u32 $0x400, v0;
	v7 =	vor.u32 $0x200, v0;
	[dreg:$0x8] =	wrdreg s0;
	s25 =	simm.s32 $0x12800;
	s26 =	simm.s32 $0x3  }
.LBB2_1:
0x16: {  	s0 =	rddreg [dreg:$0x3]  }
0x17: {  	[tilespmem:s3], [sflag:$0x5] =	stream.linear.gather [hbm4b:s0+s3], $0x400, $0x38;
	[tilespmem:$0x14800] =	vst v63  }
0x18: {  	_ =	swait.ge [sflag:s20], $0x400  }
0x19: {  	[sflag:s20] =	ssyncset.done $0x0  }
0x1a: {  	[sflag:s20] =	ssyncadd.s32 $0xFFFFFC00  }
0x1b: {  	[tilespmem:s22], [sflag:$0x1] =	stream.indirect.gather [hbm4b:s4+s21], $0x20, s3, s21, $0xb8;
	[tilespmem:$0x14800] =	vst v63  }
0x1c: {  	s19 =	rddreg [dreg:$0x4]  }
0x1d: {  	[tilespmem:s21], [sflag:$0x5] =	stream.linear.gather [hbm4b:s19+s3], $0x400, $0x38;
	[tilespmem:$0x14800] =	vst v63  }
0x1e: {  	_ =	swait.ge [sflag:s20], $0x400  }
0x1f: {  	[sflag:s20] =	ssyncset.done $0x0  }
0x20: {  	s31 =	simm.s32 $0x0;
	[sflag:s20] =	ssyncadd.s32 $0xFFFFFC00  }
0x21: {  	[tilespmem:s23], [sflag:$0x2] =	stream.indirect.gather [hbm4b:s4+s21], $0x20, s21, s21, $0xb8;
	[tilespmem:$0x14800] =	vst v63  }
.LBB2_2:
0x22: {  	s0 =	simm.s32 $0x0  }
0x23: {  	s0 =	sand.u32 $0xFFFFFF80, s0  }
0x24: {  	v8 =	vmov s0  }
0x25: {  	s19 =	simm.s32 $0x0;
	v9 =	vshll.u32 v8, $0x5  }
0x26: {  	_ =	swait.ge [sflag:s9], $0x8000;
	s11 =	sand.u32 $0x7, s19;
	v8 =	vor.u32 v3, v9  }
0x27: {  	p0 =	seq.s32 s31, $0x0;
	[sflag:s9] =	ssyncset.done $0x0;
	v10 =	vor.u32 v0, v9;
	v8 =	vor.u32 s11, v8  }
0x28: {  	[sflag:s9] =	ssyncadd.s32 $0xFFFF8000;
	s0 =	simm.s32 @!p0 $0x3;
	v11 =	vor.u32 v2, v9;
	v10 =	vor.u32 s11, v10  }
0x29: {  	_ =	swait.ge @!p0 [sflag:s0], $0x2000;
	v12 =	vor.u32 v7, v9;
	v11 =	vor.u32 s11, v11  }
0x2a: {  	[sflag:s0] =	ssyncset.done @!p0 $0x0;
	v13 =	vor.u32 v4, v9;
	v14 =	vor.u32 s11, v12  }
0x2b: {  	v15 =	vor.u32 v6, v9;
	[sflag:s0] =	ssyncadd.s32 @!p0 $0xFFFFE000;
	v16 =	vor.u32 s11, v13  }
0x2c: {  	v12 =	vor.u32 v1, v9;
	v18 =	vor.u32 s11, v15;
	v13 =	vld.idx.msk [tilespmem:v8+s22+$0x0], $0xffff  }
0x2d: {  	v17 =	vor.u32 s11, v12;
	v15 =	vld.idx.msk [tilespmem:v10+s22+$0x0], $0xffff  }
0x2e: {  	v9 =	vor.u32 v5, v9;
	v12 =	vld.idx.msk [tilespmem:v11+s22+$0x0], $0xffff  }
0x2f: {  	v10 =	vld.idx.msk [tilespmem:v14+s22+$0x0], $0xffff;
	v14 =	vor.u32 s11, v9  }
0x30: {  	s10 =	simm.s32 $0x1;
	s16 =	simm.s32 $0x2;
	v8 =	vld.idx.msk [tilespmem:v16+s22+$0x0], $0xffff  }
0x31: {  	s18 =	simm.s32 $0x0;
	s17 =	simm.s32 $0x10;
	s0 =	sshll.u32 s31, $0x1;
	v9 =	vld.idx.msk [tilespmem:v18+s22+$0x0], $0xffff  }
0x32: {  	s18 =	sand.u32 $0x3FFFFC00, s18;
	s1 =	sadd.s32 s6, s0;
	s11 =	sshll.u32 s11, $0x7;
	v11 =	vld.idx.msk [tilespmem:v17+s22+$0x0], $0xffff  }
.LBB2_3:
0x33: {  	s17 =	sand.u32 $0xFFFFFF80, s17  }
0x34: {  	v16 =	vld.idx.msk [tilespmem:v14+s22+$0x0], $0xffff;
	s11 =	sor.u32 s11, s18;
	s18 =	smov.u32 s16;
	s19 =	sadd.s32 $0x1, s16  }
0x35: {  	p1 =	sne.s32 s16, $0x3F;
	v14 =	vmov s17;
	s16 =	sadd.s32 $0x10800, s11;
	[tilespmem:s11+$0x10800] =	vst v15  }
0x36: {  	v15 =	vshll.u32 v14, $0x5;
	[tilespmem:s16+$0x50] =	vst v13  }
0x37: {  	s17 =	sand.u32 $0x7, s10;
	v13 =	vor.u32 v0, v15;
	v14 =	vor.u32 v5, v15;
	v17 =	vor.u32 v3, v15;
	[tilespmem:s16+$0x60] =	vst v12  }
0x38: {  	s11 =	sshll.u32 s17, $0x7;
	v12 =	vor.u32 s17, v13;
	v14 =	vor.u32 s17, v14;
	v13 =	vor.u32 s17, v17;
	[tilespmem:s16+$0x10] =	vst v10  }
0x39: {  	v18 =	vor.u32 v2, v15;
	v10 =	vor.u32 v7, v15;
	v17 =	vor.u32 v4, v15;
	[tilespmem:s16+$0x70] =	vst v11  }
0x3a: {  	v11 =	vor.u32 s17, v17;
	v17 =	vor.u32 s17, v18;
	v18 =	vor.u32 v1, v15;
	[tilespmem:s16+$0x30] =	vst v16  }
0x3b: {  	v10 =	vor.u32 s17, v10;
	v15 =	vor.u32 v6, v15;
	v16 =	vor.u32 s17, v18;
	[tilespmem:s16+$0x20] =	vst v9  }
0x3c: {  	v9 =	vor.u32 s17, v15;
	[tilespmem:s16+$0x40] =	vst v8  }
0x3d: {  	v13 =	vld.idx.msk [tilespmem:v13+s22+$0x0], $0xffff  }
0x3e: {  	v15 =	vld.idx.msk [tilespmem:v12+s22+$0x0], $0xffff  }
.Ltmp0:
0x3f: {  	v12 =	vld.idx.msk [tilespmem:v17+s22+$0x0], $0xffff;
	(pc) =	sbr.rel @p1 .LBB2_3-.Ltmp0, $4  }
0x40: {  	v10 =	vld.idx.msk [tilespmem:v10+s22+$0x0], $0xffff  }
0x41: {  	v8 =	vld.idx.msk [tilespmem:v11+s22+$0x0], $0xffff  }
0x42: {  	s16 =	sshll.u32 s10, $0x7;
	s10 =	smov.u32 s18;
	v11 =	vld.idx.msk [tilespmem:v16+s22+$0x0], $0xffff  }
0x43: {  	s17 =	sshll.u32 s10, $0x4;
	s18 =	sand.u32 $0x3FFFFC00, s16;
	s16 =	smov.u32 s19;
	v9 =	vld.idx.msk [tilespmem:v9+s22+$0x0], $0xffff  }
0x44: {  	_ =	sdelay $0x2  }
0x45: {  	s16 =	sand.u32 $0xFFFFFF80, s17;
	s11 =	sor.u32 s11, s18  }
0x46: {  	v14 =	vld.idx.msk [tilespmem:v14+s22+$0x0], $0xffff;
	v16 =	vmov s16;
	s18 =	sadd.s32 $0x10800, s11;
	[tilespmem:s11+$0x10800] =	vst v15  }
0x47: {  	v15 =	vshll.u32 v16, $0x5;
	[tilespmem:s18+$0x50] =	vst v13  }
0x48: {  	s19 =	sand.u32 $0x7, s10;
	[tilespmem:s18+$0x60] =	vst v12;
	v13 =	vor.u32 v3, v15  }
0x49: {  	[tilespmem:s18+$0x10] =	vst v10;
	v12 =	vor.u32 v0, v15;
	v13 =	vor.u32 s19, v13  }
0x4a: {  	[tilespmem:s18+$0x70] =	vst v11;
	v11 =	vor.u32 v7, v15;
	v10 =	vor.u32 s19, v12  }
0x4b: {  	[tilespmem:s18+$0x40] =	vst v8;
	v8 =	vor.u32 v6, v15;
	v11 =	vor.u32 s19, v11  }
0x4c: {  	v12 =	vor.u32 v2, v15;
	[tilespmem:s18+$0x20] =	vst v9;
	v8 =	vor.u32 s19, v8  }
0x4d: {  	v12 =	vor.u32 s19, v12;
	[tilespmem:s18+$0x30] =	vst v14;
	v14 =	vor.u32 v4, v15  }
0x4e: {  	v9 =	vor.u32 s19, v14;
	v14 =	vor.u32 v1, v15;
	v13 =	vld.idx.msk [tilespmem:v13+s22+$0x0], $0xffff  }
0x4f: {  	v15 =	vor.u32 v5, v15;
	v14 =	vor.u32 s19, v14;
	v10 =	vld.idx.msk [tilespmem:v10+s22+$0x0], $0xffff  }
0x50: {  	v15 =	vor.u32 s19, v15;
	v11 =	vld.idx.msk [tilespmem:v11+s22+$0x0], $0xffff  }
0x51: {  	v8 =	vld.idx.msk [tilespmem:v8+s22+$0x0], $0xffff  }
0x52: {  	s14 =	sshll.u32 s10, $0x7;
	v12 =	vld.idx.msk [tilespmem:v12+s22+$0x0], $0xffff  }
0x53: {  	s11 =	sshll.u32 s19, $0x7;
	s10 =	sand.u32 $0x3FFFFC00, s14;
	v9 =	vld.idx.msk [tilespmem:v9+s22+$0x0], $0xffff  }
0x54: {  	s10 =	sor.u32 s11, s10;
	v14 =	vld.idx.msk [tilespmem:v14+s22+$0x0], $0xffff  }
0x55: {  	s11 =	sadd.s32 $0x10800, s10;
	v15 =	vld.idx.msk [tilespmem:v15+s22+$0x0], $0xffff;
	[tilespmem:s10+$0x10800] =	vst v10  }
0x56: {  	s16 =	simm.s32 $0x0;
	[tilespmem:s11+$0x50] =	vst v13  }
0x57: {  	s10 =	sand.u32 $0xFFFFFF80, s16;
	[tilespmem:s11+$0x60] =	vst v12  }
0x58: {  	[tilespmem:s11+$0x10] =	vst v11;
	v10 =	vmov s10  }
0x59: {  	s1 =	sshll.u32 s1, $0x13;
	s17 =	simm.s32 $0x0;
	[tilespmem:s11+$0x20] =	vst v8;
	v12 =	vshll.u32 v10, $0x5  }
0x5a: {  	s1 =	sadd.s32 s8, s1;
	s19 =	sand.u32 $0x7, s17;
	[tilespmem:s11+$0x40] =	vst v9;
	v8 =	vor.u32 v5, v12  }
0x5b: {  	s18 =	sshrl.u32 s1, $0x3;
	[tilespmem:s11+$0x70] =	vst v14;
	v9 =	vor.u32 v1, v12;
	v8 =	vor.u32 s19, v8  }
0x5c: {  	s14 =	sadd.s32 s2, s18;
	s10 =	simm.s32 @!p0 $0x4;
	[tilespmem:s11+$0x30] =	vst v15;
	v10 =	vor.u32 v3, v12;
	v9 =	vor.u32 s19, v9;
	v8 =	vor.u32 $0x8, v8  }
0x5d: {  	v11 =	vor.u32 v0, v12;
	[hbm4b:s14+s3] =	stream.linear.scatter [tilespmem:s24], [sflag:$0x3], $0x2000, $0x38;
	v10 =	vor.u32 s19, v10;
	v9 =	vor.u32 $0x8, v9;
	[tilespmem:$0x14800] =	vst v63  }
0x5e: {  	v13 =	vor.u32 v4, v12;
	v11 =	vor.u32 s19, v11;
	_ =	swait.ge @!p0 [sflag:s10], $0x2000;
	v10 =	vor.u32 $0x8, v10  }
0x5f: {  	v15 =	vor.u32 $0x8, v11;
	v11 =	vor.u32 s19, v13;
	v13 =	vor.u32 v2, v12;
	[sflag:s10] =	ssyncset.done @!p0 $0x0  }
0x60: {  	v16 =	vor.u32 $0x8, v11;
	v11 =	vor.u32 s19, v13;
	v13 =	vor.u32 v6, v12;
	[sflag:s10] =	ssyncadd.s32 @!p0 $0xFFFFE000  }
0x61: {  	v17 =	vor.u32 $0x8, v11;
	v11 =	vor.u32 s19, v13;
	v8 =	vld.idx.msk [tilespmem:v8+s22+$0x0], $0xffff  }
0x62: {  	v18 =	vor.u32 $0x8, v11;
	v11 =	vld.idx.msk [tilespmem:v9+s22+$0x0], $0xffff;
	v9 =	vor.u32 v7, v12  }
0x63: {  	v14 =	vld.idx.msk [tilespmem:v10+s22+$0x0], $0xffff;
	v9 =	vor.u32 s19, v9  }
0x64: {  	v10 =	vld.idx.msk [tilespmem:v15+s22+$0x0], $0xffff;
	v15 =	vor.u32 $0x8, v9  }
0x65: {  	s18 =	simm.s32 $0x10;
	s16 =	simm.s32 $0x0;
	v12 =	vld.idx.msk [tilespmem:v16+s22+$0x0], $0xffff  }
0x66: {  	s17 =	sand.u32 $0xFFFFFF80, s18;
	s14 =	sand.u32 $0x3FFFFC00, s16;
	s19 =	sshll.u32 s19, $0x7;
	v13 =	vld.idx.msk [tilespmem:v17+s22+$0x0], $0xffff  }
0x67: {  	s11 =	simm.s32 $0x2;
	s10 =	simm.s32 $0x1;
	s16 =	sor.u32 s19, s14;
	v9 =	vld.idx.msk [tilespmem:v18+s22+$0x0], $0xffff  }
.LBB2_5:
0x68: {  	p0 =	sne.s32 s11, $0x3F  }
0x69: {  	v16 =	vmov s17;
	v15 =	vld.idx.msk [tilespmem:v15+s22+$0x0], $0xffff;
	s17 =	sadd.s32 $0x12800, s16;
	s18 =	smov.u32 s11;
	s11 =	sadd.s32 $0x1, s11  }
0x6a: {  	v16 =	vshll.u32 v16, $0x5;
	[tilespmem:s17+$0x50] =	vst v14  }
0x6b: {  	s19 =	sand.u32 $0x7, s10;
	v14 =	vor.u32 v0, v16;
	v17 =	vor.u32 v5, v16;
	v18 =	vor.u32 v3, v16;
	[tilespmem:s17+$0x70] =	vst v11  }
0x6c: {  	v11 =	vor.u32 s19, v14;
	v14 =	vor.u32 s19, v17;
	v17 =	vor.u32 v1, v16;
	[tilespmem:s17+$0x40] =	vst v12  }
0x6d: {  	v12 =	vor.u32 $0x8, v11;
	v11 =	vor.u32 $0x8, v14;
	v14 =	vor.u32 s19, v17;
	[tilespmem:s17+$0x60] =	vst v13  }
0x6e: {  	v13 =	vor.u32 v4, v16;
	v17 =	vor.u32 s19, v18;
	v14 =	vor.u32 $0x8, v14;
	[tilespmem:s16+$0x12800] =	vst v10  }
0x6f: {  	v10 =	vor.u32 s19, v13;
	v13 =	vor.u32 $0x8, v17;
	v17 =	vor.u32 v2, v16;
	[tilespmem:s17+$0x30] =	vst v8  }
0x70: {  	v8 =	vor.u32 v7, v16;
	v18 =	vor.u32 $0x8, v10;
	v10 =	vor.u32 s19, v17;
	[tilespmem:s17+$0x10] =	vst v15  }
0x71: {  	v16 =	vor.u32 v6, v16;
	v8 =	vor.u32 s19, v8;
	v17 =	vor.u32 $0x8, v10;
	[tilespmem:s17+$0x20] =	vst v9  }
0x72: {  	v15 =	vor.u32 $0x8, v8;
	v9 =	vor.u32 s19, v16;
	v8 =	vld.idx.msk [tilespmem:v11+s22+$0x0], $0xffff  }
0x73: {  	v9 =	vor.u32 $0x8, v9;
	v11 =	vld.idx.msk [tilespmem:v14+s22+$0x0], $0xffff  }
.Ltmp1:
0x74: {  	v14 =	vld.idx.msk [tilespmem:v13+s22+$0x0], $0xffff;
	(pc) =	sbr.rel @p0 .LBB2_5-.Ltmp1, $4  }
0x75: {  	v10 =	vld.idx.msk [tilespmem:v12+s22+$0x0], $0xffff  }
0x76: {  	s16 =	sshll.u32 s10, $0x7;
	s10 =	smov.u32 s18;
	v12 =	vld.idx.msk [tilespmem:v18+s22+$0x0], $0xffff  }
0x77: {  	s18 =	sshll.u32 s19, $0x7;
	s16 =	sand.u32 $0x3FFFFC00, s16;
	s17 =	sshll.u32 s10, $0x4;
	v13 =	vld.idx.msk [tilespmem:v17+s22+$0x0], $0xffff  }
0x78: {  	s16 =	sor.u32 s18, s16;
	s17 =	sand.u32 $0xFFFFFF80, s17;
	v9 =	vld.idx.msk [tilespmem:v9+s22+$0x0], $0xffff  }
0x79: {  	_ =	sdelay $0x2  }
0x7a: {  	v16 =	vmov s17;
	s11 =	sadd.s32 $0x12800, s16  }
0x7b: {  	v15 =	vld.idx.msk [tilespmem:v15+s22+$0x0], $0xffff;
	v16 =	vshll.u32 v16, $0x5;
	[tilespmem:s11+$0x50] =	vst v14  }
0x7c: {  	s19 =	sand.u32 $0x7, s10;
	[tilespmem:s11+$0x70] =	vst v11;
	v14 =	vor.u32 v5, v16  }
0x7d: {  	[tilespmem:s11+$0x40] =	vst v12;
	v12 =	vor.u32 v3, v16;
	v11 =	vor.u32 s19, v14  }
0x7e: {  	[tilespmem:s16+$0x12800] =	vst v10;
	v14 =	vor.u32 v1, v16;
	v12 =	vor.u32 s19, v12;
	v11 =	vor.u32 $0x8, v11  }
0x7f: {  	[tilespmem:s11+$0x60] =	vst v13;
	v13 =	vor.u32 v0, v16;
	v14 =	vor.u32 s19, v14;
	v12 =	vor.u32 $0x8, v12  }
0x80: {  	[tilespmem:s11+$0x30] =	vst v8;
	v10 =	vor.u32 s19, v13;
	v13 =	vor.u32 v4, v16;
	v14 =	vor.u32 $0x8, v14  }
0x81: {  	[tilespmem:s11+$0x20] =	vst v9;
	v9 =	vor.u32 v7, v16;
	v8 =	vor.u32 $0x8, v10;
	v10 =	vor.u32 s19, v13  }
0x82: {  	v13 =	vor.u32 v2, v16;
	[tilespmem:s11+$0x10] =	vst v15;
	v9 =	vor.u32 s19, v9;
	v10 =	vor.u32 $0x8, v10  }
0x83: {  	v15 =	vor.u32 v6, v16;
	v13 =	vor.u32 s19, v13;
	v9 =	vor.u32 $0x8, v9;
	v11 =	vld.idx.msk [tilespmem:v11+s22+$0x0], $0xffff  }
0x84: {  	v15 =	vor.u32 s19, v15;
	v13 =	vor.u32 $0x8, v13;
	v12 =	vld.idx.msk [tilespmem:v12+s22+$0x0], $0xffff  }
0x85: {  	v15 =	vor.u32 $0x8, v15;
	v14 =	vld.idx.msk [tilespmem:v14+s22+$0x0], $0xffff  }
0x86: {  	s14 =	sshll.u32 s10, $0x7;
	v8 =	vld.idx.msk [tilespmem:v8+s22+$0x0], $0xffff  }
0x87: {  	s10 =	sand.u32 $0x3FFFFC00, s14;
	s16 =	sshll.u32 s19, $0x7;
	v10 =	vld.idx.msk [tilespmem:v10+s22+$0x0], $0xffff  }
0x88: {  	s10 =	sor.u32 s16, s10;
	v9 =	vld.idx.msk [tilespmem:v9+s22+$0x0], $0xffff  }
0x89: {  	s11 =	sadd.s32 $0x12800, s10;
	v13 =	vld.idx.msk [tilespmem:v13+s22+$0x0], $0xffff  }
0x8a: {  	v15 =	vld.idx.msk [tilespmem:v15+s22+$0x0], $0xffff;
	[tilespmem:s11+$0x50] =	vst v12  }
0x8b: {  	s17 =	simm.s32 $0x0;
	[tilespmem:s11+$0x70] =	vst v14  }
0x8c: {  	s16 =	sand.u32 $0xFFFFFF80, s17;
	[tilespmem:s10+$0x12800] =	vst v8  }
0x8d: {  	[tilespmem:s11+$0x40] =	vst v10;
	v10 =	vmov s16  }
0x8e: {  	s18 =	simm.s32 $0x0;
	[tilespmem:s11+$0x30] =	vst v11;
	v12 =	vshll.u32 v10, $0x5  }
0x8f: {  	s14 =	sand.u32 $0x7, s18;
	s19 =	sadd.s32 $0x20000, s1;
	[tilespmem:s11+$0x10] =	vst v9;
	v8 =	vor.u32 v5, v12  }
0x90: {  	s16 =	sshrl.u32 s19, $0x3;
	[tilespmem:s11+$0x60] =	vst v13;
	v9 =	vor.u32 v1, v12;
	v8 =	vor.u32 s14, v8  }
0x91: {  	[tilespmem:s11+$0x20] =	vst v15;
	s16 =	sadd.s32 s2, s16;
	v10 =	vor.u32 v3, v12;
	v9 =	vor.u32 s14, v9;
	v8 =	vor.u32 $0x10, v8  }
0x92: {  	[hbm4b:s16+s18] =	stream.linear.scatter [tilespmem:s25], [sflag:$0x4], $0x2000, $0x38;
	v11 =	vor.u32 v0, v12;
	v10 =	vor.u32 s14, v10;
	v9 =	vor.u32 $0x10, v9;
	[tilespmem:$0x14800] =	vst v63  }
0x93: {  	v13 =	vor.u32 v4, v12;
	_ =	swait.ge [sflag:s26], $0x2000;
	v11 =	vor.u32 s14, v11;
	v10 =	vor.u32 $0x10, v10  }
0x94: {  	[sflag:s26] =	ssyncset.done $0x0;
	v15 =	vor.u32 $0x10, v11;
	v11 =	vor.u32 s14, v13;
	v13 =	vor.u32 v2, v12  }
0x95: {  	[sflag:s26] =	ssyncadd.s32 $0xFFFFE000;
	v16 =	vor.u32 $0x10, v11;
	v11 =	vor.u32 s14, v13;
	v13 =	vor.u32 v6, v12  }
0x96: {  	v17 =	vor.u32 $0x10, v11;
	v11 =	vor.u32 s14, v13;
	v8 =	vld.idx.msk [tilespmem:v8+s22+$0x0], $0xffff  }
0x97: {  	v18 =	vor.u32 $0x10, v11;
	v11 =	vld.idx.msk [tilespmem:v9+s22+$0x0], $0xffff;
	v9 =	vor.u32 v7, v12  }
0x98: {  	v14 =	vld.idx.msk [tilespmem:v10+s22+$0x0], $0xffff;
	v9 =	vor.u32 s14, v9  }
0x99: {  	s17 =	sshll.u32 s14, $0x7;
	s19 =	simm.s32 $0x0;
	v10 =	vld.idx.msk [tilespmem:v15+s22+$0x0], $0xffff;
	v15 =	vor.u32 $0x10, v9  }
0x9a: {  	s11 =	simm.s32 $0x1;
	s19 =	sand.u32 $0x3FFFFC00, s19;
	s18 =	sadd.s32 $0x40000, s1;
	v12 =	vld.idx.msk [tilespmem:v16+s22+$0x0], $0xffff  }
0x9b: {  	s16 =	simm.s32 $0x2;
	s10 =	sshrl.u32 s18, $0x3;
	s18 =	simm.s32 $0x10;
	v13 =	vld.idx.msk [tilespmem:v17+s22+$0x0], $0xffff  }
0x9c: {  	s17 =	sor.u32 s17, s19;
	s10 =	sadd.s32 s2, s10;
	s18 =	sand.u32 $0xFFFFFF80, s18;
	v9 =	vld.idx.msk [tilespmem:v18+s22+$0x0], $0xffff  }
.LBB2_7:
0x9d: {  	p0 =	sne.s32 s16, $0x3F  }
0x9e: {  	v16 =	vmov s18;
	v15 =	vld.idx.msk [tilespmem:v15+s22+$0x0], $0xffff;
	s18 =	sadd.s32 $0x10800, s17;
	s19 =	smov.u32 s16;
	s16 =	sadd.s32 $0x1, s16  }
0x9f: {  	v16 =	vshll.u32 v16, $0x5;
	[tilespmem:s18+$0x50] =	vst v14  }
0xa0: {  	s14 =	sand.u32 $0x7, s11;
	v14 =	vor.u32 v0, v16;
	v17 =	vor.u32 v5, v16;
	v18 =	vor.u32 v3, v16;
	[tilespmem:s18+$0x70] =	vst v11  }
0xa1: {  	v11 =	vor.u32 s14, v14;
	v14 =	vor.u32 s14, v17;
	v17 =	vor.u32 v1, v16;
	[tilespmem:s18+$0x40] =	vst v12  }
0xa2: {  	v12 =	vor.u32 $0x10, v11;
	v11 =	vor.u32 $0x10, v14;
	v14 =	vor.u32 s14, v17;
	[tilespmem:s18+$0x60] =	vst v13  }
0xa3: {  	v13 =	vor.u32 v4, v16;
	v17 =	vor.u32 s14, v18;
	v14 =	vor.u32 $0x10, v14;
	[tilespmem:s17+$0x10800] =	vst v10  }
0xa4: {  	v10 =	vor.u32 s14, v13;
	v13 =	vor.u32 $0x10, v17;
	v17 =	vor.u32 v2, v16;
	[tilespmem:s18+$0x30] =	vst v8  }
0xa5: {  	v8 =	vor.u32 v7, v16;
	v18 =	vor.u32 $0x10, v10;
	v10 =	vor.u32 s14, v17;
	[tilespmem:s18+$0x10] =	vst v15  }
0xa6: {  	v16 =	vor.u32 v6, v16;
	v8 =	vor.u32 s14, v8;
	v17 =	vor.u32 $0x10, v10;
	[tilespmem:s18+$0x20] =	vst v9  }
0xa7: {  	v15 =	vor.u32 $0x10, v8;
	v9 =	vor.u32 s14, v16;
	v8 =	vld.idx.msk [tilespmem:v11+s22+$0x0], $0xffff  }
0xa8: {  	v9 =	vor.u32 $0x10, v9;
	v11 =	vld.idx.msk [tilespmem:v14+s22+$0x0], $0xffff  }
.Ltmp2:
0xa9: {  	v14 =	vld.idx.msk [tilespmem:v13+s22+$0x0], $0xffff;
	(pc) =	sbr.rel @p0 .LBB2_7-.Ltmp2, $4  }
0xaa: {  	v10 =	vld.idx.msk [tilespmem:v12+s22+$0x0], $0xffff  }
0xab: {  	s17 =	sshll.u32 s11, $0x7;
	s11 =	smov.u32 s19;
	v12 =	vld.idx.msk [tilespmem:v18+s22+$0x0], $0xffff  }
0xac: {  	s17 =	sand.u32 $0x3FFFFC00, s17;
	s18 =	sshll.u32 s11, $0x4;
	s14 =	sshll.u32 s14, $0x7;
	v13 =	vld.idx.msk [tilespmem:v17+s22+$0x0], $0xffff  }
0xad: {  	s18 =	sand.u32 $0xFFFFFF80, s18;
	s17 =	sor.u32 s14, s17;
	v9 =	vld.idx.msk [tilespmem:v9+s22+$0x0], $0xffff  }
0xae: {  	_ =	sdelay $0x2  }
0xaf: {  	v16 =	vmov s18;
	s14 =	sadd.s32 $0x10800, s17  }
0xb0: {  	v15 =	vld.idx.msk [tilespmem:v15+s22+$0x0], $0xffff;
	v16 =	vshll.u32 v16, $0x5;
	[tilespmem:s14+$0x50] =	vst v14  }
0xb1: {  	s16 =	sand.u32 $0x7, s11;
	[tilespmem:s14+$0x70] =	vst v11;
	v14 =	vor.u32 v5, v16  }
0xb2: {  	[tilespmem:s14+$0x40] =	vst v12;
	v12 =	vor.u32 v3, v16;
	v11 =	vor.u32 s16, v14  }
0xb3: {  	[tilespmem:s17+$0x10800] =	vst v10;
	v14 =	vor.u32 v1, v16;
	v12 =	vor.u32 s16, v12;
	v11 =	vor.u32 $0x10, v11  }
0xb4: {  	[tilespmem:s14+$0x60] =	vst v13;
	v13 =	vor.u32 v0, v16;
	v14 =	vor.u32 s16, v14;
	v12 =	vor.u32 $0x10, v12  }
0xb5: {  	[tilespmem:s14+$0x30] =	vst v8;
	v10 =	vor.u32 s16, v13;
	v13 =	vor.u32 v4, v16;
	v14 =	vor.u32 $0x10, v14  }
0xb6: {  	[tilespmem:s14+$0x20] =	vst v9;
	v9 =	vor.u32 v7, v16;
	v8 =	vor.u32 $0x10, v10;
	v10 =	vor.u32 s16, v13  }
0xb7: {  	v13 =	vor.u32 v2, v16;
	[tilespmem:s14+$0x10] =	vst v15;
	v9 =	vor.u32 s16, v9;
	v10 =	vor.u32 $0x10, v10  }
0xb8: {  	v15 =	vor.u32 v6, v16;
	v13 =	vor.u32 s16, v13;
	v9 =	vor.u32 $0x10, v9;
	v11 =	vld.idx.msk [tilespmem:v11+s22+$0x0], $0xffff  }
0xb9: {  	v15 =	vor.u32 s16, v15;
	v13 =	vor.u32 $0x10, v13;
	v12 =	vld.idx.msk [tilespmem:v12+s22+$0x0], $0xffff  }
0xba: {  	v15 =	vor.u32 $0x10, v15;
	v14 =	vld.idx.msk [tilespmem:v14+s22+$0x0], $0xffff  }
0xbb: {  	s14 =	sshll.u32 s11, $0x7;
	v8 =	vld.idx.msk [tilespmem:v8+s22+$0x0], $0xffff  }
0xbc: {  	s17 =	sshll.u32 s16, $0x7;
	s11 =	sand.u32 $0x3FFFFC00, s14;
	v10 =	vld.idx.msk [tilespmem:v10+s22+$0x0], $0xffff  }
0xbd: {  	s11 =	sor.u32 s17, s11;
	v9 =	vld.idx.msk [tilespmem:v9+s22+$0x0], $0xffff  }
0xbe: {  	s14 =	sadd.s32 $0x10800, s11;
	v13 =	vld.idx.msk [tilespmem:v13+s22+$0x0], $0xffff  }
0xbf: {  	v15 =	vld.idx.msk [tilespmem:v15+s22+$0x0], $0xffff;
	[tilespmem:s14+$0x50] =	vst v12  }
0xc0: {  	s18 =	simm.s32 $0x0;
	[tilespmem:s14+$0x70] =	vst v14  }
0xc1: {  	s16 =	sand.u32 $0xFFFFFF80, s18;
	[tilespmem:s11+$0x10800] =	vst v8  }
0xc2: {  	[tilespmem:s14+$0x40] =	vst v10;
	v10 =	vmov s16  }
0xc3: {  	s19 =	simm.s32 $0x0;
	[tilespmem:s14+$0x30] =	vst v11;
	v12 =	vshll.u32 v10, $0x5  }
0xc4: {  	s16 =	sand.u32 $0x7, s19;
	[tilespmem:s14+$0x10] =	vst v9;
	v8 =	vor.u32 v5, v12  }
0xc5: {  	[tilespmem:s14+$0x60] =	vst v13;
	v9 =	vor.u32 v1, v12;
	v8 =	vor.u32 s16, v8  }
0xc6: {  	[tilespmem:s14+$0x20] =	vst v15;
	v10 =	vor.u32 v3, v12;
	v9 =	vor.u32 s16, v9;
	v8 =	vor.u32 $0x18, v8  }
0xc7: {  	[hbm4b:s10+s19] =	stream.linear.scatter [tilespmem:s24], [sflag:$0x3], $0x2000, $0x38;
	v11 =	vor.u32 v0, v12;
	v10 =	vor.u32 s16, v10;
	v9 =	vor.u32 $0x18, v9;
	[tilespmem:$0x14800] =	vst v63  }
0xc8: {  	v13 =	vor.u32 v4, v12;
	_ =	swait.ge [sflag:s28], $0x2000;
	v11 =	vor.u32 s16, v11;
	v10 =	vor.u32 $0x18, v10  }
0xc9: {  	[sflag:s28] =	ssyncset.done $0x0;
	v15 =	vor.u32 $0x18, v11;
	v11 =	vor.u32 s16, v13;
	v13 =	vor.u32 v2, v12  }
0xca: {  	[sflag:s28] =	ssyncadd.s32 $0xFFFFE000;
	v16 =	vor.u32 $0x18, v11;
	v11 =	vor.u32 s16, v13;
	v13 =	vor.u32 v6, v12  }
0xcb: {  	v17 =	vor.u32 $0x18, v11;
	v11 =	vor.u32 s16, v13;
	v8 =	vld.idx.msk [tilespmem:v8+s22+$0x0], $0xffff  }
0xcc: {  	v18 =	vor.u32 $0x18, v11;
	v11 =	vld.idx.msk [tilespmem:v9+s22+$0x0], $0xffff;
	v9 =	vor.u32 v7, v12  }
0xcd: {  	s1 =	sadd.s32 $0x60000, s1;
	v14 =	vld.idx.msk [tilespmem:v10+s22+$0x0], $0xffff;
	v9 =	vor.u32 s16, v9  }
0xce: {  	s1 =	sshrl.u32 s1, $0x3;
	v10 =	vld.idx.msk [tilespmem:v15+s22+$0x0], $0xffff;
	v15 =	vor.u32 $0x18, v9  }
0xcf: {  	s1 =	sadd.s32 s2, s1;
	s18 =	simm.s32 $0x10;
	s17 =	simm.s32 $0x0;
	v12 =	vld.idx.msk [tilespmem:v16+s22+$0x0], $0xffff  }
0xd0: {  	s11 =	simm.s32 $0x2;
	s19 =	sand.u32 $0x3FFFFC00, s17;
	s16 =	sshll.u32 s16, $0x7;
	v13 =	vld.idx.msk [tilespmem:v17+s22+$0x0], $0xffff  }
0xd1: {  	s10 =	simm.s32 $0x1;
	s17 =	sand.u32 $0xFFFFFF80, s18;
	s16 =	sor.u32 s16, s19;
	v9 =	vld.idx.msk [tilespmem:v18+s22+$0x0], $0xffff  }
.LBB2_9:
0xd2: {  	p0 =	sne.s32 s11, $0x3F  }
0xd3: {  	v16 =	vmov s17;
	v15 =	vld.idx.msk [tilespmem:v15+s22+$0x0], $0xffff;
	s14 =	sadd.s32 $0x12800, s16;
	s17 =	smov.u32 s11;
	s11 =	sadd.s32 $0x1, s11  }
0xd4: {  	v16 =	vshll.u32 v16, $0x5;
	[tilespmem:s14+$0x50] =	vst v14  }
0xd5: {  	s18 =	sand.u32 $0x7, s10;
	v14 =	vor.u32 v0, v16;
	v17 =	vor.u32 v5, v16;
	v18 =	vor.u32 v3, v16;
	[tilespmem:s14+$0x70] =	vst v11  }
0xd6: {  	v11 =	vor.u32 s18, v14;
	v14 =	vor.u32 s18, v17;
	v17 =	vor.u32 v1, v16;
	[tilespmem:s14+$0x40] =	vst v12  }
0xd7: {  	v12 =	vor.u32 $0x18, v11;
	v11 =	vor.u32 $0x18, v14;
	v14 =	vor.u32 s18, v17;
	[tilespmem:s14+$0x60] =	vst v13  }
0xd8: {  	v13 =	vor.u32 v4, v16;
	v17 =	vor.u32 s18, v18;
	v14 =	vor.u32 $0x18, v14;
	[tilespmem:s16+$0x12800] =	vst v10  }
0xd9: {  	v10 =	vor.u32 s18, v13;
	v13 =	vor.u32 $0x18, v17;
	v17 =	vor.u32 v2, v16;
	[tilespmem:s14+$0x30] =	vst v8  }
0xda: {  	v8 =	vor.u32 v7, v16;
	v18 =	vor.u32 $0x18, v10;
	v10 =	vor.u32 s18, v17;
	[tilespmem:s14+$0x10] =	vst v15  }
0xdb: {  	v16 =	vor.u32 v6, v16;
	v8 =	vor.u32 s18, v8;
	v17 =	vor.u32 $0x18, v10;
	[tilespmem:s14+$0x20] =	vst v9  }
0xdc: {  	v15 =	vor.u32 $0x18, v8;
	v9 =	vor.u32 s18, v16;
	v8 =	vld.idx.msk [tilespmem:v11+s22+$0x0], $0xffff  }
0xdd: {  	v9 =	vor.u32 $0x18, v9;
	v11 =	vld.idx.msk [tilespmem:v14+s22+$0x0], $0xffff  }
.Ltmp3:
0xde: {  	v14 =	vld.idx.msk [tilespmem:v13+s22+$0x0], $0xffff;
	(pc) =	sbr.rel @p0 .LBB2_9-.Ltmp3, $4  }
0xdf: {  	v10 =	vld.idx.msk [tilespmem:v12+s22+$0x0], $0xffff  }
0xe0: {  	s14 =	sshll.u32 s10, $0x7;
	s10 =	smov.u32 s17;
	v12 =	vld.idx.msk [tilespmem:v18+s22+$0x0], $0xffff  }
0xe1: {  	s18 =	sshll.u32 s18, $0x7;
	s16 =	sshll.u32 s10, $0x4;
	s14 =	sand.u32 $0x3FFFFC00, s14;
	v13 =	vld.idx.msk [tilespmem:v17+s22+$0x0], $0xffff  }
0xe2: {  	s17 =	sand.u32 $0xFFFFFF80, s16;
	s16 =	sor.u32 s18, s14;
	v9 =	vld.idx.msk [tilespmem:v9+s22+$0x0], $0xffff  }
0xe3: {  	_ =	sdelay $0x2  }
0xe4: {  	v16 =	vmov s17;
	s11 =	sadd.s32 $0x12800, s16  }
0xe5: {  	v15 =	vld.idx.msk [tilespmem:v15+s22+$0x0], $0xffff;
	v16 =	vshll.u32 v16, $0x5;
	[tilespmem:s11+$0x50] =	vst v14  }
0xe6: {  	s14 =	sand.u32 $0x7, s10;
	[tilespmem:s11+$0x70] =	vst v11;
	v14 =	vor.u32 v5, v16  }
0xe7: {  	[tilespmem:s11+$0x40] =	vst v12;
	v12 =	vor.u32 v3, v16;
	v11 =	vor.u32 s14, v14  }
0xe8: {  	[tilespmem:s16+$0x12800] =	vst v10;
	v14 =	vor.u32 v1, v16;
	v12 =	vor.u32 s14, v12;
	v11 =	vor.u32 $0x18, v11  }
0xe9: {  	[tilespmem:s11+$0x60] =	vst v13;
	v13 =	vor.u32 v0, v16;
	v14 =	vor.u32 s14, v14;
	v12 =	vor.u32 $0x18, v12  }
0xea: {  	[tilespmem:s11+$0x30] =	vst v8;
	v10 =	vor.u32 s14, v13;
	v13 =	vor.u32 v4, v16;
	v14 =	vor.u32 $0x18, v14  }
0xeb: {  	[tilespmem:s11+$0x20] =	vst v9;
	v9 =	vor.u32 v7, v16;
	v8 =	vor.u32 $0x18, v10;
	v10 =	vor.u32 s14, v13  }
0xec: {  	v13 =	vor.u32 v2, v16;
	[tilespmem:s11+$0x10] =	vst v15;
	v9 =	vor.u32 s14, v9;
	v10 =	vor.u32 $0x18, v10  }
0xed: {  	v15 =	vor.u32 v6, v16;
	v13 =	vor.u32 s14, v13;
	v9 =	vor.u32 $0x18, v9;
	v11 =	vld.idx.msk [tilespmem:v11+s22+$0x0], $0xffff  }
0xee: {  	v15 =	vor.u32 s14, v15;
	v13 =	vor.u32 $0x18, v13;
	v12 =	vld.idx.msk [tilespmem:v12+s22+$0x0], $0xffff  }
0xef: {  	v15 =	vor.u32 $0x18, v15;
	v14 =	vld.idx.msk [tilespmem:v14+s22+$0x0], $0xffff  }
0xf0: {  	s11 =	sshll.u32 s10, $0x7;
	v8 =	vld.idx.msk [tilespmem:v8+s22+$0x0], $0xffff  }
0xf1: {  	s10 =	sand.u32 $0x3FFFFC00, s11;
	s14 =	sshll.u32 s14, $0x7;
	v10 =	vld.idx.msk [tilespmem:v10+s22+$0x0], $0xffff  }
0xf2: {  	s10 =	sor.u32 s14, s10;
	v9 =	vld.idx.msk [tilespmem:v9+s22+$0x0], $0xffff  }
0xf3: {  	s11 =	sadd.s32 $0x12800, s10;
	v13 =	vld.idx.msk [tilespmem:v13+s22+$0x0], $0xffff  }
0xf4: {  	v15 =	vld.idx.msk [tilespmem:v15+s22+$0x0], $0xffff;
	[tilespmem:s11+$0x50] =	vst v12  }
0xf5: {  	[tilespmem:s11+$0x70] =	vst v14  }
0xf6: {  	[tilespmem:s10+$0x12800] =	vst v8  }
0xf7: {  	[tilespmem:s11+$0x40] =	vst v10  }
0xf8: {  	[tilespmem:s11+$0x30] =	vst v11  }
0xf9: {  	[tilespmem:s11+$0x10] =	vst v9  }
0xfa: {  	[tilespmem:s11+$0x60] =	vst v13  }
0xfb: {  	s17 =	sadd.s32 s0, s12;
	s16 =	simm.s32 $0x0;
	[tilespmem:s11+$0x20] =	vst v15  }
0xfc: {  	[hbm4b:s1+s16] =	stream.linear.scatter [tilespmem:s25], [sflag:$0x4], $0x2000, $0x38;
	[tilespmem:$0x14800] =	vst v63  }
0xfd: {  	s1 =	sshll.u32 s17, $0xE  }
0xfe: {  	s1 =	sadd.s32 s7, s1  }
0xff: {  	s1 =	sshrl.u32 s1, $0x3  }
0x100: {  	s1 =	sadd.s32 s5, s1  }
0x101: {  	[tilespmem:s16], [sflag:$0x5] =	stream.linear.gather [hbm4b:s1+s16], $0x400, $0x38;
	[tilespmem:$0x14800] =	vst v63  }
0x102: {  	s18 =	simm.s32 $0x0;
	_ =	swait.ge [sflag:s20], $0x400  }
0x103: {  	s1 =	sand.u32 $0xFFFFFF80, s18;
	[sflag:s20] =	ssyncset.done $0x0  }
0x104: {  	v8 =	vmov s1;
	[sflag:s20] =	ssyncadd.s32 $0xFFFFFC00  }
0x105: {  	v9 =	vshll.u32 v8, $0x5;
	[tilespmem:s22], [sflag:$0x1] =	stream.indirect.gather [hbm4b:s4+s21], $0x20, s16, s21, $0xb8;
	[tilespmem:$0x14800] =	vst v63  }
0x106: {  	s10 =	sand.u32 $0x7, s16;
	v8 =	vor.u32 v3, v9;
	_ =	swait.ge [sflag:s29], $0x8000  }
0x107: {  	v10 =	vor.u32 v0, v9;
	v8 =	vor.u32 s10, v8;
	[sflag:s29] =	ssyncset.done $0x0  }
0x108: {  	v11 =	vor.u32 v2, v9;
	v10 =	vor.u32 s10, v10;
	[sflag:s29] =	ssyncadd.s32 $0xFFFF8000  }
0x109: {  	v12 =	vor.u32 v7, v9;
	v11 =	vor.u32 s10, v11;
	_ =	swait.ge [sflag:s26], $0x2000  }
0x10a: {  	v13 =	vor.u32 v4, v9;
	v14 =	vor.u32 s10, v12;
	[sflag:s26] =	ssyncset.done $0x0  }
0x10b: {  	v16 =	vor.u32 s10, v13;
	v12 =	vor.u32 v1, v9;
	[sflag:s26] =	ssyncadd.s32 $0xFFFFE000  }
0x10c: {  	v15 =	vor.u32 v6, v9;
	v17 =	vor.u32 s10, v12;
	v13 =	vld.idx.msk [tilespmem:v8+s23+$0x0], $0xffff  }
0x10d: {  	v18 =	vor.u32 s10, v15;
	v15 =	vld.idx.msk [tilespmem:v10+s23+$0x0], $0xffff  }
0x10e: {  	v9 =	vor.u32 v5, v9;
	v12 =	vld.idx.msk [tilespmem:v11+s23+$0x0], $0xffff  }
0x10f: {  	v10 =	vld.idx.msk [tilespmem:v14+s23+$0x0], $0xffff;
	v14 =	vor.u32 s10, v9  }
0x110: {  	s19 =	simm.s32 $0x0;
	v8 =	vld.idx.msk [tilespmem:v16+s23+$0x0], $0xffff  }
0x111: {  	s11 =	simm.s32 $0x2;
	s17 =	sand.u32 $0x3FFFFC00, s19;
	v11 =	vld.idx.msk [tilespmem:v17+s23+$0x0], $0xffff  }
0x112: {  	s1 =	simm.s32 $0x1;
	s16 =	simm.s32 $0x10;
	s10 =	sshll.u32 s10, $0x7;
	v9 =	vld.idx.msk [tilespmem:v18+s23+$0x0], $0xffff  }
.LBB2_11:
0x113: {  	s14 =	sand.u32 $0xFFFFFF80, s16  }
0x114: {  	v16 =	vld.idx.msk [tilespmem:v14+s23+$0x0], $0xffff;
	s10 =	sor.u32 s10, s17;
	s16 =	smov.u32 s11;
	s18 =	sadd.s32 $0x1, s11  }
0x115: {  	p0 =	sne.s32 s11, $0x3F;
	v14 =	vmov s14;
	s11 =	sadd.s32 $0x10800, s10;
	[tilespmem:s10+$0x10800] =	vst v15  }
0x116: {  	v15 =	vshll.u32 v14, $0x5;
	[tilespmem:s11+$0x50] =	vst v13  }
0x117: {  	s14 =	sand.u32 $0x7, s1;
	v13 =	vor.u32 v0, v15;
	v14 =	vor.u32 v5, v15;
	v17 =	vor.u32 v3, v15;
	[tilespmem:s11+$0x60] =	vst v12  }
0x118: {  	s10 =	sshll.u32 s14, $0x7;
	v12 =	vor.u32 s14, v13;
	v14 =	vor.u32 s14, v14;
	v13 =	vor.u32 s14, v17;
	[tilespmem:s11+$0x10] =	vst v10  }
0x119: {  	v18 =	vor.u32 v2, v15;
	v10 =	vor.u32 v7, v15;
	v17 =	vor.u32 v4, v15;
	[tilespmem:s11+$0x70] =	vst v11  }
0x11a: {  	v11 =	vor.u32 s14, v17;
	v17 =	vor.u32 s14, v18;
	v18 =	vor.u32 v1, v15;
	[tilespmem:s11+$0x30] =	vst v16  }
0x11b: {  	v10 =	vor.u32 s14, v10;
	v15 =	vor.u32 v6, v15;
	v16 =	vor.u32 s14, v18;
	[tilespmem:s11+$0x20] =	vst v9  }
0x11c: {  	v9 =	vor.u32 s14, v15;
	[tilespmem:s11+$0x40] =	vst v8  }
0x11d: {  	v13 =	vld.idx.msk [tilespmem:v13+s23+$0x0], $0xffff  }
0x11e: {  	v15 =	vld.idx.msk [tilespmem:v12+s23+$0x0], $0xffff  }
.Ltmp4:
0x11f: {  	v12 =	vld.idx.msk [tilespmem:v17+s23+$0x0], $0xffff;
	(pc) =	sbr.rel @p0 .LBB2_11-.Ltmp4, $4  }
0x120: {  	v10 =	vld.idx.msk [tilespmem:v10+s23+$0x0], $0xffff  }
0x121: {  	v8 =	vld.idx.msk [tilespmem:v11+s23+$0x0], $0xffff  }
0x122: {  	s11 =	sshll.u32 s1, $0x7;
	s1 =	smov.u32 s16;
	v11 =	vld.idx.msk [tilespmem:v16+s23+$0x0], $0xffff  }
0x123: {  	s16 =	sshll.u32 s1, $0x4;
	s17 =	sand.u32 $0x3FFFFC00, s11;
	s11 =	smov.u32 s18;
	v9 =	vld.idx.msk [tilespmem:v9+s23+$0x0], $0xffff  }
0x124: {  	_ =	sdelay $0x2  }
0x125: {  	s11 =	sand.u32 $0xFFFFFF80, s16;
	s10 =	sor.u32 s10, s17  }
0x126: {  	v14 =	vld.idx.msk [tilespmem:v14+s23+$0x0], $0xffff;
	v16 =	vmov s11;
	s17 =	sadd.s32 $0x10800, s10;
	[tilespmem:s10+$0x10800] =	vst v15  }
0x127: {  	v15 =	vshll.u32 v16, $0x5;
	[tilespmem:s17+$0x50] =	vst v13  }
0x128: {  	s18 =	sand.u32 $0x7, s1;
	[tilespmem:s17+$0x60] =	vst v12;
	v13 =	vor.u32 v3, v15  }
0x129: {  	[tilespmem:s17+$0x10] =	vst v10;
	v12 =	vor.u32 v0, v15;
	v13 =	vor.u32 s18, v13  }
0x12a: {  	[tilespmem:s17+$0x70] =	vst v11;
	v11 =	vor.u32 v7, v15;
	v10 =	vor.u32 s18, v12  }
0x12b: {  	[tilespmem:s17+$0x40] =	vst v8;
	v8 =	vor.u32 v6, v15;
	v11 =	vor.u32 s18, v11  }
0x12c: {  	v12 =	vor.u32 v2, v15;
	[tilespmem:s17+$0x20] =	vst v9;
	v8 =	vor.u32 s18, v8  }
0x12d: {  	v12 =	vor.u32 s18, v12;
	[tilespmem:s17+$0x30] =	vst v14;
	v14 =	vor.u32 v4, v15  }
0x12e: {  	v9 =	vor.u32 s18, v14;
	v14 =	vor.u32 v1, v15;
	v13 =	vld.idx.msk [tilespmem:v13+s23+$0x0], $0xffff  }
0x12f: {  	v15 =	vor.u32 v5, v15;
	v14 =	vor.u32 s18, v14;
	v10 =	vld.idx.msk [tilespmem:v10+s23+$0x0], $0xffff  }
0x130: {  	v15 =	vor.u32 s18, v15;
	v11 =	vld.idx.msk [tilespmem:v11+s23+$0x0], $0xffff  }
0x131: {  	v8 =	vld.idx.msk [tilespmem:v8+s23+$0x0], $0xffff  }
0x132: {  	s19 =	sshll.u32 s1, $0x7;
	v12 =	vld.idx.msk [tilespmem:v12+s23+$0x0], $0xffff  }
0x133: {  	s10 =	sshll.u32 s18, $0x7;
	s1 =	sand.u32 $0x3FFFFC00, s19;
	v9 =	vld.idx.msk [tilespmem:v9+s23+$0x0], $0xffff  }
0x134: {  	s1 =	sor.u32 s10, s1;
	v14 =	vld.idx.msk [tilespmem:v14+s23+$0x0], $0xffff  }
0x135: {  	s10 =	sadd.s32 $0x10800, s1;
	v15 =	vld.idx.msk [tilespmem:v15+s23+$0x0], $0xffff;
	[tilespmem:s1+$0x10800] =	vst v10  }
0x136: {  	s11 =	simm.s32 $0x0;
	[tilespmem:s10+$0x50] =	vst v13  }
0x137: {  	s1 =	sand.u32 $0xFFFFFF80, s11;
	[tilespmem:s10+$0x60] =	vst v12  }
0x138: {  	s14 =	sadd.s32 s0, s13;
	[tilespmem:s10+$0x10] =	vst v11;
	v10 =	vmov s1  }
0x139: {  	s16 =	sshll.u32 s14, $0x13;
	s17 =	simm.s32 $0x0;
	[tilespmem:s10+$0x20] =	vst v8;
	v12 =	vshll.u32 v10, $0x5  }
0x13a: {  	s14 =	sand.u32 $0x7, s17;
	s1 =	sadd.s32 s8, s16;
	[tilespmem:s10+$0x40] =	vst v9;
	v10 =	vor.u32 v5, v12  }
0x13b: {  	s1 =	sshrl.u32 s1, $0x3;
	[tilespmem:s10+$0x70] =	vst v14;
	v9 =	vor.u32 v3, v12;
	v8 =	vor.u32 s14, v10  }
0x13c: {  	[tilespmem:s10+$0x30] =	vst v15;
	s1 =	sadd.s32 s2, s1;
	v10 =	vor.u32 v1, v12;
	v9 =	vor.u32 s14, v9;
	v8 =	vor.u32 $0x8, v8  }
0x13d: {  	v11 =	vor.u32 v0, v12;
	[hbm4b:s1+s17] =	stream.linear.scatter [tilespmem:s24], [sflag:$0x3], $0x2000, $0x38;
	v10 =	vor.u32 s14, v10;
	v9 =	vor.u32 $0x8, v9;
	[tilespmem:$0x14800] =	vst v63  }
0x13e: {  	v13 =	vor.u32 v4, v12;
	v11 =	vor.u32 s14, v11;
	_ =	swait.ge [sflag:s28], $0x2000;
	v10 =	vor.u32 $0x8, v10  }
0x13f: {  	v15 =	vor.u32 $0x8, v11;
	v11 =	vor.u32 s14, v13;
	v13 =	vor.u32 v2, v12;
	[sflag:s28] =	ssyncset.done $0x0  }
0x140: {  	v16 =	vor.u32 $0x8, v11;
	v11 =	vor.u32 s14, v13;
	v13 =	vor.u32 v6, v12;
	[sflag:s28] =	ssyncadd.s32 $0xFFFFE000  }
0x141: {  	v17 =	vor.u32 $0x8, v11;
	v11 =	vor.u32 s14, v13;
	v8 =	vld.idx.msk [tilespmem:v8+s23+$0x0], $0xffff  }
0x142: {  	v18 =	vor.u32 $0x8, v11;
	v14 =	vld.idx.msk [tilespmem:v9+s23+$0x0], $0xffff;
	v9 =	vor.u32 v7, v12  }
0x143: {  	v11 =	vld.idx.msk [tilespmem:v10+s23+$0x0], $0xffff;
	v9 =	vor.u32 s14, v9  }
0x144: {  	v10 =	vld.idx.msk [tilespmem:v15+s23+$0x0], $0xffff;
	v15 =	vor.u32 $0x8, v9  }
0x145: {  	s19 =	simm.s32 $0x10;
	s18 =	simm.s32 $0x0;
	v12 =	vld.idx.msk [tilespmem:v16+s23+$0x0], $0xffff  }
0x146: {  	s18 =	sand.u32 $0x3FFFFC00, s18;
	s11 =	simm.s32 $0x2;
	s14 =	sshll.u32 s14, $0x7;
	v13 =	vld.idx.msk [tilespmem:v17+s23+$0x0], $0xffff  }
0x147: {  	s10 =	simm.s32 $0x1;
	s17 =	sand.u32 $0xFFFFFF80, s19;
	s16 =	sor.u32 s14, s18;
	v9 =	vld.idx.msk [tilespmem:v18+s23+$0x0], $0xffff  }
.LBB2_13:
0x148: {  	p0 =	sne.s32 s11, $0x3F  }
0x149: {  	v16 =	vmov s17;
	v15 =	vld.idx.msk [tilespmem:v15+s23+$0x0], $0xffff;
	s14 =	sadd.s32 $0x12800, s16;
	s17 =	smov.u32 s11;
	s11 =	sadd.s32 $0x1, s11  }
0x14a: {  	v16 =	vshll.u32 v16, $0x5;
	[tilespmem:s14+$0x50] =	vst v14  }
0x14b: {  	s18 =	sand.u32 $0x7, s10;
	v14 =	vor.u32 v0, v16;
	v17 =	vor.u32 v5, v16;
	v18 =	vor.u32 v3, v16;
	[tilespmem:s14+$0x70] =	vst v11  }
0x14c: {  	v11 =	vor.u32 s18, v14;
	v14 =	vor.u32 s18, v17;
	v17 =	vor.u32 v1, v16;
	[tilespmem:s14+$0x40] =	vst v12  }
0x14d: {  	v12 =	vor.u32 $0x8, v11;
	v11 =	vor.u32 $0x8, v14;
	v14 =	vor.u32 s18, v17;
	[tilespmem:s14+$0x60] =	vst v13  }
0x14e: {  	v13 =	vor.u32 v4, v16;
	v17 =	vor.u32 s18, v18;
	v14 =	vor.u32 $0x8, v14;
	[tilespmem:s16+$0x12800] =	vst v10  }
0x14f: {  	v10 =	vor.u32 s18, v13;
	v13 =	vor.u32 $0x8, v17;
	v17 =	vor.u32 v2, v16;
	[tilespmem:s14+$0x30] =	vst v8  }
0x150: {  	v8 =	vor.u32 v7, v16;
	v18 =	vor.u32 $0x8, v10;
	v10 =	vor.u32 s18, v17;
	[tilespmem:s14+$0x10] =	vst v15  }
0x151: {  	v16 =	vor.u32 v6, v16;
	v8 =	vor.u32 s18, v8;
	v17 =	vor.u32 $0x8, v10;
	[tilespmem:s14+$0x20] =	vst v9  }
0x152: {  	v15 =	vor.u32 $0x8, v8;
	v9 =	vor.u32 s18, v16;
	v8 =	vld.idx.msk [tilespmem:v11+s23+$0x0], $0xffff  }
0x153: {  	v9 =	vor.u32 $0x8, v9;
	v11 =	vld.idx.msk [tilespmem:v14+s23+$0x0], $0xffff  }
.Ltmp5:
0x154: {  	v14 =	vld.idx.msk [tilespmem:v13+s23+$0x0], $0xffff;
	(pc) =	sbr.rel @p0 .LBB2_13-.Ltmp5, $4  }
0x155: {  	v10 =	vld.idx.msk [tilespmem:v12+s23+$0x0], $0xffff  }
0x156: {  	s14 =	sshll.u32 s10, $0x7;
	s10 =	smov.u32 s17;
	v12 =	vld.idx.msk [tilespmem:v18+s23+$0x0], $0xffff  }
0x157: {  	s18 =	sshll.u32 s18, $0x7;
	s16 =	sshll.u32 s10, $0x4;
	s14 =	sand.u32 $0x3FFFFC00, s14;
	v13 =	vld.idx.msk [tilespmem:v17+s23+$0x0], $0xffff  }
0x158: {  	s17 =	sand.u32 $0xFFFFFF80, s16;
	s16 =	sor.u32 s18, s14;
	v9 =	vld.idx.msk [tilespmem:v9+s23+$0x0], $0xffff  }
0x159: {  	_ =	sdelay $0x2  }
0x15a: {  	v16 =	vmov s17;
	s11 =	sadd.s32 $0x12800, s16  }
0x15b: {  	v15 =	vld.idx.msk [tilespmem:v15+s23+$0x0], $0xffff;
	v16 =	vshll.u32 v16, $0x5;
	[tilespmem:s11+$0x50] =	vst v14  }
0x15c: {  	s14 =	sand.u32 $0x7, s10;
	[tilespmem:s11+$0x70] =	vst v11;
	v14 =	vor.u32 v5, v16  }
0x15d: {  	[tilespmem:s11+$0x40] =	vst v12;
	v12 =	vor.u32 v3, v16;
	v11 =	vor.u32 s14, v14  }
0x15e: {  	[tilespmem:s16+$0x12800] =	vst v10;
	v14 =	vor.u32 v1, v16;
	v12 =	vor.u32 s14, v12;
	v11 =	vor.u32 $0x8, v11  }
0x15f: {  	[tilespmem:s11+$0x60] =	vst v13;
	v13 =	vor.u32 v0, v16;
	v14 =	vor.u32 s14, v14;
	v12 =	vor.u32 $0x8, v12  }
0x160: {  	[tilespmem:s11+$0x30] =	vst v8;
	v10 =	vor.u32 s14, v13;
	v13 =	vor.u32 v4, v16;
	v14 =	vor.u32 $0x8, v14  }
0x161: {  	[tilespmem:s11+$0x20] =	vst v9;
	v9 =	vor.u32 v7, v16;
	v8 =	vor.u32 $0x8, v10;
	v10 =	vor.u32 s14, v13  }
0x162: {  	v13 =	vor.u32 v2, v16;
	[tilespmem:s11+$0x10] =	vst v15;
	v9 =	vor.u32 s14, v9;
	v10 =	vor.u32 $0x8, v10  }
0x163: {  	v15 =	vor.u32 v6, v16;
	v13 =	vor.u32 s14, v13;
	v9 =	vor.u32 $0x8, v9;
	v11 =	vld.idx.msk [tilespmem:v11+s23+$0x0], $0xffff  }
0x164: {  	v15 =	vor.u32 s14, v15;
	v13 =	vor.u32 $0x8, v13;
	v12 =	vld.idx.msk [tilespmem:v12+s23+$0x0], $0xffff  }
0x165: {  	v15 =	vor.u32 $0x8, v15;
	v14 =	vld.idx.msk [tilespmem:v14+s23+$0x0], $0xffff  }
0x166: {  	s16 =	sshll.u32 s10, $0x7;
	v8 =	vld.idx.msk [tilespmem:v8+s23+$0x0], $0xffff  }
0x167: {  	s17 =	sshll.u32 s14, $0x7;
	s10 =	sand.u32 $0x3FFFFC00, s16;
	v10 =	vld.idx.msk [tilespmem:v10+s23+$0x0], $0xffff  }
0x168: {  	s10 =	sor.u32 s17, s10;
	v9 =	vld.idx.msk [tilespmem:v9+s23+$0x0], $0xffff  }
0x169: {  	s11 =	sadd.s32 $0x12800, s10;
	v13 =	vld.idx.msk [tilespmem:v13+s23+$0x0], $0xffff  }
0x16a: {  	v15 =	vld.idx.msk [tilespmem:v15+s23+$0x0], $0xffff;
	[tilespmem:s11+$0x50] =	vst v12  }
0x16b: {  	s18 =	simm.s32 $0x0;
	[tilespmem:s11+$0x70] =	vst v14  }
0x16c: {  	s14 =	sand.u32 $0xFFFFFF80, s18;
	[tilespmem:s10+$0x12800] =	vst v8  }
0x16d: {  	[tilespmem:s11+$0x40] =	vst v10;
	v10 =	vmov s14  }
0x16e: {  	s19 =	simm.s32 $0x0;
	[tilespmem:s11+$0x30] =	vst v11;
	v12 =	vshll.u32 v10, $0x5  }
0x16f: {  	s14 =	sand.u32 $0x7, s19;
	[tilespmem:s11+$0x10] =	vst v9;
	v8 =	vor.u32 v5, v12  }
0x170: {  	[tilespmem:s11+$0x60] =	vst v13;
	v9 =	vor.u32 v1, v12;
	v8 =	vor.u32 s14, v8  }
0x171: {  	s16 =	sadd.s32 $0x4000, s1;
	[tilespmem:s11+$0x20] =	vst v15;
	v10 =	vor.u32 v3, v12;
	v9 =	vor.u32 s14, v9;
	v8 =	vor.u32 $0x10, v8  }
0x172: {  	[hbm4b:s16+s19] =	stream.linear.scatter [tilespmem:s25], [sflag:$0x4], $0x2000, $0x38;
	v11 =	vor.u32 v0, v12;
	v10 =	vor.u32 s14, v10;
	v9 =	vor.u32 $0x10, v9;
	[tilespmem:$0x14800] =	vst v63  }
0x173: {  	v13 =	vor.u32 v4, v12;
	_ =	swait.ge [sflag:s26], $0x2000;
	v11 =	vor.u32 s14, v11;
	v10 =	vor.u32 $0x10, v10  }
0x174: {  	[sflag:s26] =	ssyncset.done $0x0;
	v15 =	vor.u32 $0x10, v11;
	v11 =	vor.u32 s14, v13;
	v13 =	vor.u32 v2, v12  }
0x175: {  	[sflag:s26] =	ssyncadd.s32 $0xFFFFE000;
	v16 =	vor.u32 $0x10, v11;
	v11 =	vor.u32 s14, v13;
	v13 =	vor.u32 v6, v12  }
0x176: {  	v17 =	vor.u32 $0x10, v11;
	v11 =	vor.u32 s14, v13;
	v8 =	vld.idx.msk [tilespmem:v8+s23+$0x0], $0xffff  }
0x177: {  	v18 =	vor.u32 $0x10, v11;
	v11 =	vld.idx.msk [tilespmem:v9+s23+$0x0], $0xffff;
	v9 =	vor.u32 v7, v12  }
0x178: {  	v14 =	vld.idx.msk [tilespmem:v10+s23+$0x0], $0xffff;
	v9 =	vor.u32 s14, v9  }
0x179: {  	s18 =	simm.s32 $0x10;
	v10 =	vld.idx.msk [tilespmem:v15+s23+$0x0], $0xffff;
	v15 =	vor.u32 $0x10, v9  }
0x17a: {  	s17 =	simm.s32 $0x0;
	s18 =	sand.u32 $0xFFFFFF80, s18;
	v12 =	vld.idx.msk [tilespmem:v16+s23+$0x0], $0xffff  }
0x17b: {  	s10 =	sadd.s32 $0x8000, s1;
	s19 =	sand.u32 $0x3FFFFC00, s17;
	s14 =	sshll.u32 s14, $0x7;
	v13 =	vld.idx.msk [tilespmem:v17+s23+$0x0], $0xffff  }
0x17c: {  	s11 =	simm.s32 $0x1;
	s16 =	simm.s32 $0x2;
	s17 =	sor.u32 s14, s19;
	v9 =	vld.idx.msk [tilespmem:v18+s23+$0x0], $0xffff  }
.LBB2_15:
0x17d: {  	p0 =	sne.s32 s16, $0x3F  }
0x17e: {  	v16 =	vmov s18;
	v15 =	vld.idx.msk [tilespmem:v15+s23+$0x0], $0xffff;
	s14 =	sadd.s32 $0x10800, s17;
	s18 =	smov.u32 s16;
	s16 =	sadd.s32 $0x1, s16  }
0x17f: {  	v16 =	vshll.u32 v16, $0x5;
	[tilespmem:s14+$0x50] =	vst v14  }
0x180: {  	s19 =	sand.u32 $0x7, s11;
	v14 =	vor.u32 v0, v16;
	v17 =	vor.u32 v5, v16;
	v18 =	vor.u32 v3, v16;
	[tilespmem:s14+$0x70] =	vst v11  }
0x181: {  	v11 =	vor.u32 s19, v14;
	v14 =	vor.u32 s19, v17;
	v17 =	vor.u32 v1, v16;
	[tilespmem:s14+$0x40] =	vst v12  }
0x182: {  	v12 =	vor.u32 $0x10, v11;
	v11 =	vor.u32 $0x10, v14;
	v14 =	vor.u32 s19, v17;
	[tilespmem:s14+$0x60] =	vst v13  }
0x183: {  	v13 =	vor.u32 v4, v16;
	v17 =	vor.u32 s19, v18;
	v14 =	vor.u32 $0x10, v14;
	[tilespmem:s17+$0x10800] =	vst v10  }
0x184: {  	v10 =	vor.u32 s19, v13;
	v13 =	vor.u32 $0x10, v17;
	v17 =	vor.u32 v2, v16;
	[tilespmem:s14+$0x30] =	vst v8  }
0x185: {  	v8 =	vor.u32 v7, v16;
	v18 =	vor.u32 $0x10, v10;
	v10 =	vor.u32 s19, v17;
	[tilespmem:s14+$0x10] =	vst v15  }
0x186: {  	v16 =	vor.u32 v6, v16;
	v8 =	vor.u32 s19, v8;
	v17 =	vor.u32 $0x10, v10;
	[tilespmem:s14+$0x20] =	vst v9  }
0x187: {  	v15 =	vor.u32 $0x10, v8;
	v9 =	vor.u32 s19, v16;
	v8 =	vld.idx.msk [tilespmem:v11+s23+$0x0], $0xffff  }
0x188: {  	v9 =	vor.u32 $0x10, v9;
	v11 =	vld.idx.msk [tilespmem:v14+s23+$0x0], $0xffff  }
.Ltmp6:
0x189: {  	v14 =	vld.idx.msk [tilespmem:v13+s23+$0x0], $0xffff;
	(pc) =	sbr.rel @p0 .LBB2_15-.Ltmp6, $4  }
0x18a: {  	v10 =	vld.idx.msk [tilespmem:v12+s23+$0x0], $0xffff  }
0x18b: {  	s14 =	sshll.u32 s11, $0x7;
	s11 =	smov.u32 s18;
	v12 =	vld.idx.msk [tilespmem:v18+s23+$0x0], $0xffff  }
0x18c: {  	s19 =	sshll.u32 s19, $0x7;
	s17 =	sshll.u32 s11, $0x4;
	s14 =	sand.u32 $0x3FFFFC00, s14;
	v13 =	vld.idx.msk [tilespmem:v17+s23+$0x0], $0xffff  }
0x18d: {  	s18 =	sand.u32 $0xFFFFFF80, s17;
	s17 =	sor.u32 s19, s14;
	v9 =	vld.idx.msk [tilespmem:v9+s23+$0x0], $0xffff  }
0x18e: {  	_ =	sdelay $0x2  }
0x18f: {  	v16 =	vmov s18;
	s14 =	sadd.s32 $0x10800, s17  }
0x190: {  	v15 =	vld.idx.msk [tilespmem:v15+s23+$0x0], $0xffff;
	v16 =	vshll.u32 v16, $0x5;
	[tilespmem:s14+$0x50] =	vst v14  }
0x191: {  	s16 =	sand.u32 $0x7, s11;
	[tilespmem:s14+$0x70] =	vst v11;
	v14 =	vor.u32 v5, v16  }
0x192: {  	[tilespmem:s14+$0x40] =	vst v12;
	v12 =	vor.u32 v3, v16;
	v11 =	vor.u32 s16, v14  }
0x193: {  	[tilespmem:s17+$0x10800] =	vst v10;
	v14 =	vor.u32 v1, v16;
	v12 =	vor.u32 s16, v12;
	v11 =	vor.u32 $0x10, v11  }
0x194: {  	[tilespmem:s14+$0x60] =	vst v13;
	v13 =	vor.u32 v0, v16;
	v14 =	vor.u32 s16, v14;
	v12 =	vor.u32 $0x10, v12  }
0x195: {  	[tilespmem:s14+$0x30] =	vst v8;
	v10 =	vor.u32 s16, v13;
	v13 =	vor.u32 v4, v16;
	v14 =	vor.u32 $0x10, v14  }
0x196: {  	[tilespmem:s14+$0x20] =	vst v9;
	v9 =	vor.u32 v7, v16;
	v8 =	vor.u32 $0x10, v10;
	v10 =	vor.u32 s16, v13  }
0x197: {  	v13 =	vor.u32 v2, v16;
	[tilespmem:s14+$0x10] =	vst v15;
	v9 =	vor.u32 s16, v9;
	v10 =	vor.u32 $0x10, v10  }
0x198: {  	v15 =	vor.u32 v6, v16;
	v13 =	vor.u32 s16, v13;
	v9 =	vor.u32 $0x10, v9;
	v11 =	vld.idx.msk [tilespmem:v11+s23+$0x0], $0xffff  }
0x199: {  	v15 =	vor.u32 s16, v15;
	v13 =	vor.u32 $0x10, v13;
	v12 =	vld.idx.msk [tilespmem:v12+s23+$0x0], $0xffff  }
0x19a: {  	v15 =	vor.u32 $0x10, v15;
	v14 =	vld.idx.msk [tilespmem:v14+s23+$0x0], $0xffff  }
0x19b: {  	s14 =	sshll.u32 s11, $0x7;
	v8 =	vld.idx.msk [tilespmem:v8+s23+$0x0], $0xffff  }
0x19c: {  	s17 =	sshll.u32 s16, $0x7;
	s11 =	sand.u32 $0x3FFFFC00, s14;
	v10 =	vld.idx.msk [tilespmem:v10+s23+$0x0], $0xffff  }
0x19d: {  	s11 =	sor.u32 s17, s11;
	v9 =	vld.idx.msk [tilespmem:v9+s23+$0x0], $0xffff  }
0x19e: {  	s14 =	sadd.s32 $0x10800, s11;
	v13 =	vld.idx.msk [tilespmem:v13+s23+$0x0], $0xffff  }
0x19f: {  	v15 =	vld.idx.msk [tilespmem:v15+s23+$0x0], $0xffff;
	[tilespmem:s14+$0x50] =	vst v12  }
0x1a0: {  	s18 =	simm.s32 $0x0;
	[tilespmem:s14+$0x70] =	vst v14  }
0x1a1: {  	s16 =	sand.u32 $0xFFFFFF80, s18;
	[tilespmem:s11+$0x10800] =	vst v8  }
0x1a2: {  	[tilespmem:s14+$0x40] =	vst v10;
	v10 =	vmov s16  }
0x1a3: {  	s19 =	simm.s32 $0x0;
	[tilespmem:s14+$0x30] =	vst v11;
	v12 =	vshll.u32 v10, $0x5  }
0x1a4: {  	s16 =	sand.u32 $0x7, s19;
	[tilespmem:s14+$0x10] =	vst v9;
	v8 =	vor.u32 v5, v12  }
0x1a5: {  	[tilespmem:s14+$0x60] =	vst v13;
	v9 =	vor.u32 v1, v12;
	v8 =	vor.u32 s16, v8  }
0x1a6: {  	[tilespmem:s14+$0x20] =	vst v15;
	v10 =	vor.u32 v3, v12;
	v9 =	vor.u32 s16, v9;
	v8 =	vor.u32 $0x18, v8  }
0x1a7: {  	[hbm4b:s10+s19] =	stream.linear.scatter [tilespmem:s24], [sflag:$0x3], $0x2000, $0x38;
	v11 =	vor.u32 v0, v12;
	v10 =	vor.u32 s16, v10;
	v9 =	vor.u32 $0x18, v9;
	[tilespmem:$0x14800] =	vst v63  }
0x1a8: {  	v13 =	vor.u32 v4, v12;
	_ =	swait.ge [sflag:s28], $0x2000;
	v11 =	vor.u32 s16, v11;
	v10 =	vor.u32 $0x18, v10  }
0x1a9: {  	[sflag:s28] =	ssyncset.done $0x0;
	v15 =	vor.u32 $0x18, v11;
	v11 =	vor.u32 s16, v13;
	v13 =	vor.u32 v2, v12  }
0x1aa: {  	[sflag:s28] =	ssyncadd.s32 $0xFFFFE000;
	v16 =	vor.u32 $0x18, v11;
	v11 =	vor.u32 s16, v13;
	v13 =	vor.u32 v6, v12  }
0x1ab: {  	v17 =	vor.u32 $0x18, v11;
	v11 =	vor.u32 s16, v13;
	v8 =	vld.idx.msk [tilespmem:v8+s23+$0x0], $0xffff  }
0x1ac: {  	v18 =	vor.u32 $0x18, v11;
	v11 =	vld.idx.msk [tilespmem:v9+s23+$0x0], $0xffff;
	v9 =	vor.u32 v7, v12  }
0x1ad: {  	v14 =	vld.idx.msk [tilespmem:v10+s23+$0x0], $0xffff;
	v9 =	vor.u32 s16, v9  }
0x1ae: {  	v10 =	vld.idx.msk [tilespmem:v15+s23+$0x0], $0xffff;
	v15 =	vor.u32 $0x18, v9  }
0x1af: {  	s1 =	sadd.s32 $0xC000, s1;
	s18 =	simm.s32 $0x10;
	s17 =	simm.s32 $0x0;
	v12 =	vld.idx.msk [tilespmem:v16+s23+$0x0], $0xffff  }
0x1b0: {  	s11 =	simm.s32 $0x2;
	s19 =	sand.u32 $0x3FFFFC00, s17;
	s16 =	sshll.u32 s16, $0x7;
	v13 =	vld.idx.msk [tilespmem:v17+s23+$0x0], $0xffff  }
0x1b1: {  	s10 =	simm.s32 $0x1;
	s17 =	sand.u32 $0xFFFFFF80, s18;
	s16 =	sor.u32 s16, s19;
	v9 =	vld.idx.msk [tilespmem:v18+s23+$0x0], $0xffff  }
.LBB2_17:
0x1b2: {  	p0 =	sne.s32 s11, $0x3F  }
0x1b3: {  	v16 =	vmov s17;
	v15 =	vld.idx.msk [tilespmem:v15+s23+$0x0], $0xffff;
	s14 =	sadd.s32 $0x12800, s16;
	s17 =	smov.u32 s11;
	s11 =	sadd.s32 $0x1, s11  }
0x1b4: {  	v16 =	vshll.u32 v16, $0x5;
	[tilespmem:s14+$0x50] =	vst v14  }
0x1b5: {  	s18 =	sand.u32 $0x7, s10;
	v14 =	vor.u32 v0, v16;
	v17 =	vor.u32 v5, v16;
	v18 =	vor.u32 v3, v16;
	[tilespmem:s14+$0x70] =	vst v11  }
0x1b6: {  	v11 =	vor.u32 s18, v14;
	v14 =	vor.u32 s18, v17;
	v17 =	vor.u32 v1, v16;
	[tilespmem:s14+$0x40] =	vst v12  }
0x1b7: {  	v12 =	vor.u32 $0x18, v11;
	v11 =	vor.u32 $0x18, v14;
	v14 =	vor.u32 s18, v17;
	[tilespmem:s14+$0x60] =	vst v13  }
0x1b8: {  	v13 =	vor.u32 v4, v16;
	v17 =	vor.u32 s18, v18;
	v14 =	vor.u32 $0x18, v14;
	[tilespmem:s16+$0x12800] =	vst v10  }
0x1b9: {  	v10 =	vor.u32 s18, v13;
	v13 =	vor.u32 $0x18, v17;
	v17 =	vor.u32 v2, v16;
	[tilespmem:s14+$0x30] =	vst v8  }
0x1ba: {  	v8 =	vor.u32 v7, v16;
	v18 =	vor.u32 $0x18, v10;
	v10 =	vor.u32 s18, v17;
	[tilespmem:s14+$0x10] =	vst v15  }
0x1bb: {  	v16 =	vor.u32 v6, v16;
	v8 =	vor.u32 s18, v8;
	v17 =	vor.u32 $0x18, v10;
	[tilespmem:s14+$0x20] =	vst v9  }
0x1bc: {  	v15 =	vor.u32 $0x18, v8;
	v9 =	vor.u32 s18, v16;
	v8 =	vld.idx.msk [tilespmem:v11+s23+$0x0], $0xffff  }
0x1bd: {  	v9 =	vor.u32 $0x18, v9;
	v11 =	vld.idx.msk [tilespmem:v14+s23+$0x0], $0xffff  }
.Ltmp7:
0x1be: {  	v14 =	vld.idx.msk [tilespmem:v13+s23+$0x0], $0xffff;
	(pc) =	sbr.rel @p0 .LBB2_17-.Ltmp7, $4  }
0x1bf: {  	v10 =	vld.idx.msk [tilespmem:v12+s23+$0x0], $0xffff  }
0x1c0: {  	s14 =	sshll.u32 s10, $0x7;
	s10 =	smov.u32 s17;
	v12 =	vld.idx.msk [tilespmem:v18+s23+$0x0], $0xffff  }
0x1c1: {  	s18 =	sshll.u32 s18, $0x7;
	s16 =	sshll.u32 s10, $0x4;
	s14 =	sand.u32 $0x3FFFFC00, s14;
	v13 =	vld.idx.msk [tilespmem:v17+s23+$0x0], $0xffff  }
0x1c2: {  	s17 =	sand.u32 $0xFFFFFF80, s16;
	s16 =	sor.u32 s18, s14;
	v9 =	vld.idx.msk [tilespmem:v9+s23+$0x0], $0xffff  }
0x1c3: {  	_ =	sdelay $0x2  }
0x1c4: {  	v16 =	vmov s17;
	s11 =	sadd.s32 $0x12800, s16  }
0x1c5: {  	v15 =	vld.idx.msk [tilespmem:v15+s23+$0x0], $0xffff;
	v16 =	vshll.u32 v16, $0x5;
	[tilespmem:s11+$0x50] =	vst v14  }
0x1c6: {  	s14 =	sand.u32 $0x7, s10;
	[tilespmem:s11+$0x70] =	vst v11;
	v53 =	vor.u32 v5, v16  }
0x1c7: {  	[tilespmem:s16+$0x12800] =	vst v10;
	v55 =	vor.u32 v1, v16;
	v54 =	vor.u32 s14, v53  }
0x1c8: {  	[tilespmem:s11+$0x40] =	vst v12;
	v56 =	vor.u32 v3, v16;
	v14 =	vor.u32 s14, v55;
	v11 =	vor.u32 $0x18, v54  }
0x1c9: {  	v57 =	vor.u32 v0, v16;
	[tilespmem:s11+$0x30] =	vst v8;
	v12 =	vor.u32 s14, v56;
	v14 =	vor.u32 $0x18, v14  }
0x1ca: {  	v59 =	vor.u32 v4, v16;
	[tilespmem:s11+$0x60] =	vst v13;
	v58 =	vor.u32 s14, v57;
	v12 =	vor.u32 $0x18, v12  }
0x1cb: {  	v61 =	vor.u32 v2, v16;
	v60 =	vor.u32 s14, v59;
	v8 =	vor.u32 $0x18, v58;
	[tilespmem:s11+$0x20] =	vst v9  }
0x1cc: {  	v63 =	vor.u32 v7, v16;
	v13 =	vor.u32 s14, v61;
	v10 =	vor.u32 $0x18, v60;
	[tilespmem:s11+$0x10] =	vst v15  }
0x1cd: {  	v62 =	vor.u32 v6, v16;
	v13 =	vor.u32 $0x18, v13;
	v9 =	vor.u32 s14, v63;
	v11 =	vld.idx.msk [tilespmem:v11+s23+$0x0], $0xffff  }
0x1ce: {  	v15 =	vor.u32 s14, v62;
	v9 =	vor.u32 $0x18, v9;
	v14 =	vld.idx.msk [tilespmem:v14+s23+$0x0], $0xffff  }
0x1cf: {  	v15 =	vor.u32 $0x18, v15;
	v12 =	vld.idx.msk [tilespmem:v12+s23+$0x0], $0xffff  }
0x1d0: {  	s18 =	sshll.u32 s10, $0x7;
	v8 =	vld.idx.msk [tilespmem:v8+s23+$0x0], $0xffff  }
0x1d1: {  	s10 =	sand.u32 $0x3FFFFC00, s18;
	s19 =	sshll.u32 s14, $0x7;
	v10 =	vld.idx.msk [tilespmem:v10+s23+$0x0], $0xffff  }
0x1d2: {  	s10 =	sor.u32 s19, s10;
	v13 =	vld.idx.msk [tilespmem:v13+s23+$0x0], $0xffff  }
0x1d3: {  	s11 =	sadd.s32 $0x12800, s10;
	v9 =	vld.idx.msk [tilespmem:v9+s23+$0x0], $0xffff  }
0x1d4: {  	v15 =	vld.idx.msk [tilespmem:v15+s23+$0x0], $0xffff;
	[tilespmem:s11+$0x50] =	vst v12  }
0x1d5: {  	[tilespmem:s11+$0x70] =	vst v14  }
0x1d6: {  	[tilespmem:s11+$0x40] =	vst v10  }
0x1d7: {  	p0 =	seq.s32 s31, $0x5;
	[tilespmem:s11+$0x60] =	vst v13  }
.Ltmp8:
0x1d8: {  	[tilespmem:s10+$0x12800] =	vst v8;
	(pc) =	sbr.rel @p0 .LBB2_20-.Ltmp8, $4  }
0x1d9: {  	[tilespmem:s11+$0x30] =	vst v11  }
0x1da: {  	[tilespmem:s11+$0x10] =	vst v9  }
0x1db: {  	[tilespmem:s11+$0x20] =	vst v15  }
0x1dc: {  	[hbm4b:s1+s3] =	stream.linear.scatter [tilespmem:s25], [sflag:$0x4], $0x2000, $0x38;
	[tilespmem:$0x14800] =	vst v63  }
0x1dd: {  	s0 =	sadd.s32 s0, s15  }
0x1de: {  	s0 =	sshll.u32 s0, $0xE  }
0x1df: {  	s0 =	sadd.s32 s7, s0  }
0x1e0: {  	s0 =	sshrl.u32 s0, $0x3  }
0x1e1: {  	s0 =	sadd.s32 s5, s0  }
0x1e2: {  	[tilespmem:s21], [sflag:$0x5] =	stream.linear.gather [hbm4b:s0+s3], $0x400, $0x38;
	[tilespmem:$0x14800] =	vst v63  }
.Ltmp9:
0x1e3: {  	_ = 	snop;
	(pc) =	sbr.rel .LBB2_2-.Ltmp9, $4  }
0x1e4: {  	_ =	swait.ge [sflag:s20], $0x400  }
0x1e5: {  	[sflag:s20] =	ssyncset.done $0x0  }
0x1e6: {  	s31 =	sadd.s32 $0x1, s31;
	[sflag:s20] =	ssyncadd.s32 $0xFFFFFC00  }
0x1e7: {  	[tilespmem:s23], [sflag:$0x2] =	stream.indirect.gather [hbm4b:s4+s21], $0x20, s21, s21, $0xb8;
	[tilespmem:$0x14800] =	vst v63  }
.LBB2_20:
0x1e8: {  	s0 =	simm.s32 $0x0  }
0x1e9: {  	s0 =	sand.u32 $0xFFFFFF80, s0  }
0x1ea: {  	v8 =	vmov s0  }
0x1eb: {  	s31 =	simm.s32 $0x0;
	v9 =	vshll.u32 v8, $0x5  }
0x1ec: {  	_ =	swait.ge [sflag:s9], $0x8000;
	s1 =	sand.u32 $0x7, s31;
	v8 =	vor.u32 v3, v9  }
0x1ed: {  	[sflag:s9] =	ssyncset.done $0x0;
	v10 =	vor.u32 v0, v9;
	v8 =	vor.u32 s1, v8  }
0x1ee: {  	[sflag:s9] =	ssyncadd.s32 $0xFFFF8000;
	v11 =	vor.u32 v2, v9;
	v10 =	vor.u32 s1, v10  }
0x1ef: {  	_ =	swait.ge [sflag:s26], $0x2000;
	v12 =	vor.u32 v7, v9;
	v11 =	vor.u32 s1, v11  }
0x1f0: {  	[sflag:s26] =	ssyncset.done $0x0;
	v13 =	vor.u32 v4, v9;
	v14 =	vor.u32 s1, v12  }
0x1f1: {  	v15 =	vor.u32 v6, v9;
	[sflag:s26] =	ssyncadd.s32 $0xFFFFE000;
	v16 =	vor.u32 s1, v13  }
0x1f2: {  	v12 =	vor.u32 v1, v9;
	v18 =	vor.u32 s1, v15;
	v13 =	vld.idx.msk [tilespmem:v8+s22+$0x0], $0xffff  }
0x1f3: {  	v17 =	vor.u32 s1, v12;
	v15 =	vld.idx.msk [tilespmem:v10+s22+$0x0], $0xffff  }
0x1f4: {  	v9 =	vor.u32 v5, v9;
	v12 =	vld.idx.msk [tilespmem:v11+s22+$0x0], $0xffff  }
0x1f5: {  	v10 =	vld.idx.msk [tilespmem:v14+s22+$0x0], $0xffff;
	v14 =	vor.u32 s1, v9  }
0x1f6: {  	v8 =	vld.idx.msk [tilespmem:v16+s22+$0x0], $0xffff  }
0x1f7: {  	s10 =	simm.s32 $0x2;
	s14 =	simm.s32 $0x0;
	s11 =	simm.s32 $0x10;
	v9 =	vld.idx.msk [tilespmem:v18+s22+$0x0], $0xffff  }
0x1f8: {  	s16 =	sand.u32 $0x3FFFFC00, s14;
	s0 =	simm.s32 $0x1;
	s1 =	sshll.u32 s1, $0x7;
	v11 =	vld.idx.msk [tilespmem:v17+s22+$0x0], $0xffff  }
.LBB2_21:
0x1f9: {  	s11 =	sand.u32 $0xFFFFFF80, s11  }
0x1fa: {  	v16 =	vld.idx.msk [tilespmem:v14+s22+$0x0], $0xffff;
	s1 =	sor.u32 s1, s16;
	s14 =	smov.u32 s10;
	s17 =	sadd.s32 $0x1, s10  }
0x1fb: {  	p0 =	sne.s32 s10, $0x3F;
	v14 =	vmov s11;
	s10 =	sadd.s32 $0x10800, s1;
	[tilespmem:s1+$0x10800] =	vst v15  }
0x1fc: {  	v15 =	vshll.u32 v14, $0x5;
	[tilespmem:s10+$0x50] =	vst v13  }
0x1fd: {  	s11 =	sand.u32 $0x7, s0;
	v13 =	vor.u32 v0, v15;
	v14 =	vor.u32 v5, v15;
	v17 =	vor.u32 v3, v15;
	[tilespmem:s10+$0x60] =	vst v12  }
0x1fe: {  	s1 =	sshll.u32 s11, $0x7;
	v12 =	vor.u32 s11, v13;
	v14 =	vor.u32 s11, v14;
	v13 =	vor.u32 s11, v17;
	[tilespmem:s10+$0x10] =	vst v10  }
0x1ff: {  	v18 =	vor.u32 v2, v15;
	v10 =	vor.u32 v7, v15;
	v17 =	vor.u32 v4, v15;
	[tilespmem:s10+$0x70] =	vst v11  }
0x200: {  	v11 =	vor.u32 s11, v17;
	v17 =	vor.u32 s11, v18;
	v18 =	vor.u32 v1, v15;
	[tilespmem:s10+$0x30] =	vst v16  }
0x201: {  	v10 =	vor.u32 s11, v10;
	v15 =	vor.u32 v6, v15;
	v16 =	vor.u32 s11, v18;
	[tilespmem:s10+$0x20] =	vst v9  }
0x202: {  	v9 =	vor.u32 s11, v15;
	[tilespmem:s10+$0x40] =	vst v8  }
0x203: {  	v13 =	vld.idx.msk [tilespmem:v13+s22+$0x0], $0xffff  }
0x204: {  	v15 =	vld.idx.msk [tilespmem:v12+s22+$0x0], $0xffff  }
.Ltmp10:
0x205: {  	v12 =	vld.idx.msk [tilespmem:v17+s22+$0x0], $0xffff;
	(pc) =	sbr.rel @p0 .LBB2_21-.Ltmp10, $4  }
0x206: {  	v10 =	vld.idx.msk [tilespmem:v10+s22+$0x0], $0xffff  }
0x207: {  	v8 =	vld.idx.msk [tilespmem:v11+s22+$0x0], $0xffff  }
0x208: {  	s10 =	sshll.u32 s0, $0x7;
	s0 =	smov.u32 s14;
	v11 =	vld.idx.msk [tilespmem:v16+s22+$0x0], $0xffff  }
0x209: {  	s11 =	sshll.u32 s0, $0x4;
	s16 =	sand.u32 $0x3FFFFC00, s10;
	s10 =	smov.u32 s17;
	v9 =	vld.idx.msk [tilespmem:v9+s22+$0x0], $0xffff  }
0x20a: {  	_ =	sdelay $0x2  }
0x20b: {  	s10 =	sand.u32 $0xFFFFFF80, s11;
	s1 =	sor.u32 s1, s16  }
0x20c: {  	v14 =	vld.idx.msk [tilespmem:v14+s22+$0x0], $0xffff;
	v16 =	vmov s10;
	s19 =	sadd.s32 $0x10800, s1;
	[tilespmem:s1+$0x10800] =	vst v15  }
0x20d: {  	v15 =	vshll.u32 v16, $0x5;
	[tilespmem:s19+$0x50] =	vst v13  }
0x20e: {  	s31 =	sand.u32 $0x7, s0;
	[tilespmem:s19+$0x60] =	vst v12;
	v13 =	vor.u32 v3, v15  }
0x20f: {  	[tilespmem:s19+$0x10] =	vst v10;
	v12 =	vor.u32 v0, v15;
	v13 =	vor.u32 s31, v13  }
0x210: {  	[tilespmem:s19+$0x70] =	vst v11;
	v11 =	vor.u32 v7, v15;
	v10 =	vor.u32 s31, v12  }
0x211: {  	[tilespmem:s19+$0x40] =	vst v8;
	v8 =	vor.u32 v6, v15;
	v11 =	vor.u32 s31, v11  }
0x212: {  	v12 =	vor.u32 v2, v15;
	[tilespmem:s19+$0x20] =	vst v9;
	v8 =	vor.u32 s31, v8  }
0x213: {  	v12 =	vor.u32 s31, v12;
	[tilespmem:s19+$0x30] =	vst v14;
	v14 =	vor.u32 v4, v15  }
0x214: {  	v9 =	vor.u32 s31, v14;
	v14 =	vor.u32 v1, v15;
	v13 =	vld.idx.msk [tilespmem:v13+s22+$0x0], $0xffff  }
0x215: {  	v15 =	vor.u32 v5, v15;
	v14 =	vor.u32 s31, v14;
	v10 =	vld.idx.msk [tilespmem:v10+s22+$0x0], $0xffff  }
0x216: {  	v15 =	vor.u32 s31, v15;
	v11 =	vld.idx.msk [tilespmem:v11+s22+$0x0], $0xffff  }
0x217: {  	v8 =	vld.idx.msk [tilespmem:v8+s22+$0x0], $0xffff  }
0x218: {  	s11 =	sshll.u32 s0, $0x7;
	v12 =	vld.idx.msk [tilespmem:v12+s22+$0x0], $0xffff  }
0x219: {  	s1 =	sshll.u32 s31, $0x7;
	s0 =	sand.u32 $0x3FFFFC00, s11;
	v9 =	vld.idx.msk [tilespmem:v9+s22+$0x0], $0xffff  }
0x21a: {  	s0 =	sor.u32 s1, s0;
	v14 =	vld.idx.msk [tilespmem:v14+s22+$0x0], $0xffff  }
0x21b: {  	s1 =	sadd.s32 $0x10800, s0;
	v15 =	vld.idx.msk [tilespmem:v15+s22+$0x0], $0xffff;
	[tilespmem:s0+$0x10800] =	vst v10  }
0x21c: {  	s14 =	simm.s32 $0x0;
	[tilespmem:s1+$0x50] =	vst v13  }
0x21d: {  	s0 =	sand.u32 $0xFFFFFF80, s14;
	[tilespmem:s1+$0x60] =	vst v12  }
0x21e: {  	[tilespmem:s1+$0x10] =	vst v11;
	v10 =	vmov s0  }
0x21f: {  	s16 =	simm.s32 $0x0;
	[tilespmem:s1+$0x20] =	vst v8;
	v12 =	vshll.u32 v10, $0x5  }
0x220: {  	s17 =	sand.u32 $0x7, s16;
	[tilespmem:s1+$0x40] =	vst v9;
	v10 =	vor.u32 v5, v12  }
0x221: {  	[tilespmem:s1+$0x70] =	vst v14;
	v9 =	vor.u32 v3, v12;
	v8 =	vor.u32 s17, v10  }
0x222: {  	s18 =	rddreg [dreg:$0x5];
	[tilespmem:s1+$0x30] =	vst v15;
	v10 =	vor.u32 v1, v12;
	v9 =	vor.u32 s17, v9;
	v8 =	vor.u32 $0x8, v8  }
0x223: {  	v11 =	vor.u32 v0, v12;
	[hbm4b:s18+s16] =	stream.linear.scatter [tilespmem:s24], [sflag:$0x3], $0x2000, $0x38;
	v10 =	vor.u32 s17, v10;
	v9 =	vor.u32 $0x8, v9;
	[tilespmem:$0x14800] =	vst v63  }
0x224: {  	v13 =	vor.u32 v4, v12;
	v11 =	vor.u32 s17, v11;
	_ =	swait.ge [sflag:s28], $0x2000;
	v10 =	vor.u32 $0x8, v10  }
0x225: {  	v15 =	vor.u32 $0x8, v11;
	v11 =	vor.u32 s17, v13;
	v13 =	vor.u32 v2, v12;
	[sflag:s28] =	ssyncset.done $0x0  }
0x226: {  	v16 =	vor.u32 $0x8, v11;
	v11 =	vor.u32 s17, v13;
	v13 =	vor.u32 v6, v12;
	[sflag:s28] =	ssyncadd.s32 $0xFFFFE000  }
0x227: {  	v17 =	vor.u32 $0x8, v11;
	v11 =	vor.u32 s17, v13;
	v8 =	vld.idx.msk [tilespmem:v8+s22+$0x0], $0xffff  }
0x228: {  	v18 =	vor.u32 $0x8, v11;
	v14 =	vld.idx.msk [tilespmem:v9+s22+$0x0], $0xffff;
	v9 =	vor.u32 v7, v12  }
0x229: {  	v11 =	vld.idx.msk [tilespmem:v10+s22+$0x0], $0xffff;
	v9 =	vor.u32 s17, v9  }
0x22a: {  	v10 =	vld.idx.msk [tilespmem:v15+s22+$0x0], $0xffff;
	v15 =	vor.u32 $0x8, v9  }
0x22b: {  	s19 =	simm.s32 $0x0;
	s31 =	simm.s32 $0x10;
	v12 =	vld.idx.msk [tilespmem:v16+s22+$0x0], $0xffff  }
0x22c: {  	s10 =	sshll.u32 s17, $0x7;
	s11 =	sand.u32 $0xFFFFFF80, s31;
	s14 =	sand.u32 $0x3FFFFC00, s19;
	v13 =	vld.idx.msk [tilespmem:v17+s22+$0x0], $0xffff  }
0x22d: {  	s0 =	simm.s32 $0x1;
	s10 =	sor.u32 s10, s14;
	s1 =	simm.s32 $0x2;
	v9 =	vld.idx.msk [tilespmem:v18+s22+$0x0], $0xffff  }
.LBB2_23:
0x22e: {  	p0 =	sne.s32 s1, $0x3F  }
0x22f: {  	v16 =	vmov s11;
	v15 =	vld.idx.msk [tilespmem:v15+s22+$0x0], $0xffff;
	s11 =	sadd.s32 $0x12800, s10;
	s14 =	smov.u32 s1;
	s1 =	sadd.s32 $0x1, s1  }
0x230: {  	v16 =	vshll.u32 v16, $0x5;
	[tilespmem:s11+$0x50] =	vst v14  }
0x231: {  	s16 =	sand.u32 $0x7, s0;
	v14 =	vor.u32 v0, v16;
	v17 =	vor.u32 v5, v16;
	v18 =	vor.u32 v3, v16;
	[tilespmem:s11+$0x70] =	vst v11  }
0x232: {  	v11 =	vor.u32 s16, v14;
	v14 =	vor.u32 s16, v17;
	v17 =	vor.u32 v1, v16;
	[tilespmem:s11+$0x40] =	vst v12  }
0x233: {  	v12 =	vor.u32 $0x8, v11;
	v11 =	vor.u32 $0x8, v14;
	v14 =	vor.u32 s16, v17;
	[tilespmem:s11+$0x60] =	vst v13  }
0x234: {  	v13 =	vor.u32 v4, v16;
	v17 =	vor.u32 s16, v18;
	v14 =	vor.u32 $0x8, v14;
	[tilespmem:s10+$0x12800] =	vst v10  }
0x235: {  	v10 =	vor.u32 s16, v13;
	v13 =	vor.u32 $0x8, v17;
	v17 =	vor.u32 v2, v16;
	[tilespmem:s11+$0x30] =	vst v8  }
0x236: {  	v8 =	vor.u32 v7, v16;
	v18 =	vor.u32 $0x8, v10;
	v10 =	vor.u32 s16, v17;
	[tilespmem:s11+$0x10] =	vst v15  }
0x237: {  	v16 =	vor.u32 v6, v16;
	v8 =	vor.u32 s16, v8;
	v17 =	vor.u32 $0x8, v10;
	[tilespmem:s11+$0x20] =	vst v9  }
0x238: {  	v15 =	vor.u32 $0x8, v8;
	v9 =	vor.u32 s16, v16;
	v8 =	vld.idx.msk [tilespmem:v11+s22+$0x0], $0xffff  }
0x239: {  	v9 =	vor.u32 $0x8, v9;
	v11 =	vld.idx.msk [tilespmem:v14+s22+$0x0], $0xffff  }
.Ltmp11:
0x23a: {  	v14 =	vld.idx.msk [tilespmem:v13+s22+$0x0], $0xffff;
	(pc) =	sbr.rel @p0 .LBB2_23-.Ltmp11, $4  }
0x23b: {  	v10 =	vld.idx.msk [tilespmem:v12+s22+$0x0], $0xffff  }
0x23c: {  	s10 =	sshll.u32 s0, $0x7;
	s0 =	smov.u32 s14;
	v12 =	vld.idx.msk [tilespmem:v18+s22+$0x0], $0xffff  }
0x23d: {  	s14 =	sshll.u32 s16, $0x7;
	s10 =	sand.u32 $0x3FFFFC00, s10;
	s11 =	sshll.u32 s0, $0x4;
	v13 =	vld.idx.msk [tilespmem:v17+s22+$0x0], $0xffff  }
0x23e: {  	s10 =	sor.u32 s14, s10;
	s11 =	sand.u32 $0xFFFFFF80, s11;
	v9 =	vld.idx.msk [tilespmem:v9+s22+$0x0], $0xffff  }
0x23f: {  	_ =	sdelay $0x2  }
0x240: {  	v16 =	vmov s11;
	s1 =	sadd.s32 $0x12800, s10  }
0x241: {  	v15 =	vld.idx.msk [tilespmem:v15+s22+$0x0], $0xffff;
	v16 =	vshll.u32 v16, $0x5;
	[tilespmem:s1+$0x50] =	vst v14  }
0x242: {  	s31 =	sand.u32 $0x7, s0;
	[tilespmem:s1+$0x70] =	vst v11;
	v14 =	vor.u32 v5, v16  }
0x243: {  	[tilespmem:s1+$0x40] =	vst v12;
	v12 =	vor.u32 v3, v16;
	v11 =	vor.u32 s31, v14  }
0x244: {  	[tilespmem:s10+$0x12800] =	vst v10;
	v14 =	vor.u32 v1, v16;
	v12 =	vor.u32 s31, v12;
	v11 =	vor.u32 $0x8, v11  }
0x245: {  	[tilespmem:s1+$0x60] =	vst v13;
	v13 =	vor.u32 v0, v16;
	v14 =	vor.u32 s31, v14;
	v12 =	vor.u32 $0x8, v12  }
0x246: {  	[tilespmem:s1+$0x30] =	vst v8;
	v10 =	vor.u32 s31, v13;
	v13 =	vor.u32 v4, v16;
	v14 =	vor.u32 $0x8, v14  }
0x247: {  	[tilespmem:s1+$0x20] =	vst v9;
	v9 =	vor.u32 v7, v16;
	v8 =	vor.u32 $0x8, v10;
	v10 =	vor.u32 s31, v13  }
0x248: {  	v13 =	vor.u32 v2, v16;
	[tilespmem:s1+$0x10] =	vst v15;
	v9 =	vor.u32 s31, v9;
	v10 =	vor.u32 $0x8, v10  }
0x249: {  	v15 =	vor.u32 v6, v16;
	v13 =	vor.u32 s31, v13;
	v9 =	vor.u32 $0x8, v9;
	v11 =	vld.idx.msk [tilespmem:v11+s22+$0x0], $0xffff  }
0x24a: {  	v15 =	vor.u32 s31, v15;
	v13 =	vor.u32 $0x8, v13;
	v12 =	vld.idx.msk [tilespmem:v12+s22+$0x0], $0xffff  }
0x24b: {  	v15 =	vor.u32 $0x8, v15;
	v14 =	vld.idx.msk [tilespmem:v14+s22+$0x0], $0xffff  }
0x24c: {  	s10 =	sshll.u32 s0, $0x7;
	v8 =	vld.idx.msk [tilespmem:v8+s22+$0x0], $0xffff  }
0x24d: {  	s11 =	sshll.u32 s31, $0x7;
	s0 =	sand.u32 $0x3FFFFC00, s10;
	v10 =	vld.idx.msk [tilespmem:v10+s22+$0x0], $0xffff  }
0x24e: {  	s0 =	sor.u32 s11, s0;
	v9 =	vld.idx.msk [tilespmem:v9+s22+$0x0], $0xffff  }
0x24f: {  	s1 =	sadd.s32 $0x12800, s0;
	v13 =	vld.idx.msk [tilespmem:v13+s22+$0x0], $0xffff  }
0x250: {  	v15 =	vld.idx.msk [tilespmem:v15+s22+$0x0], $0xffff;
	[tilespmem:s1+$0x50] =	vst v12  }
0x251: {  	s14 =	simm.s32 $0x0;
	[tilespmem:s1+$0x70] =	vst v14  }
0x252: {  	s10 =	sand.u32 $0xFFFFFF80, s14;
	[tilespmem:s0+$0x12800] =	vst v8  }
0x253: {  	[tilespmem:s1+$0x40] =	vst v10;
	v10 =	vmov s10  }
0x254: {  	s16 =	simm.s32 $0x0;
	[tilespmem:s1+$0x30] =	vst v11;
	v12 =	vshll.u32 v10, $0x5  }
0x255: {  	s17 =	sand.u32 $0x7, s16;
	[tilespmem:s1+$0x10] =	vst v9;
	v8 =	vor.u32 v5, v12  }
0x256: {  	[tilespmem:s1+$0x60] =	vst v13;
	v9 =	vor.u32 v1, v12;
	v8 =	vor.u32 s17, v8  }
0x257: {  	s18 =	rddreg [dreg:$0x6];
	[tilespmem:s1+$0x20] =	vst v15;
	v10 =	vor.u32 v3, v12;
	v9 =	vor.u32 s17, v9;
	v8 =	vor.u32 $0x10, v8  }
0x258: {  	[hbm4b:s18+s16] =	stream.linear.scatter [tilespmem:s25], [sflag:$0x4], $0x2000, $0x38;
	v11 =	vor.u32 v0, v12;
	v10 =	vor.u32 s17, v10;
	v9 =	vor.u32 $0x10, v9;
	[tilespmem:$0x14800] =	vst v63  }
0x259: {  	v13 =	vor.u32 v4, v12;
	_ =	swait.ge [sflag:s26], $0x2000;
	v11 =	vor.u32 s17, v11;
	v10 =	vor.u32 $0x10, v10  }
0x25a: {  	[sflag:s26] =	ssyncset.done $0x0;
	v15 =	vor.u32 $0x10, v11;
	v11 =	vor.u32 s17, v13;
	v13 =	vor.u32 v2, v12  }
0x25b: {  	[sflag:s26] =	ssyncadd.s32 $0xFFFFE000;
	v16 =	vor.u32 $0x10, v11;
	v11 =	vor.u32 s17, v13;
	v13 =	vor.u32 v6, v12  }
0x25c: {  	v17 =	vor.u32 $0x10, v11;
	v11 =	vor.u32 s17, v13;
	v8 =	vld.idx.msk [tilespmem:v8+s22+$0x0], $0xffff  }
0x25d: {  	v18 =	vor.u32 $0x10, v11;
	v11 =	vld.idx.msk [tilespmem:v9+s22+$0x0], $0xffff;
	v9 =	vor.u32 v7, v12  }
0x25e: {  	v14 =	vld.idx.msk [tilespmem:v10+s22+$0x0], $0xffff;
	v9 =	vor.u32 s17, v9  }
0x25f: {  	v10 =	vld.idx.msk [tilespmem:v15+s22+$0x0], $0xffff;
	v15 =	vor.u32 $0x10, v9  }
0x260: {  	s19 =	simm.s32 $0x0;
	s31 =	simm.s32 $0x10;
	v12 =	vld.idx.msk [tilespmem:v16+s22+$0x0], $0xffff  }
0x261: {  	s14 =	sand.u32 $0x3FFFFC00, s19;
	s11 =	sand.u32 $0xFFFFFF80, s31;
	s10 =	sshll.u32 s17, $0x7;
	v13 =	vld.idx.msk [tilespmem:v17+s22+$0x0], $0xffff  }
0x262: {  	s0 =	simm.s32 $0x1;
	s1 =	simm.s32 $0x2;
	s10 =	sor.u32 s10, s14;
	v9 =	vld.idx.msk [tilespmem:v18+s22+$0x0], $0xffff  }
.LBB2_25:
0x263: {  	p0 =	sne.s32 s1, $0x3F  }
0x264: {  	v16 =	vmov s11;
	v15 =	vld.idx.msk [tilespmem:v15+s22+$0x0], $0xffff;
	s11 =	sadd.s32 $0x10800, s10;
	s14 =	smov.u32 s1;
	s1 =	sadd.s32 $0x1, s1  }
0x265: {  	v16 =	vshll.u32 v16, $0x5;
	[tilespmem:s11+$0x50] =	vst v14  }
0x266: {  	s16 =	sand.u32 $0x7, s0;
	v14 =	vor.u32 v0, v16;
	v17 =	vor.u32 v5, v16;
	v18 =	vor.u32 v3, v16;
	[tilespmem:s11+$0x70] =	vst v11  }
0x267: {  	v11 =	vor.u32 s16, v14;
	v14 =	vor.u32 s16, v17;
	v17 =	vor.u32 v1, v16;
	[tilespmem:s11+$0x40] =	vst v12  }
0x268: {  	v12 =	vor.u32 $0x10, v11;
	v11 =	vor.u32 $0x10, v14;
	v14 =	vor.u32 s16, v17;
	[tilespmem:s11+$0x60] =	vst v13  }
0x269: {  	v13 =	vor.u32 v4, v16;
	v17 =	vor.u32 s16, v18;
	v14 =	vor.u32 $0x10, v14;
	[tilespmem:s10+$0x10800] =	vst v10  }
0x26a: {  	v10 =	vor.u32 s16, v13;
	v13 =	vor.u32 $0x10, v17;
	v17 =	vor.u32 v2, v16;
	[tilespmem:s11+$0x30] =	vst v8  }
0x26b: {  	v8 =	vor.u32 v7, v16;
	v18 =	vor.u32 $0x10, v10;
	v10 =	vor.u32 s16, v17;
	[tilespmem:s11+$0x10] =	vst v15  }
0x26c: {  	v16 =	vor.u32 v6, v16;
	v8 =	vor.u32 s16, v8;
	v17 =	vor.u32 $0x10, v10;
	[tilespmem:s11+$0x20] =	vst v9  }
0x26d: {  	v15 =	vor.u32 $0x10, v8;
	v9 =	vor.u32 s16, v16;
	v8 =	vld.idx.msk [tilespmem:v11+s22+$0x0], $0xffff  }
0x26e: {  	v9 =	vor.u32 $0x10, v9;
	v11 =	vld.idx.msk [tilespmem:v14+s22+$0x0], $0xffff  }
.Ltmp12:
0x26f: {  	v14 =	vld.idx.msk [tilespmem:v13+s22+$0x0], $0xffff;
	(pc) =	sbr.rel @p0 .LBB2_25-.Ltmp12, $4  }
0x270: {  	v10 =	vld.idx.msk [tilespmem:v12+s22+$0x0], $0xffff  }
0x271: {  	s10 =	sshll.u32 s0, $0x7;
	s0 =	smov.u32 s14;
	v12 =	vld.idx.msk [tilespmem:v18+s22+$0x0], $0xffff  }
0x272: {  	s14 =	sshll.u32 s16, $0x7;
	s10 =	sand.u32 $0x3FFFFC00, s10;
	s11 =	sshll.u32 s0, $0x4;
	v13 =	vld.idx.msk [tilespmem:v17+s22+$0x0], $0xffff  }
0x273: {  	s10 =	sor.u32 s14, s10;
	s11 =	sand.u32 $0xFFFFFF80, s11;
	v9 =	vld.idx.msk [tilespmem:v9+s22+$0x0], $0xffff  }
0x274: {  	_ =	sdelay $0x2  }
0x275: {  	v16 =	vmov s11;
	s1 =	sadd.s32 $0x10800, s10  }
0x276: {  	v15 =	vld.idx.msk [tilespmem:v15+s22+$0x0], $0xffff;
	v16 =	vshll.u32 v16, $0x5;
	[tilespmem:s1+$0x50] =	vst v14  }
0x277: {  	s31 =	sand.u32 $0x7, s0;
	[tilespmem:s1+$0x70] =	vst v11;
	v14 =	vor.u32 v5, v16  }
0x278: {  	[tilespmem:s1+$0x40] =	vst v12;
	v12 =	vor.u32 v3, v16;
	v11 =	vor.u32 s31, v14  }
0x279: {  	[tilespmem:s10+$0x10800] =	vst v10;
	v14 =	vor.u32 v1, v16;
	v12 =	vor.u32 s31, v12;
	v11 =	vor.u32 $0x10, v11  }
0x27a: {  	[tilespmem:s1+$0x60] =	vst v13;
	v13 =	vor.u32 v0, v16;
	v14 =	vor.u32 s31, v14;
	v12 =	vor.u32 $0x10, v12  }
0x27b: {  	[tilespmem:s1+$0x30] =	vst v8;
	v10 =	vor.u32 s31, v13;
	v13 =	vor.u32 v4, v16;
	v14 =	vor.u32 $0x10, v14  }
0x27c: {  	[tilespmem:s1+$0x20] =	vst v9;
	v9 =	vor.u32 v7, v16;
	v8 =	vor.u32 $0x10, v10;
	v10 =	vor.u32 s31, v13  }
0x27d: {  	v13 =	vor.u32 v2, v16;
	[tilespmem:s1+$0x10] =	vst v15;
	v9 =	vor.u32 s31, v9;
	v10 =	vor.u32 $0x10, v10  }
0x27e: {  	v15 =	vor.u32 v6, v16;
	v13 =	vor.u32 s31, v13;
	v9 =	vor.u32 $0x10, v9;
	v11 =	vld.idx.msk [tilespmem:v11+s22+$0x0], $0xffff  }
0x27f: {  	v15 =	vor.u32 s31, v15;
	v13 =	vor.u32 $0x10, v13;
	v12 =	vld.idx.msk [tilespmem:v12+s22+$0x0], $0xffff  }
0x280: {  	v15 =	vor.u32 $0x10, v15;
	v14 =	vld.idx.msk [tilespmem:v14+s22+$0x0], $0xffff  }
0x281: {  	s10 =	sshll.u32 s0, $0x7;
	v8 =	vld.idx.msk [tilespmem:v8+s22+$0x0], $0xffff  }
0x282: {  	s11 =	sshll.u32 s31, $0x7;
	s0 =	sand.u32 $0x3FFFFC00, s10;
	v10 =	vld.idx.msk [tilespmem:v10+s22+$0x0], $0xffff  }
0x283: {  	s0 =	sor.u32 s11, s0;
	v9 =	vld.idx.msk [tilespmem:v9+s22+$0x0], $0xffff  }
0x284: {  	s1 =	sadd.s32 $0x10800, s0;
	v13 =	vld.idx.msk [tilespmem:v13+s22+$0x0], $0xffff  }
0x285: {  	v15 =	vld.idx.msk [tilespmem:v15+s22+$0x0], $0xffff;
	[tilespmem:s1+$0x50] =	vst v12  }
0x286: {  	s14 =	simm.s32 $0x0;
	[tilespmem:s1+$0x70] =	vst v14  }
0x287: {  	s10 =	sand.u32 $0xFFFFFF80, s14;
	[tilespmem:s0+$0x10800] =	vst v8  }
0x288: {  	[tilespmem:s1+$0x40] =	vst v10;
	v10 =	vmov s10  }
0x289: {  	s16 =	simm.s32 $0x0;
	[tilespmem:s1+$0x30] =	vst v11;
	v12 =	vshll.u32 v10, $0x5  }
0x28a: {  	s17 =	sand.u32 $0x7, s16;
	[tilespmem:s1+$0x10] =	vst v9;
	v8 =	vor.u32 v5, v12  }
0x28b: {  	[tilespmem:s1+$0x60] =	vst v13;
	v9 =	vor.u32 v1, v12;
	v8 =	vor.u32 s17, v8  }
0x28c: {  	s18 =	rddreg [dreg:$0x7];
	[tilespmem:s1+$0x20] =	vst v15;
	v10 =	vor.u32 v3, v12;
	v9 =	vor.u32 s17, v9;
	v8 =	vor.u32 $0x18, v8  }
0x28d: {  	[hbm4b:s18+s16] =	stream.linear.scatter [tilespmem:s24], [sflag:$0x3], $0x2000, $0x38;
	v11 =	vor.u32 v0, v12;
	v10 =	vor.u32 s17, v10;
	v9 =	vor.u32 $0x18, v9;
	[tilespmem:$0x14800] =	vst v63  }
0x28e: {  	v13 =	vor.u32 v4, v12;
	_ =	swait.ge [sflag:s28], $0x2000;
	v11 =	vor.u32 s17, v11;
	v10 =	vor.u32 $0x18, v10  }
0x28f: {  	[sflag:s28] =	ssyncset.done $0x0;
	v15 =	vor.u32 $0x18, v11;
	v11 =	vor.u32 s17, v13;
	v13 =	vor.u32 v2, v12  }
0x290: {  	[sflag:s28] =	ssyncadd.s32 $0xFFFFE000;
	v16 =	vor.u32 $0x18, v11;
	v11 =	vor.u32 s17, v13;
	v13 =	vor.u32 v6, v12  }
0x291: {  	v17 =	vor.u32 $0x18, v11;
	v11 =	vor.u32 s17, v13;
	v8 =	vld.idx.msk [tilespmem:v8+s22+$0x0], $0xffff  }
0x292: {  	v18 =	vor.u32 $0x18, v11;
	v11 =	vld.idx.msk [tilespmem:v9+s22+$0x0], $0xffff;
	v9 =	vor.u32 v7, v12  }
0x293: {  	v14 =	vld.idx.msk [tilespmem:v10+s22+$0x0], $0xffff;
	v9 =	vor.u32 s17, v9  }
0x294: {  	v10 =	vld.idx.msk [tilespmem:v15+s22+$0x0], $0xffff;
	v15 =	vor.u32 $0x18, v9  }
0x295: {  	s19 =	simm.s32 $0x0;
	s31 =	simm.s32 $0x10;
	v12 =	vld.idx.msk [tilespmem:v16+s22+$0x0], $0xffff  }
0x296: {  	s14 =	sand.u32 $0x3FFFFC00, s19;
	s11 =	sand.u32 $0xFFFFFF80, s31;
	s10 =	sshll.u32 s17, $0x7;
	v13 =	vld.idx.msk [tilespmem:v17+s22+$0x0], $0xffff  }
0x297: {  	s0 =	simm.s32 $0x1;
	s1 =	simm.s32 $0x2;
	s10 =	sor.u32 s10, s14;
	v9 =	vld.idx.msk [tilespmem:v18+s22+$0x0], $0xffff  }
.LBB2_27:
0x298: {  	p0 =	sne.s32 s1, $0x3F  }
0x299: {  	v16 =	vmov s11;
	v15 =	vld.idx.msk [tilespmem:v15+s22+$0x0], $0xffff;
	s11 =	sadd.s32 $0x12800, s10;
	s14 =	smov.u32 s1;
	s1 =	sadd.s32 $0x1, s1  }
0x29a: {  	v16 =	vshll.u32 v16, $0x5;
	[tilespmem:s11+$0x50] =	vst v14  }
0x29b: {  	s16 =	sand.u32 $0x7, s0;
	v14 =	vor.u32 v0, v16;
	v17 =	vor.u32 v5, v16;
	v18 =	vor.u32 v3, v16;
	[tilespmem:s11+$0x70] =	vst v11  }
0x29c: {  	v11 =	vor.u32 s16, v14;
	v14 =	vor.u32 s16, v17;
	v17 =	vor.u32 v1, v16;
	[tilespmem:s11+$0x40] =	vst v12  }
0x29d: {  	v12 =	vor.u32 $0x18, v11;
	v11 =	vor.u32 $0x18, v14;
	v14 =	vor.u32 s16, v17;
	[tilespmem:s11+$0x60] =	vst v13  }
0x29e: {  	v13 =	vor.u32 v4, v16;
	v17 =	vor.u32 s16, v18;
	v14 =	vor.u32 $0x18, v14;
	[tilespmem:s10+$0x12800] =	vst v10  }
0x29f: {  	v10 =	vor.u32 s16, v13;
	v13 =	vor.u32 $0x18, v17;
	v17 =	vor.u32 v2, v16;
	[tilespmem:s11+$0x30] =	vst v8  }
0x2a0: {  	v8 =	vor.u32 v7, v16;
	v18 =	vor.u32 $0x18, v10;
	v10 =	vor.u32 s16, v17;
	[tilespmem:s11+$0x10] =	vst v15  }
0x2a1: {  	v16 =	vor.u32 v6, v16;
	v8 =	vor.u32 s16, v8;
	v17 =	vor.u32 $0x18, v10;
	[tilespmem:s11+$0x20] =	vst v9  }
0x2a2: {  	v15 =	vor.u32 $0x18, v8;
	v9 =	vor.u32 s16, v16;
	v8 =	vld.idx.msk [tilespmem:v11+s22+$0x0], $0xffff  }
0x2a3: {  	v9 =	vor.u32 $0x18, v9;
	v11 =	vld.idx.msk [tilespmem:v14+s22+$0x0], $0xffff  }
.Ltmp13:
0x2a4: {  	v14 =	vld.idx.msk [tilespmem:v13+s22+$0x0], $0xffff;
	(pc) =	sbr.rel @p0 .LBB2_27-.Ltmp13, $4  }
0x2a5: {  	v10 =	vld.idx.msk [tilespmem:v12+s22+$0x0], $0xffff  }
0x2a6: {  	s10 =	sshll.u32 s0, $0x7;
	s0 =	smov.u32 s14;
	v12 =	vld.idx.msk [tilespmem:v18+s22+$0x0], $0xffff  }
0x2a7: {  	s14 =	sshll.u32 s16, $0x7;
	s10 =	sand.u32 $0x3FFFFC00, s10;
	s11 =	sshll.u32 s0, $0x4;
	v13 =	vld.idx.msk [tilespmem:v17+s22+$0x0], $0xffff  }
0x2a8: {  	s10 =	sor.u32 s14, s10;
	s11 =	sand.u32 $0xFFFFFF80, s11;
	v9 =	vld.idx.msk [tilespmem:v9+s22+$0x0], $0xffff  }
0x2a9: {  	_ =	sdelay $0x2  }
0x2aa: {  	v16 =	vmov s11;
	s1 =	sadd.s32 $0x12800, s10  }
0x2ab: {  	v15 =	vld.idx.msk [tilespmem:v15+s22+$0x0], $0xffff;
	v16 =	vshll.u32 v16, $0x5;
	[tilespmem:s1+$0x50] =	vst v14  }
0x2ac: {  	s16 =	sand.u32 $0x7, s0;
	[tilespmem:s1+$0x70] =	vst v11;
	v53 =	vor.u32 v5, v16  }
0x2ad: {  	[tilespmem:s10+$0x12800] =	vst v10;
	v55 =	vor.u32 v1, v16;
	v54 =	vor.u32 s16, v53  }
0x2ae: {  	[tilespmem:s1+$0x40] =	vst v12;
	v56 =	vor.u32 v3, v16;
	v14 =	vor.u32 s16, v55;
	v11 =	vor.u32 $0x18, v54  }
0x2af: {  	v57 =	vor.u32 v0, v16;
	[tilespmem:s1+$0x30] =	vst v8;
	v12 =	vor.u32 s16, v56;
	v14 =	vor.u32 $0x18, v14  }
0x2b0: {  	v59 =	vor.u32 v4, v16;
	[tilespmem:s1+$0x60] =	vst v13;
	v58 =	vor.u32 s16, v57;
	v12 =	vor.u32 $0x18, v12  }
0x2b1: {  	v61 =	vor.u32 v2, v16;
	v60 =	vor.u32 s16, v59;
	v8 =	vor.u32 $0x18, v58;
	[tilespmem:s1+$0x20] =	vst v9  }
0x2b2: {  	v63 =	vor.u32 v7, v16;
	v13 =	vor.u32 s16, v61;
	v10 =	vor.u32 $0x18, v60;
	[tilespmem:s1+$0x10] =	vst v15  }
0x2b3: {  	v62 =	vor.u32 v6, v16;
	v13 =	vor.u32 $0x18, v13;
	v9 =	vor.u32 s16, v63;
	v11 =	vld.idx.msk [tilespmem:v11+s22+$0x0], $0xffff  }
0x2b4: {  	v15 =	vor.u32 s16, v62;
	v9 =	vor.u32 $0x18, v9;
	v14 =	vld.idx.msk [tilespmem:v14+s22+$0x0], $0xffff  }
0x2b5: {  	v15 =	vor.u32 $0x18, v15;
	v12 =	vld.idx.msk [tilespmem:v12+s22+$0x0], $0xffff  }
0x2b6: {  	s17 =	sshll.u32 s0, $0x7;
	v8 =	vld.idx.msk [tilespmem:v8+s22+$0x0], $0xffff  }
0x2b7: {  	s0 =	sand.u32 $0x3FFFFC00, s17;
	s18 =	sshll.u32 s16, $0x7;
	v10 =	vld.idx.msk [tilespmem:v10+s22+$0x0], $0xffff  }
0x2b8: {  	s0 =	sor.u32 s18, s0;
	v13 =	vld.idx.msk [tilespmem:v13+s22+$0x0], $0xffff  }
0x2b9: {  	s1 =	sadd.s32 $0x12800, s0;
	v9 =	vld.idx.msk [tilespmem:v9+s22+$0x0], $0xffff  }
0x2ba: {  	v15 =	vld.idx.msk [tilespmem:v15+s22+$0x0], $0xffff;
	[tilespmem:s1+$0x50] =	vst v12  }
0x2bb: {  	[tilespmem:s1+$0x70] =	vst v14  }
0x2bc: {  	[tilespmem:s1+$0x40] =	vst v10  }
0x2bd: {  	[tilespmem:s1+$0x60] =	vst v13  }
0x2be: {  	[tilespmem:s0+$0x12800] =	vst v8  }
0x2bf: {  	[tilespmem:s1+$0x30] =	vst v11  }
0x2c0: {  	[tilespmem:s1+$0x10] =	vst v9  }
0x2c1: {  	s19 =	rddreg [dreg:$0x8];
	[tilespmem:s1+$0x20] =	vst v15  }
0x2c2: {  	[hbm4b:s19+s3] =	stream.linear.scatter [tilespmem:s25], [sflag:$0x4], $0x2000, $0x38;
	[tilespmem:$0x14800] =	vst v63  }
0x2c3: {  	_ =	swait.ge [sflag:s26], $0x2000  }
0x2c4: {  	[sflag:s26] =	ssyncset.done $0x0  }
0x2c5: {  	[sflag:s26] =	ssyncadd.s32 $0xFFFFE000  }
0x2c6: {  	_ =	swait.ge [sflag:s28], $0x2000  }
0x2c7: {  	s30 =	sadd.s32 $0x1, s30;
	s31 =	rddreg [dreg:$0x9]  }
0x2c8: {  	p0 =	sne.s32 s30, s31  }
.Ltmp14:
0x2c9: {  	_ = 	snop;
	(pc) =	sbr.rel @p0 .LBB2_1-.Ltmp14, $3  }
0x2ca: {  	_ =	sdelay $0x1  }
0x2cb: {  	[sflag:s28] =	ssyncset.done $0x0  }
0x2cc: {  	[sflag:s28] =	ssyncadd.s32 $0xFFFFE000  }
0x2cd: {  	_ =	sfence.sel $0x180000  }
0x2ce: {  	[bflag:$0x0] =	sbarrier.arrive $0xFFFF  }
0x2cf: {  	_ =	strace $0x9000004A  }
0x2d0: {  	s0 =	stileid.u32;
	[bflag:$0x2] =	sbarrier.arrive $0xFFFF  }
0x2d1: {  	p0 =	sne.s32 s0, $0x0;
	s0 =	rddreg [dreg:$0x2]  }
0x2d2: {  	s0 =	sadd.s32 @!p0 $0x100000, s0  }
0x2d3: {  	[sflag:s0] =	ssyncadd.tile.s32 @!p0 $0x1;
	_ =	shalt  }
.Lfunc_end2:
_tile_overlayer_lowered:
.L_overlay_start_2:
0x2d4: {  	(tag) =	ssettag $0x2  }
0x2d5: {  	s0 =	rddreg [dreg:$0x0];
	s2 =	stileid.u32  }
0x2d6: {  	s1 =	rddreg [dreg:$0x1];
	p0 =	sne.s32 s2, $0x0  }
0x2d7: {  	s3 =	rddreg [dreg:$0x2];
	[bflag:$0x3] =	sbarrier.arrive $0xFFFF;
	s2 =	simm.s32 @!p0 $0x1C05  }
0x2d8: {  	[timem:s3], [sflag:s2] =	dma.local @!p0 [hbm:s0], s1  }
0x2d9: {  	s0 =	simm.s32 @!p0 $0x5  }
0x2da: {  	_ =	swait.ge @!p0 [sflag:s0], s1  }
0x2db: {  	s1 =	ssub.s32 @!p0 $0x0, s1;
	[sflag:s0] =	ssyncset.done @!p0 $0x0  }
0x2dc: {  	[sflag:s0] =	ssyncadd.s32 @!p0 s1  }
0x2dd: {  	[bflag:$0x3] =	sbarrier.arrive $0xFFFF  }
0x2de: {  	_ =	shalt  }

// kernel: sparse-core-data-format-call.cloned.1.call-start
scs
called_computation_lowered:
.L_overlay_start_0:
0x0: {  	s2 =	sld [smem:$0x3FD9]  }
0x1: {  	s3 =	sld [smem:$0x3FFE];
	_ =	sdelay $0x1  }
0x2: {  	s1 =	srdreg.scid  }
0x3: {  	s0 =	sand.u32 $0x1, s1  }
0x4: {  	s18 =	sshll.u32 s0, $0xA;
	s2 =	sadd.s32 s3, s2  }
0x5: {  	s2 =	sadd.s32 s2, s18  }
0x6: {  	[smem:$0x3FC6] =	sst s2  }
0x7: {  	_ = 	snop  }
0x8: {  	s2 =	sld [smem:$0x3FC8];
	(tm) =	ssettm $0x1  }
0x9: {  	s19 =	sld [smem:$0x3FFB];
	_ =	sdelay $0x3  }
0xa: {  	_ =	strace s19  }
0xb: {  	s3 =	sld [smem:$0x3FFC];
	_ =	sdelay $0x3  }
0xc: {  	_ =	strace s3  }
0xd: {  	s3 =	sld [smem:$0x3FFD];
	_ =	sdelay $0x3  }
0xe: {  	_ =	strace s3  }
0xf: {  	_ =	strace $0x8FFFFFFF  }
0x10: {  	s20 =	sld [smem:$0x3FDB];
	_ =	sdelay $0x1  }
0x11: {  	s4 =	simm.s32 $_scs_section_size  }
0x12: {  	s5 =	simm.s32 $_size__tile_overlayer_lowered;
	s6 =	simm.s32 $_tile_overlayer_lowered  }
0x13: {  	s23 =	simm.s32 $0x1BFF;
	s22 =	sshll.u32 s6, $0x1;
	s3 =	sadd.s32 s4, s20  }
0x14: {  	s7 =	simm.s32 $0x0;
	s21 =	sshll.u32 s5, $0x1;
	s5 =	sadd.s32 s22, s3  }
0x15: {  	[timem:s7], [sflag:s23] =	dma.local [hbm:s5], s21  }
0x16: {  	_ =	swait.ge [sflag:s23], s21  }
0x17: {  	s4 =	ssub.s32 $0x0, s21;
	[sflag:s23] =	ssyncset.done $0x0  }
0x18: {  	[sflag:s23] =	ssyncadd.s32 s4;
	_ =	sdelay $0x1  }
0x19: {  	s24 =	simm.s32 $0x1B8B  }
0x1a: {  	_ =	swait.ge [sflag:s24], $0x1  }
0x1b: {  	[sflag:s24] =	ssyncset.done $0x0  }
0x1c: {  	s26 =	simm.s32 $0x1B8E;
	s25 =	sld [smem:$0x3FFE];
	[sflag:s24] =	ssyncadd.s32 $0xFFFFFFFF  }
0x1d: {  	s27 =	simm.s32 $execute0_lowered;
	[smem:$0x3FD2] =	sst s26  }
0x1e: {  	s5 =	sshll.u32 s27, $0x1;
	_ =	strace $0x80000046;
	[dreg:$0x1] =	wrdreg $0xFFFFFFFF  }
0x1f: {  	s28 =	simm.s32 $_size_execute0_lowered;
	s3 =	sadd.s32 s3, s5;
	[dreg:$0x0] =	wrdreg $0x0  }
0x20: {  	s5 =	sshll.u32 s28, $0x1;
	[dreg:$0x2] =	wrdreg s3  }
0x21: {  	[dreg:$0x3] =	wrdreg s5  }
0x22: {  	[dreg:$0x4] =	wrdreg $0xC0  }
0x23: {  	_ =	task [dreg:s7], $0x5FFFF  }
0x24: {  	[dreg:$0x1] =	wrdreg $0xFFFFFFFF  }
0x25: {  	[dreg:$0x0] =	wrdreg $0x60  }
0x26: {  	[dreg:$0x2] =	wrdreg s2  }
0x27: {  	[dreg:$0x3] =	wrdreg s25  }
0x28: {  	[dreg:$0x4] =	wrdreg $0x9  }
0x29: {  	_ =	task.clear_ibuf [dreg:s7], $0x5FFFF;
	_ =	strace $0x90000046  }
0x2a: {  	s29 =	simm.s32 $0x9;
	_ =	strace $0x80000048  }
0x2b: {  	_ =	swait.ge [sflag:s29], $0x1  }
0x2c: {  	[sflag:s29] =	ssyncadd.s32 $0xFFFFFFFF  }
0x2d: {  	_ =	strace $0x90000048  }
0x2e: {  	_ =	sfence  }
0x2f: {  	s30 =	sld [smem:$0x0];
	_ =	sdelay $0x2  }
0x30: {  	s31 =	sshll.u32 s1, $0xD;
	s1 =	sshrl.u32 s1, $0x2  }
0x31: {  	s3 =	sand.u32 $0x4000, s31;
	s1 =	sadd.s32 s1, s30  }
0x32: {  	s0 =	sor.u32 s3, s0;
	s1 =	sshll.u32 s1, $0x11  }
0x33: {  	s0 =	sor.u32 s1, s0  }
0x34: {  	s0 =	sadd.s32 $0x8F2B, s0  }
0x35: {  	[sflag:s0] =	ssyncadd.remote.s32 $0x1  }
0x36: {  	_ =	sfence.sel $0xFFFF  }
0x37: {  	[dreg:$0x0] =	wrdreg $0xFFFFFFFF;
	(pc) =	sbr.abs _section_cstart, $3  }
0x38: {  	[dreg:$0x1] =	wrdreg $0xFFFFFFFF  }
0x39: {  	_ =	task.clear_ibuf [dreg:s7], $0x2FFFF;
	_ =	strace $0x9FFFFFFF  }
0x3a: {  	(tm) =	ssettm $0x7FFFFFFF  }
0x3b: {  	_ =	shalt  }
tec
execute0_lowered:
.L_overlay_start_1:
0x0: {  	(tag) =	ssettag $0x1  }
0x1: {  	s0 =	srdreg.scid;
	s2 =	rddreg [dreg:$0x0]  }
0x2: {  	s5 =	rddreg [dreg:$0x1];
	s1 =	stileid.u32  }
0x3: {  	s4 =	simm.s32 $0x1;
	s6 =	simm.s32 $0x2;
	s15 =	simm.s32 $0x0  }
0x4: {  	p0 =	por $0x0, $0x0;
	s8 =	simm.s32 $0x80;
	s0 =	sshll.u32 s0, $0x4  }
0x5: {  	s14 =	simm.s32 $0x0;
	s9 =	simm.s32 $0x0;
	s3 =	sand.u32 $0x10, s0  }
.Ltmp0:
0x6: {  	s10 =	simm.s32 $0x0;
	s3 =	sor.u32 s1, s3;
	(pc) =	sbr.rel .LBB1_1-.Ltmp0, $4  }
0x7: {  	s0 =	rddreg [dreg:$0x2];
	_ =	strace $0x80000047;
	s3 =	sshll.u32 s3, $0x7  }
0x8: {  	s12 =	simm.s32 $0x0;
	[sflag:s4] =	ssyncpa.u1 $0x0;
	s7 =	ssub.s32 $0xF4200, s3  }
0x9: {  	s13 =	simm.s32 $0x0;
	[sflag:s6] =	ssyncpa.u1 $0x0;
	s6 =	sshrl.u32 s7, $0xC  }
0xa: {  	s5 =	sadd.s32 $0xA00, s5;
	s11 =	smov.u32 s3;
	s7 =	sadd.s32 $0x2, s6  }
.LBB1_5:
0xb: {  	p1 =	slt.u32 s13, $0x2  }
0xc: {  	s17 =	smov.u32 s15;
	p2 =	sgt.s32 @!p1 s15, $0xF41C0;
	s16 =	sshra.s32 @!p1 s15, $0x1F  }
0xd: {  	p3 =	sgt.s32 @!p1 s14, $0x60;
	s18 =	sshra.s32 @!p1 s14, $0x1F;
	p2 =	por !p2, p1  }
0xe: {  	s15 =	sand.u32 @!p1 s16, s15;
	p3 =	por !p3, p1;
	s16 =	smov.u32 s14  }
0xf: {  	s14 =	sand.u32 @!p1 s18, s14;
	s17 =	simm.s32 @p2 $0xF41C0;
	s16 =	simm.s32 @p3 $0x60  }
0x10: {  	s15 =	ssub.s32 @!p1 s17, s15;
	s14 =	ssub.s32 @!p1 s16, s14  }
0x11: {  	s18 =	smov.u32 s12;
	s16 =	sadd.s32 @!p1 $0xFFF0BE40, s15;
	s17 =	sadd.s32 @!p1 $0xFFFFFFA0, s14  }
0x12: {  	s15 =	ssub.s32 @!p1 $0xF4240, s15;
	p2 =	sgt.s32 @!p1 s16, $0x7F;
	p3 =	sgt.s32 @!p1 s17, $0x1F  }
0x13: {  	s14 =	ssub.s32 @!p1 $0x80, s14;
	p2 =	por !p2, p1;
	p3 =	por !p3, p1  }
0x14: {  	s16 =	sadd.s32 $0x1000, s11;
	s15 =	simm.s32 @!p2 $0x0;
	s14 =	simm.s32 @!p3 $0x0  }
0x15: {  	p2 =	sgt.s32 s16, $0xF423F;
	s14 =	smul.u32 @!p1 s14, s15;
	s15 =	sadd.s32 $0x20, s12  }
0x16: {  	s18 =	smov.u32 @p2 s15  }
0x17: {  	s16 =	smov.u32 @p2 s3;
	p2 =	sgt.s32 s18, $0x1F  }
0x18: {  	s18 =	simm.s32 @p2 $0x0;
	p2 =	sne.s32 s13, s7  }
.Ltmp1:
0x19: {  	p0 =	por !p0, !p0;
	s17 =	simm.s32 @!p1 $0x2;
	(pc) =	sbr.rel @!p2 .LBB1_6-.Ltmp1, $4  }
0x1a: {  	s15 =	smov.u32 s9;
	s9 =	smov.u32 s11;
	s14 =	sand.u32 @!p1 $0x3FFFFFFF, s14  }
0x1b: {  	s11 =	smov.u32 s16;
	_ =	swait.ge @!p1 [sflag:s17], s14;
	s19 =	ssub.s32 @!p1 $0x0, s14  }
0x1c: {  	s14 =	smov.u32 s10;
	s13 =	sadd.s32 $0x1, s13;
	[sflag:s17] =	ssyncset.done @!p1 $0x0  }
0x1d: {  	s10 =	smov.u32 s12;
	s12 =	smov.u32 s18;
	[sflag:s17] =	ssyncadd.s32 @!p1 s19  }
.LBB1_1:
0x1e: {  	p1 =	sgt.u32 s13, s6  }
0x1f: {  	s16 =	sshrl.u32 @!p1 s12, $0x3  }
0x20: {  	s17 =	sshll.u32 @!p1 s11, $0x3;
	s16 =	smul.u32 @!p1 $0x7A1400, s16  }
0x21: {  	s18 =	sshll.u32 @!p1 s12, $0x7;
	s17 =	sand.u32 @!p1 $0xFFFFFC00, s17  }
0x22: {  	s16 =	sadd.s32 @!p1 s16, s17;
	s17 =	sand.u32 @!p1 $0x380, s18  }
0x23: {  	s18 =	sand.u32 @!p1 $0x7F, s11;
	s16 =	sor.u32 @!p1 s17, s16  }
0x24: {  	s17 =	sor.u32 @!p1 s18, s16  }
0x25: {  	s18 =	smulhi.u32 @!p1 $0x218D6287, s17;
	_ =	sdelay $0x1  }
0x26: {  	s16 =	smulhi.u32 @!p1 $0x218D6287, s16;
	s18 =	sshrl.u32 @!p1 s18, $0x11  }
0x27: {  	s18 =	smul.u32 @!p1 $0xF4280, s18  }
0x28: {  	s19 =	sxor.u32 @!p1 $0xFFFFFFFF, s13;
	s16 =	sshrl.u32 @!p1 s16, $0x11  }
0x29: {  	s19 =	sshll.u32 @!p1 s19, $0xC;
	s16 =	sand.u32 @!p1 $0x1F, s16;
	s17 =	ssub.s32 @!p1 s17, s18  }
0x2a: {  	s16 =	smul.u32 @!p1 $0x1E850, s16;
	s18 =	sshrl.u32 @!p1 s17, $0x3;
	s17 =	sand.u32 @!p1 $0x7, s17  }
0x2b: {  	s19 =	sand.u32 @!p1 $0x1000, s19;
	s18 =	sadd.s32 @!p1 s2, s18;
	s17 =	sshll.u32 @!p1 s17, $0x12  }
0x2c: {  	s16 =	sadd.s32 @!p1 s16, s18;
	s17 =	sor.u32 @!p1 $0x400, s17;
	s18 =	simm.s32 @!p1 $0x7A1400  }
0x2d: {  	[tilespmem:s19], [sflag:$0x1] =	stream.strided.gather @!p1 [hbm4b:s16+s17], $0x1000, s18, s17, $0x38;
	[tilespmem:$0x4100] =	vst v63  }
0x2e: {  	p1 =	seq.s32 s13, $0x0  }
0x2f: {  	p2 =	sge.u32 @!p1 s13, s7  }
0x30: {  	p1 =	por p1, p2  }
.Ltmp2:
0x31: {  	_ = 	snop;
	(pc) =	sbr.rel @p1 .LBB1_5-.Ltmp2, $1  }
0x32: {  	_ =	sdelay $0x3  }
0x33: {  	s16 =	simm.s32 $0x1  }
0x34: {  	_ =	swait.ge [sflag:s4], $0x1000;
	s16 =	simm.s32 @!p0 $0x0  }
0x35: {  	[sflag:s4] =	ssyncset.done $0x0;
	s17 =	sshll.u32 s16, $0xC  }
0x36: {  	[sflag:s4] =	ssyncadd.s32 $0xFFFFF000;
	s17 =	sor.u32 $0x40, s17  }
0x37: {  	s16 =	smul.u32 $0x4200, s16;
	v0 =	vld [tilespmem:s17+$0x30]  }
0x38: {  	v1 =	vld [tilespmem:s17+$0xFFFFFFD0]  }
0x39: {  	s16 =	sshrl.u32 s16, $0x2;
	v5 =	vld [tilespmem:s17+$0xFFFFFFE0]  }
0x3a: {  	v6 =	vld [tilespmem:s17+$0xFFFFFFF0];
	s19 =	sor.u32 $0x2000, s16  }
0x3b: {  	s31 =	sand.u32 $0x1, s13;
	v4 =	vld [tilespmem:s17+$0x0];
	s18 =	sadd.s32 $0x0, s19  }
0x3c: {  	v3 =	vld [tilespmem:s17+$0x10];
	s16 =	smul.u32 $0x4200, s31;
	[tilespmem:s18+$0xE70 ss:$0x21] =	vst.msk $0xffff, v0  }
0x3d: {  	v2 =	vld [tilespmem:s17+$0x20];
	[tilespmem:s18+$0x210 ss:$0x21] =	vst.msk $0xffff, v1  }
0x3e: {  	s16 =	sshrl.u32 s16, $0x2;
	v1 =	vld [tilespmem:s17+$0xFFFFFFC0];
	[tilespmem:s18+$0x420 ss:$0x21] =	vst.msk $0xffff, v5;
	s17 =	sadd.s32 $0x80, s17  }
0x3f: {  	s20 =	simm.s32 $0x4;
	s21 =	simm.s32 $0x8;
	s16 =	sor.u32 $0x2000, s16;
	[tilespmem:s18+$0x630 ss:$0x21] =	vst.msk $0xffff, v6;
	v0 =	vld [tilespmem:s17+$0x30]  }
.LBB1_3:
0x40: {  	p1 =	sne.s32 s21, $0x7C;
	v5 =	vld [tilespmem:s17+$0xFFFFFFD0];
	[tilespmem:s18+$0x840 ss:$0x21] =	vst.msk $0xffff, v4  }
0x41: {  	v6 =	vld [tilespmem:s17+$0xFFFFFFE0];
	[tilespmem:s18+$0xA50 ss:$0x21] =	vst.msk $0xffff, v3  }
0x42: {  	s22 =	sshra.s32 s20, $0x2;
	s20 =	smov.u32 s21;
	v7 =	vld [tilespmem:s17+$0xFFFFFFF0];
	[tilespmem:s18+$0xC60 ss:$0x21] =	vst.msk $0xffff, v2  }
.Ltmp3:
0x43: {  	v4 =	vld [tilespmem:s17+$0x0];
	[tilespmem:s18+$0x0 ss:$0x21] =	vst.msk $0xffff, v1;
	s18 =	sadd.s32 s22, s19;
	(pc) =	sbr.rel @p1 .LBB1_3-.Ltmp3, $4  }
0x44: {  	v3 =	vld [tilespmem:s17+$0x10];
	[tilespmem:s18+$0xE70 ss:$0x21] =	vst.msk $0xffff, v0  }
0x45: {  	[tilespmem:s18+$0x210 ss:$0x21] =	vst.msk $0xffff, v5;
	v2 =	vld [tilespmem:s17+$0x20]  }
0x46: {  	v1 =	vld [tilespmem:s17+$0xFFFFFFC0];
	[tilespmem:s18+$0x420 ss:$0x21] =	vst.msk $0xffff, v6;
	s17 =	sadd.s32 $0x80, s17  }
0x47: {  	s21 =	sadd.s32 $0x4, s21;
	v0 =	vld [tilespmem:s17+$0x30];
	[tilespmem:s18+$0x630 ss:$0x21] =	vst.msk $0xffff, v7  }
0x48: {  	s21 =	sshll.u32 s9, $0x7;
	s22 =	sshll.u32 s10, $0x3;
	s20 =	sshra.s32 s20, $0x2  }
0x49: {  	p1 =	sgt.s32 s9, $0xF41C0;
	s30 =	sshra.s32 s9, $0x1F;
	s25 =	sshra.s32 s10, $0x1F  }
0x4a: {  	v5 =	vld [tilespmem:s17+$0xFFFFFFD0];
	s28 =	sshrl.u32 s10, $0x3;
	s23 =	sand.u32 $0xFFFFFC00, s21;
	s22 =	sand.u32 $0xFFFFFC00, s22  }
0x4b: {  	[tilespmem:s18+$0x840 ss:$0x21] =	vst.msk $0xffff, v4;
	v58 =	vld [tilespmem:s17+$0xFFFFFFE0];
	s21 =	sand.u32 $0x380, s21;
	s19 =	sadd.s32 s20, s19;
	s22 =	sadd.s32 s22, s23  }
0x4c: {  	v59 =	vld [tilespmem:s17+$0xFFFFFFF0];
	[tilespmem:s18+$0xA50 ss:$0x21] =	vst.msk $0xffff, v3;
	s29 =	sor.u32 s21, s22;
	s21 =	smov.u32 s9;
	s22 =	sand.u32 s30, s9  }
0x4d: {  	v60 =	vld [tilespmem:s17+$0x0];
	[tilespmem:s18+$0xC60 ss:$0x21] =	vst.msk $0xffff, v2;
	s30 =	sand.u32 $0x7, s10;
	s20 =	sshrl.u32 s29, $0x7;
	s21 =	simm.s32 @!p1 $0xF41C0  }
0x4e: {  	v61 =	vld [tilespmem:s17+$0x10];
	[tilespmem:s18+$0x0 ss:$0x21] =	vst.msk $0xffff, v1;
	p1 =	sgt.s32 s10, $0x60;
	s24 =	ssub.s32 s21, s22;
	s21 =	smov.u32 s10  }
0x4f: {  	v62 =	vld [tilespmem:s17+$0x20];
	[tilespmem:s19+$0xE70 ss:$0x21] =	vst.msk $0xffff, v0;
	s31 =	smulhi.u32 $0x218DEF5, s20;
	s22 =	sand.u32 s25, s10;
	s21 =	simm.s32 @!p1 $0x60  }
0x50: {  	v63 =	vld [tilespmem:s17+$0xFFFFFFC0];
	[tilespmem:s19+$0x210 ss:$0x21] =	vst.msk $0xffff, v5;
	s26 =	sadd.s32 $0xFFF0BE40, s24;
	s17 =	ssub.s32 $0xF4240, s24;
	s21 =	ssub.s32 s21, s22  }
0x51: {  	[tilespmem:s19+$0x420 ss:$0x21] =	vst.msk $0xffff, v58;
	s23 =	sshrl.u32 s31, $0xD;
	p1 =	sgt.s32 s26, $0x7F;
	s27 =	sadd.s32 $0xFFFFFFA0, s21  }
0x52: {  	[tilespmem:s19+$0x630 ss:$0x21] =	vst.msk $0xffff, v59;
	s23 =	smul.u32 $0xF4240, s23;
	s18 =	ssub.s32 $0x80, s21;
	p2 =	sgt.s32 s27, $0x1F  }
.Ltmp4:
0x53: {  	[tilespmem:s19+$0x840 ss:$0x21] =	vst.msk $0xffff, v60;
	s17 =	simm.s32 @p1 $0x0;
	s18 =	simm.s32 @p2 $0x0;
	(pc) =	sbr.rel .LBB1_5-.Ltmp4, $4  }
0x54: {  	s29 =	sand.u32 $0xF, s28;
	[tilespmem:s19+$0xA50 ss:$0x21] =	vst.msk $0xffff, v61;
	s20 =	ssub.s32 s20, s23;
	s17 =	smul.u32 s18, s17  }
0x55: {  	[tilespmem:s19+$0xC60 ss:$0x21] =	vst.msk $0xffff, v62;
	s21 =	sshll.u32 s30, $0x12;
	s20 =	sshll.u32 s20, $0x4;
	s18 =	sadd.s32 s5, s29  }
0x56: {  	[tilespmem:s19+$0x0 ss:$0x21] =	vst.msk $0xffff, v63;
	s31 =	sor.u32 $0x20, s21;
	s18 =	sadd.s32 s20, s18;
	s17 =	sand.u32 $0x3FFFFFFF, s17  }
0x57: {  	[hbm4b:s18+s31] =	stream.strided.scatter [tilespmem:s16], [sflag:$0x2], s17, s8, s31, $0x10;
	[tilespmem:$0x4100] =	vst v63  }
.LBB1_6:
0x58: {  	_ =	sfence.sel $0x180000  }
0x59: {  	s2 =	simm.s32 $0x1;
	[bflag:$0x0] =	sbarrier.arrive $0xFFFF  }
0x5a: {  	s31 =	simm.s32 $0x2;
	[sflag:s2] =	ssyncpa.u1 $0x1  }
0x5b: {  	[sflag:s31] =	ssyncpa.u1 $0x1  }
0x5c: {  	p0 =	sne.s32 s1, $0x0;
	_ =	strace $0x90000047  }
0x5d: {  	s0 =	sadd.s32 @!p0 $0x100000, s0;
	[bflag:$0x2] =	sbarrier.arrive $0xFFFF  }
0x5e: {  	[sflag:s0] =	ssyncadd.tile.s32 @!p0 $0x1;
	_ =	shalt  }
.Lfunc_end1:
_tile_overlayer_lowered:
.L_overlay_start_2:
0x5f: {  	(tag) =	ssettag $0x2  }
0x60: {  	s0 =	rddreg [dreg:$0x0];
	s2 =	stileid.u32  }
0x61: {  	s1 =	rddreg [dreg:$0x1];
	p0 =	sne.s32 s2, $0x0  }
0x62: {  	s3 =	rddreg [dreg:$0x2];
	[bflag:$0x3] =	sbarrier.arrive $0xFFFF;
	s2 =	simm.s32 @!p0 $0x1C01  }
0x63: {  	[timem:s3], [sflag:s2] =	dma.local @!p0 [hbm:s0], s1  }
0x64: {  	s0 =	simm.s32 @!p0 $0x1  }
0x65: {  	_ =	swait.ge @!p0 [sflag:s0], s1  }
0x66: {  	s1 =	ssub.s32 @!p0 $0x0, s1;
	[sflag:s0] =	ssyncset.done @!p0 $0x0  }
0x67: {  	[sflag:s0] =	ssyncadd.s32 @!p0 s1  }
0x68: {  	[bflag:$0x3] =	sbarrier.arrive $0xFFFF  }
0x69: {  	_ =	shalt  }

</sc_bundles>
